<compile_context>
chip_gen: v7x
topology: tpu7x:2x2x1
jax: 0.10.2.dev20260603
libtpu: 0.0.44.dev20260713+nightly
codegen_flags: <defaults>
</compile_context>

<pallas_src>
import functools

import jax
import jax.numpy as jnp
from jax import lax
from jax.experimental import pallas as pl
from jax.experimental.pallas import tpu as pltpu
from jax.experimental.pallas import tpu_sc as plsc

G = 64
NT = 16
CH = 128
BN = 2000



def _pre_body(x_ref, lwt_ref, lb_ref, g_ref, b_ref, w0_ref, h_ref, m_ref):
    h = jnp.dot(x_ref[...], lwt_ref[...], preferred_element_type=jnp.float32)
    h = jnp.maximum(h + lb_ref[...], 0.0)
    mu = jnp.mean(h, axis=1, keepdims=True)
    var = jnp.mean((h - mu) ** 2, axis=1, keepdims=True)
    h = (h - mu) * lax.rsqrt(var + 1e-5) * g_ref[...] + b_ref[...]
    h_ref[...] = h
    m_ref[...] = jnp.dot(h, w0_ref[...], preferred_element_type=jnp.float32)


def _gru_math(h, aL, aR, wihT, bih, whhT, bhh):
    Hd = h.shape[1]
    gi = (jnp.dot(aL, wihT[:Hd // 2], preferred_element_type=jnp.float32)
          + jnp.dot(aR, wihT[Hd // 2:], preferred_element_type=jnp.float32)
          + bih)
    gh = jnp.dot(h, whhT, preferred_element_type=jnp.float32) + bhh
    i_r, i_z, i_n = gi[:, :Hd], gi[:, Hd:2 * Hd], gi[:, 2 * Hd:]
    h_r, h_z, h_n = gh[:, :Hd], gh[:, Hd:2 * Hd], gh[:, 2 * Hd:]
    r = jax.nn.sigmoid(i_r + h_r)
    z = jax.nn.sigmoid(i_z + h_z)
    n = jnp.tanh(i_n + r * h_n)
    return (1.0 - z) * n + z * h


def _step_body(h_ref, aL_ref, aR_ref, wihT_ref, bih_ref, whhT_ref, bhh_ref,
               wn_ref, h_out_ref, m_out_ref):
    h = _gru_math(h_ref[...], aL_ref[...], aR_ref[...], wihT_ref[...],
                  bih_ref[...], whhT_ref[...], bhh_ref[...])
    h_out_ref[...] = h
    m_out_ref[...] = jnp.dot(h, wn_ref[...], preferred_element_type=jnp.float32)


def _last_step_body(h_ref, aL_ref, aR_ref, wihT_ref, bih_ref, whhT_ref,
                    bhh_ref, h_out_ref):
    h_out_ref[...] = _gru_math(h_ref[...], aL_ref[...], aR_ref[...],
                               wihT_ref[...], bih_ref[...], whhT_ref[...],
                               bhh_ref[...])


def _post_body(h_ref, batch_ref, g_ref, b_ref, out_ref):
    h = h_ref[...]
    mu = jnp.mean(h, axis=1, keepdims=True)
    var = jnp.mean((h - mu) ** 2, axis=1, keepdims=True)
    h = (h - mu) * lax.rsqrt(var + 1e-5) * g_ref[...] + b_ref[...]
    gids = lax.broadcasted_iota(jnp.int32, (G, h.shape[0]), 0)
    onehot = (gids == batch_ref[...]).astype(jnp.float32)
    s = jnp.dot(onehot, h, preferred_element_type=jnp.float32)
    cnt = jnp.sum(onehot, axis=1, keepdims=True)
    out_ref[...] = s / jnp.maximum(cnt, 1.0)



NBUF = 1


def _sc_segment_sum(m2, comb, zeros_slab, n_pad, nch):
    rows_per_tile = n_pad // NT
    mesh = plsc.VectorSubcoreMesh(core_axis_name="c", subcore_axis_name="s")

    @functools.partial(
        pl.kernel,
        out_type=jax.ShapeDtypeStruct((2, n_pad, 128), jnp.float32),
        mesh=mesh,
        scratch_types=[
            pltpu.VMEM((NBUF, 2, CH), jnp.int32),
            pltpu.VMEM((NBUF, CH, 128), jnp.float32),
            pltpu.VMEM_SHARED((n_pad, 128), jnp.float32),
        ] + [pltpu.SemaphoreType.DMA] * NBUF,
    )
    def k(m2_h, comb_h, zeros_h, out_h, idx, rows, slab, *sems):
        cid = lax.axis_index("c")
        sid = lax.axis_index("s")
        r0 = sid * rows_per_tile
        pltpu.sync_copy(zeros_h.at[pl.ds(r0, rows_per_tile)],
                        slab.at[pl.ds(r0, rows_per_tile)])
        for b in range(NBUF):
            pltpu.sync_copy(comb_h.at[cid, sid, b], idx.at[b])
            pltpu.async_copy(m2_h.at[idx.at[b, 0]], rows.at[b], sems[b])
        plsc.subcore_barrier()

        def body(jo, carry):
            for b in range(NBUF):
                pltpu.make_async_copy(m2_h.at[idx.at[b, 0]], rows.at[b],
                                      sems[b]).wait()
                pltpu.sync_copy(rows.at[b], slab.at[idx.at[b, 1]], add=True)
                pltpu.sync_copy(comb_h.at[cid, sid, jo * NBUF + b + NBUF],
                                idx.at[b])
                pltpu.async_copy(m2_h.at[idx.at[b, 0]], rows.at[b], sems[b])
            return carry

        lax.fori_loop(0, nch // NBUF, body, 0)
        for b in range(NBUF):
            pltpu.make_async_copy(m2_h.at[idx.at[b, 0]], rows.at[b],
                                  sems[b]).wait()
        plsc.subcore_barrier()
        pltpu.sync_copy(slab.at[pl.ds(r0, rows_per_tile)],
                        out_h.at[cid, pl.ds(r0, rows_per_tile)])

    return k(m2, comb, zeros_slab)



def kernel(x, edge_index, batch, lin_w, lin_b, ln_g, ln_b, ggnn_w,
           gru_w_ih, gru_w_hh, gru_b_ih, gru_b_hh):
    N, in_dim = x.shape
    Hd = lin_w.shape[0]
    steps = ggnn_w.shape[0]
    E = edge_index.shape[1]

    nch_raw = (E + NT * CH - 1) // (NT * CH)
    nch = ((nch_raw + NBUF - 1) // NBUF) * NBUF
    e_pad = nch * CH * NT
    n_pad = ((N + 1 + NT * 8 - 1) // (NT * 8)) * (NT * 8)
    src = edge_index[0]
    dst = edge_index[1]
    if e_pad > E:
        src = jnp.concatenate([src, jnp.zeros((e_pad - E,), jnp.int32)])
        dst = jnp.concatenate([dst, jnp.full((e_pad - E,), N, jnp.int32)])
    src_t = src.reshape(NT, nch, CH)
    dst_t = dst.reshape(NT, nch, CH)
    src_t = jnp.concatenate(
        [src_t, jnp.zeros((NT, NBUF, CH), jnp.int32)], axis=1)
    dst_t = jnp.concatenate(
        [dst_t, jnp.full((NT, NBUF, CH), N, jnp.int32)], axis=1)
    comb = jnp.stack([
        jnp.stack([2 * src_t, dst_t], axis=2),
        jnp.stack([2 * src_t + 1, dst_t], axis=2),
    ])
    zeros_slab = jnp.zeros((n_pad, 128), jnp.float32)

    lwt = lin_w.T
    lb2 = lin_b.reshape(1, Hd)
    g2 = ln_g.reshape(1, Hd)
    b2 = ln_b.reshape(1, Hd)
    wihT = gru_w_ih.T
    whhT = gru_w_hh.T
    bih2 = gru_b_ih.reshape(1, 3 * Hd)
    bhh2 = gru_b_hh.reshape(1, 3 * Hd)
    batch2 = batch.reshape(1, N)

    grid = (N // BN,)
    row_spec = lambda w: pl.BlockSpec((BN, w), lambda i: (i, 0))
    full = lambda shp: pl.BlockSpec(shp, lambda i: tuple(0 for _ in shp))

    h, m = pl.pallas_call(
        _pre_body,
        grid=grid,
        in_specs=[row_spec(in_dim), full((in_dim, Hd)), full((1, Hd)),
                  full((1, Hd)), full((1, Hd)), full((Hd, Hd))],
        out_specs=[row_spec(Hd), row_spec(Hd)],
        out_shape=[jax.ShapeDtypeStruct((N, Hd), jnp.float32),
                   jax.ShapeDtypeStruct((N, Hd), jnp.float32)],
    )(x, lwt, lb2, g2, b2, ggnn_w[0])

    for i in range(steps):
        agg2 = _sc_segment_sum(m.reshape(2 * N, Hd // 2), comb,
                               zeros_slab, n_pad, nch)
        aL = agg2[0]
        aR = agg2[1]
        common_in = [row_spec(Hd), row_spec(Hd // 2), row_spec(Hd // 2),
                     full((Hd, 3 * Hd)), full((1, 3 * Hd)),
                     full((Hd, 3 * Hd)), full((1, 3 * Hd))]
        if i + 1 < steps:
            h, m = pl.pallas_call(
                _step_body,
                grid=grid,
                in_specs=common_in + [full((Hd, Hd))],
                out_specs=[row_spec(Hd), row_spec(Hd)],
                out_shape=[jax.ShapeDtypeStruct((N, Hd), jnp.float32),
                           jax.ShapeDtypeStruct((N, Hd), jnp.float32)],
            )(h, aL, aR, wihT, bih2, whhT, bhh2, ggnn_w[i + 1])
        else:
            h = pl.pallas_call(
                _last_step_body,
                grid=grid,
                in_specs=common_in,
                out_specs=row_spec(Hd),
                out_shape=jax.ShapeDtypeStruct((N, Hd), jnp.float32),
            )(h, aL, aR, wihT, bih2, whhT, bhh2)

    out = pl.pallas_call(
        _post_body,
        in_specs=[pl.BlockSpec((N, Hd), lambda: (0, 0)),
                  pl.BlockSpec((1, N), lambda: (0, 0)),
                  pl.BlockSpec((1, Hd), lambda: (0, 0)),
                  pl.BlockSpec((1, Hd), lambda: (0, 0))],
        out_specs=pl.BlockSpec((G, Hd), lambda: (0, 0)),
        out_shape=jax.ShapeDtypeStruct((G, Hd), jnp.float32),
    )(h, batch2, g2, b2)
    return out

# --- scband reference (transcript-rebuilt; emitter-appended) ---
"""Pipeline reference for scband-method-encoder-90555090469433 (READ-ONLY COPY).

The authoritative reference and input builder live on the scoring server;
editing this copy changes nothing except your own understanding.
"""

import jax, jax.numpy as jnp
import numpy as np

N = 10000
E = 320000
IN_DIM = 128
H = 256
STEPS = 5
G = 64


def _layernorm(v):
    mu = jnp.mean(v, axis=-1, keepdims=True)
    var = jnp.var(v, axis=-1, keepdims=True)
    return (v - mu) / jnp.sqrt(var + 1e-5)


def setup_inputs(seed: int = 0) -> dict:
    key = jax.random.key(seed)
    ks = jax.random.split(key, 12)
    x = jax.random.normal(ks[0], (N, IN_DIM), dtype=jnp.float32)
    edge_index = jax.random.randint(ks[1], (2, E), 0, N, dtype=jnp.int32)
    batch = jnp.sort(jax.random.randint(ks[2], (N,), 0, G, dtype=jnp.int32))
    lin_w = jax.random.normal(ks[3], (H, IN_DIM), dtype=jnp.float32) * (1.0 / np.sqrt(IN_DIM))
    lin_b = jnp.zeros((H,), dtype=jnp.float32)
    ln_g = jnp.ones((H,), dtype=jnp.float32)
    ln_b = jnp.zeros((H,), dtype=jnp.float32)
    ggnn_w = jax.random.normal(ks[4], (STEPS, H, H), dtype=jnp.float32) * (1.0 / np.sqrt(H))
    gru_w_ih = jax.random.normal(ks[5], (3 * H, H), dtype=jnp.float32) * (1.0 / np.sqrt(H))
    gru_w_hh = jax.random.normal(ks[6], (3 * H, H), dtype=jnp.float32) * (1.0 / np.sqrt(H))
    gru_b_ih = jnp.zeros((3 * H,), dtype=jnp.float32)
    gru_b_hh = jnp.zeros((3 * H,), dtype=jnp.float32)
    return {"x": x, "edge_index": edge_index, "batch": batch, "lin_w": lin_w, "lin_b": lin_b, "ln_g": ln_g, "ln_b": ln_b, "ggnn_w": ggnn_w, "gru_w_ih": gru_w_ih, "gru_w_hh": gru_w_hh, "gru_b_ih": gru_b_ih, "gru_b_hh": gru_b_hh}


def reference(x, edge_index, batch, lin_w, lin_b, ln_g, ln_b, ggnn_w, gru_w_ih, gru_w_hh, gru_b_ih, gru_b_hh):
    # Linear + ReLU
    h = jax.nn.relu(x @ lin_w.T + lin_b)
    # LayerNorm (dropout is identity in eval mode)
    h = _layernorm(h) * ln_g + ln_b
    src = edge_index[0]
    dst = edge_index[1]
    # GatedGraphConv: STEPS rounds of (linear -> scatter-add over edges -> GRUCell)
    for i in range(STEPS):
        m = h @ ggnn_w[i]
        agg = jax.ops.segment_sum(m[src], dst, num_segments=N)
        gi = agg @ gru_w_ih.T + gru_b_ih
        gh = h @ gru_w_hh.T + gru_b_hh
        i_r, i_z, i_n = jnp.split(gi, 3, axis=-1)
        h_r, h_z, h_n = jnp.split(gh, 3, axis=-1)
        r = jax.nn.sigmoid(i_r + h_r)
        z = jax.nn.sigmoid(i_z + h_z)
        n = jnp.tanh(i_n + r * h_n)
        h = (1.0 - z) * n + z * h
    # shared LayerNorm applied again
    h = _layernorm(h) * ln_g + ln_b
    # global_mean_pool over batch ids
    s = jax.ops.segment_sum(h, batch, num_segments=G)
    c = jax.ops.segment_sum(jnp.ones((N, 1), dtype=jnp.float32), batch, num_segments=G)
    return s / jnp.maximum(c, 1.0)

if __name__ == "__main__":
    import jax
    _d = setup_inputs()
    print(jax.jit(kernel)(*tuple(_d.values())))

</pallas_src>

<mosaic_0001>
#map = affine_map<(d0, d1) -> (0, 0)>
#map1 = affine_map<(d0, d1) -> (0, 0, 0, 0, 0)>
#map2 = affine_map<(d0, d1) -> (0, 0, 0)>
module attributes {stable_mosaic.version = 14 : i64} {
  func.func @k(%arg0: i32, %arg1: i32, %arg2: memref<20000x128xf32, #tpu.memory_space<hbm>>, %arg3: memref<2x16x158x2x128xi32, #tpu.memory_space<hbm>>, %arg4: memref<10112x128xf32, #tpu.memory_space<hbm>>, %arg5: memref<2x10112x128xf32, #tpu.memory_space<hbm>>, %arg6: memref<1x2x128xi32, #tpu.memory_space<vmem>>, %arg7: memref<1x128x128xf32, #tpu.memory_space<vmem>>, %arg8: memref<10112x128xf32, #tpu.memory_space<vmem_shared>>, %arg9: memref<!tpu.dma_semaphore, #tpu.memory_space<semaphore_mem>>) attributes {dimension_semantics = [#tpu.dimension_semantics<core_parallel>, #tpu.dimension_semantics<subcore_parallel>], iteration_bounds = array<i64: 2, 16>, scalar_prefetch = 0 : i64, scratch_operands = 4 : i64, tpu.core_type = #tpu.core_type<sc_vector_subcore>, window_params = [{transform_indices = #map}, {transform_indices = #map1}, {transform_indices = #map}, {transform_indices = #map2}]} {
    %mul3A = arith.constant 632 : i32
    %mul3A_0 = arith.muli %arg1, %mul3A : i32
    "tpu.region"() ({
      %run_scoped3A_32 = tpu.sem_alloc : memref<!tpu.dma_semaphore, #tpu.memory_space<semaphore_mem>>
      %dma_start3A_33 = arith.constant 0 : i32
      %dma_start3A_34 = tpu.memref_slice %arg8[%mul3A_0, %dma_start3A_33] : memref<10112x128xf32, #tpu.memory_space<vmem_shared>> -> memref<632x128xf32, #tpu.memory_space<vmem_shared>>
      %dma_start3A_35 = arith.constant 0 : i32
      %dma_start3A_36 = tpu.memref_slice %arg4[%mul3A_0, %dma_start3A_35] : memref<10112x128xf32, #tpu.memory_space<hbm>> -> memref<632x128xf32, #tpu.memory_space<hbm>>
      tpu.enqueue_dma source(%dma_start3A_36 : memref<632x128xf32, #tpu.memory_space<hbm>>) target(%dma_start3A_34 : memref<632x128xf32, #tpu.memory_space<vmem_shared>>) target_semaphore(%run_scoped3A_32 : memref<!tpu.dma_semaphore, #tpu.memory_space<semaphore_mem>>)
      %dma_wait3A_37 = arith.constant 0 : i32
      %dma_wait3A_38 = tpu.memref_slice %arg8[%mul3A_0, %dma_wait3A_37] : memref<10112x128xf32, #tpu.memory_space<vmem_shared>> -> memref<632x128xf32, #tpu.memory_space<vmem_shared>>
      %dma_wait3A_39 = arith.constant 0 : i32
      %dma_wait3A_40 = tpu.memref_slice %arg4[%mul3A_0, %dma_wait3A_39] : memref<10112x128xf32, #tpu.memory_space<hbm>> -> memref<632x128xf32, #tpu.memory_space<hbm>>
      tpu.wait_dma2 semaphore(%run_scoped3A_32 : memref<!tpu.dma_semaphore, #tpu.memory_space<semaphore_mem>>) src(%dma_wait3A_40 : memref<632x128xf32, #tpu.memory_space<hbm>>) dst(%dma_wait3A_38 : memref<632x128xf32, #tpu.memory_space<vmem_shared>>)
      tpu.yield
    }) : () -> ()
    %run_scoped3A = arith.constant 0 : i32
    %run_scoped3A_1 = arith.constant 0 : i32
    "tpu.region"() ({
      %run_scoped3A_32 = tpu.sem_alloc : memref<!tpu.dma_semaphore, #tpu.memory_space<semaphore_mem>>
      %dma_start3A_33 = arith.constant 0 : i32
      %dma_start3A_34 = arith.constant 0 : i32
      %dma_start3A_35 = tpu.memref_slice %arg6[%run_scoped3A_1, %dma_start3A_33, %dma_start3A_34] : memref<1x2x128xi32, #tpu.memory_space<vmem>> -> memref<1x2x128xi32, #tpu.memory_space<vmem>>
      %dma_start3A_36 = tpu.memref_squeeze %dma_start3A_35 : memref<1x2x128xi32, #tpu.memory_space<vmem>> -> memref<2x128xi32, #tpu.memory_space<vmem>>
      %dma_start3A_37 = arith.constant 0 : i32
      %dma_start3A_38 = arith.constant 0 : i32
      %dma_start3A_39 = tpu.memref_slice %arg3[%arg0, %arg1, %run_scoped3A, %dma_start3A_37, %dma_start3A_38] : memref<2x16x158x2x128xi32, #tpu.memory_space<hbm>> -> memref<1x1x1x2x128xi32, #tpu.memory_space<hbm>>
      %dma_start3A_40 = tpu.memref_squeeze %dma_start3A_39 : memref<1x1x1x2x128xi32, #tpu.memory_space<hbm>> -> memref<2x128xi32, #tpu.memory_space<hbm>>
      %dma_start3A_41 = arith.constant 0 : i32
      %dma_start3A_42 = arith.constant 0 : i32
      %dma_start3A_43 = tpu.memref_slice %arg6[%run_scoped3A_1, %dma_start3A_41, %dma_start3A_42] : memref<1x2x128xi32, #tpu.memory_space<vmem>> -> memref<1x2x128xi32, #tpu.memory_space<vmem>>
      %dma_start3A_44 = tpu.memref_squeeze %dma_start3A_43 : memref<1x2x128xi32, #tpu.memory_space<vmem>> -> memref<2x128xi32, #tpu.memory_space<vmem>>
      %dma_start3A_45 = arith.constant 0 : i32
      %dma_start3A_46 = arith.constant 0 : i32
      %dma_start3A_47 = tpu.memref_slice %arg3[%arg0, %arg1, %run_scoped3A, %dma_start3A_45, %dma_start3A_46] : memref<2x16x158x2x128xi32, #tpu.memory_space<hbm>> -> memref<1x1x1x2x128xi32, #tpu.memory_space<hbm>>
      %dma_start3A_48 = tpu.memref_squeeze %dma_start3A_47 : memref<1x1x1x2x128xi32, #tpu.memory_space<hbm>> -> memref<2x128xi32, #tpu.memory_space<hbm>>
      tpu.enqueue_dma source(%dma_start3A_48 : memref<2x128xi32, #tpu.memory_space<hbm>>) target(%dma_start3A_44 : memref<2x128xi32, #tpu.memory_space<vmem>>) target_semaphore(%run_scoped3A_32 : memref<!tpu.dma_semaphore, #tpu.memory_space<semaphore_mem>>)
      %dma_wait3A_49 = arith.constant 0 : i32
      %dma_wait3A_50 = arith.constant 0 : i32
      %dma_wait3A_51 = tpu.memref_slice %arg6[%run_scoped3A_1, %dma_wait3A_49, %dma_wait3A_50] : memref<1x2x128xi32, #tpu.memory_space<vmem>> -> memref<1x2x128xi32, #tpu.memory_space<vmem>>
      %dma_wait3A_52 = tpu.memref_squeeze %dma_wait3A_51 : memref<1x2x128xi32, #tpu.memory_space<vmem>> -> memref<2x128xi32, #tpu.memory_space<vmem>>
      %dma_wait3A_53 = arith.constant 0 : i32
      %dma_wait3A_54 = arith.constant 0 : i32
      %dma_wait3A_55 = tpu.memref_slice %arg3[%arg0, %arg1, %run_scoped3A, %dma_wait3A_53, %dma_wait3A_54] : memref<2x16x158x2x128xi32, #tpu.memory_space<hbm>> -> memref<1x1x1x2x128xi32, #tpu.memory_space<hbm>>
      %dma_wait3A_56 = tpu.memref_squeeze %dma_wait3A_55 : memref<1x1x1x2x128xi32, #tpu.memory_space<hbm>> -> memref<2x128xi32, #tpu.memory_space<hbm>>
      %dma_wait3A_57 = arith.constant 0 : i32
      %dma_wait3A_58 = arith.constant 0 : i32
      %dma_wait3A_59 = tpu.memref_slice %arg6[%run_scoped3A_1, %dma_wait3A_57, %dma_wait3A_58] : memref<1x2x128xi32, #tpu.memory_space<vmem>> -> memref<1x2x128xi32, #tpu.memory_space<vmem>>
      %dma_wait3A_60 = tpu.memref_squeeze %dma_wait3A_59 : memref<1x2x128xi32, #tpu.memory_space<vmem>> -> memref<2x128xi32, #tpu.memory_space<vmem>>
      %dma_wait3A_61 = arith.constant 0 : i32
      %dma_wait3A_62 = arith.constant 0 : i32
      %dma_wait3A_63 = tpu.memref_slice %arg3[%arg0, %arg1, %run_scoped3A, %dma_wait3A_61, %dma_wait3A_62] : memref<2x16x158x2x128xi32, #tpu.memory_space<hbm>> -> memref<1x1x1x2x128xi32, #tpu.memory_space<hbm>>
      %dma_wait3A_64 = tpu.memref_squeeze %dma_wait3A_63 : memref<1x1x1x2x128xi32, #tpu.memory_space<hbm>> -> memref<2x128xi32, #tpu.memory_space<hbm>>
      tpu.wait_dma2 semaphore(%run_scoped3A_32 : memref<!tpu.dma_semaphore, #tpu.memory_space<semaphore_mem>>) src(%dma_wait3A_64 : memref<2x128xi32, #tpu.memory_space<hbm>>) dst(%dma_wait3A_60 : memref<2x128xi32, #tpu.memory_space<vmem>>)
      tpu.yield
    }) : () -> ()
    %dma_start3A = arith.constant 0 : i32
    %dma_start3A_2 = arith.constant 0 : i32
    %dma_start3A_3 = arith.constant 0 : i32
    %dma_start3A_4 = arith.constant 0 : i32
    %dma_start3A_5 = arith.constant 0 : i32
    %dma_start3A_6 = tpu.memref_slice %arg7[%dma_start3A_3, %dma_start3A_4, %dma_start3A_5] : memref<1x128x128xf32, #tpu.memory_space<vmem>> -> memref<1x128x128xf32, #tpu.memory_space<vmem>>
    %dma_start3A_7 = tpu.memref_squeeze %dma_start3A_6 : memref<1x128x128xf32, #tpu.memory_space<vmem>> -> memref<128x128xf32, #tpu.memory_space<vmem>>
    %dma_start3A_8 = arith.constant 0 : i32
    %dma_start3A_9 = tpu.memref_slice %arg6[%dma_start3A, %dma_start3A_2, %dma_start3A_8] : memref<1x2x128xi32, #tpu.memory_space<vmem>> -> memref<1x1x128xi32, #tpu.memory_space<vmem>>
    %dma_start3A_10 = tpu.memref_squeeze %dma_start3A_9 : memref<1x1x128xi32, #tpu.memory_space<vmem>> -> memref<128xi32, #tpu.memory_space<vmem>>
    %dma_start3A_11 = arith.constant 0 : i32
    %dma_start3A_12 = arith.constant 0 : i32
    %dma_start3A_13 = tpu.memref_slice %arg2[%dma_start3A_11, %dma_start3A_12] : memref<20000x128xf32, #tpu.memory_space<hbm>> -> memref<20000x128xf32, #tpu.memory_space<hbm>>
    tpu.enqueue_indirect_dma source(%dma_start3A_13 : memref<20000x128xf32, #tpu.memory_space<hbm>>) target(%dma_start3A_7 : memref<128x128xf32, #tpu.memory_space<vmem>>) offsets(%dma_start3A_10 : memref<128xi32, #tpu.memory_space<vmem>>) semaphore(%arg9 : memref<!tpu.dma_semaphore, #tpu.memory_space<semaphore_mem>>)
    %barrier3A = arith.constant 0 : index
    tpu.barrier barrier_id(%barrier3A)
    %scan3A = arith.constant 0 : i32
    %scan3A_14 = arith.constant 0 : i32
    %scan3A_15 = arith.constant 157 : i32
    %scan3A_16 = arith.addi %scan3A_14, %scan3A_15 : i32
    %scan3A_17 = arith.constant 1 : i32
    scf.for %scan3A_32 = %scan3A_14 to %scan3A_16 step %scan3A_17  : i32 {
      %dma_wait3A_33 = arith.constant 0 : i32
      %dma_wait3A_34 = arith.constant 0 : i32
      %dma_wait3A_35 = arith.constant 0 : i32
      %dma_wait3A_36 = arith.constant 0 : i32
      %dma_wait3A_37 = arith.constant 0 : i32
      %dma_wait3A_38 = tpu.memref_slice %arg7[%dma_wait3A_35, %dma_wait3A_36, %dma_wait3A_37] : memref<1x128x128xf32, #tpu.memory_space<vmem>> -> memref<1x128x128xf32, #tpu.memory_space<vmem>>
      %dma_wait3A_39 = tpu.memref_squeeze %dma_wait3A_38 : memref<1x128x128xf32, #tpu.memory_space<vmem>> -> memref<128x128xf32, #tpu.memory_space<vmem>>
      %dma_wait3A_40 = arith.constant 0 : i32
      %dma_wait3A_41 = tpu.memref_slice %arg6[%dma_wait3A_33, %dma_wait3A_34, %dma_wait3A_40] : memref<1x2x128xi32, #tpu.memory_space<vmem>> -> memref<1x1x128xi32, #tpu.memory_space<vmem>>
      %dma_wait3A_42 = tpu.memref_squeeze %dma_wait3A_41 : memref<1x1x128xi32, #tpu.memory_space<vmem>> -> memref<128xi32, #tpu.memory_space<vmem>>
      %dma_wait3A_43 = arith.constant 0 : i32
      %dma_wait3A_44 = arith.constant 0 : i32
      %dma_wait3A_45 = tpu.memref_slice %arg2[%dma_wait3A_43, %dma_wait3A_44] : memref<20000x128xf32, #tpu.memory_space<hbm>> -> memref<20000x128xf32, #tpu.memory_space<hbm>>
      tpu.wait_indirect_dma semaphore(%arg9 : memref<!tpu.dma_semaphore, #tpu.memory_space<semaphore_mem>>) src(%dma_wait3A_45 : memref<20000x128xf32, #tpu.memory_space<hbm>>) dst(%dma_wait3A_39 : memref<128x128xf32, #tpu.memory_space<vmem>>)
      %run_scoped3A_46 = arith.constant 0 : i32
      %run_scoped3A_47 = arith.constant 0 : i32
      %run_scoped3A_48 = arith.constant 1 : i32
      "tpu.region"() ({
        %run_scoped3A_68 = tpu.sem_alloc : memref<!tpu.dma_semaphore, #tpu.memory_space<semaphore_mem>>
        %dma_start3A_69 = arith.constant 0 : i32
        %dma_start3A_70 = arith.constant 0 : i32
        %dma_start3A_71 = tpu.memref_slice %arg7[%run_scoped3A_46, %dma_start3A_69, %dma_start3A_70] : memref<1x128x128xf32, #tpu.memory_space<vmem>> -> memref<1x128x128xf32, #tpu.memory_space<vmem>>
        %dma_start3A_72 = tpu.memref_squeeze %dma_start3A_71 : memref<1x128x128xf32, #tpu.memory_space<vmem>> -> memref<128x128xf32, #tpu.memory_space<vmem>>
        %dma_start3A_73 = arith.constant 0 : i32
        %dma_start3A_74 = tpu.memref_slice %arg6[%run_scoped3A_47, %run_scoped3A_48, %dma_start3A_73] : memref<1x2x128xi32, #tpu.memory_space<vmem>> -> memref<1x1x128xi32, #tpu.memory_space<vmem>>
        %dma_start3A_75 = tpu.memref_squeeze %dma_start3A_74 : memref<1x1x128xi32, #tpu.memory_space<vmem>> -> memref<128xi32, #tpu.memory_space<vmem>>
        %dma_start3A_76 = arith.constant 0 : i32
        %dma_start3A_77 = arith.constant 0 : i32
        %dma_start3A_78 = tpu.memref_slice %arg8[%dma_start3A_76, %dma_start3A_77] : memref<10112x128xf32, #tpu.memory_space<vmem_shared>> -> memref<10112x128xf32, #tpu.memory_space<vmem_shared>>
        tpu.enqueue_indirect_dma source(%dma_start3A_72 : memref<128x128xf32, #tpu.memory_space<vmem>>) target(%dma_start3A_78 : memref<10112x128xf32, #tpu.memory_space<vmem_shared>>) offsets(%dma_start3A_75 : memref<128xi32, #tpu.memory_space<vmem>>) semaphore(%run_scoped3A_68 : memref<!tpu.dma_semaphore, #tpu.memory_space<semaphore_mem>>) {add = true}
        %dma_wait3A_79 = arith.constant 0 : i32
        %dma_wait3A_80 = arith.constant 0 : i32
        %dma_wait3A_81 = tpu.memref_slice %arg7[%run_scoped3A_46, %dma_wait3A_79, %dma_wait3A_80] : memref<1x128x128xf32, #tpu.memory_space<vmem>> -> memref<1x128x128xf32, #tpu.memory_space<vmem>>
        %dma_wait3A_82 = tpu.memref_squeeze %dma_wait3A_81 : memref<1x128x128xf32, #tpu.memory_space<vmem>> -> memref<128x128xf32, #tpu.memory_space<vmem>>
        %dma_wait3A_83 = arith.constant 0 : i32
        %dma_wait3A_84 = tpu.memref_slice %arg6[%run_scoped3A_47, %run_scoped3A_48, %dma_wait3A_83] : memref<1x2x128xi32, #tpu.memory_space<vmem>> -> memref<1x1x128xi32, #tpu.memory_space<vmem>>
        %dma_wait3A_85 = tpu.memref_squeeze %dma_wait3A_84 : memref<1x1x128xi32, #tpu.memory_space<vmem>> -> memref<128xi32, #tpu.memory_space<vmem>>
        %dma_wait3A_86 = arith.constant 0 : i32
        %dma_wait3A_87 = arith.constant 0 : i32
        %dma_wait3A_88 = tpu.memref_slice %arg8[%dma_wait3A_86, %dma_wait3A_87] : memref<10112x128xf32, #tpu.memory_space<vmem_shared>> -> memref<10112x128xf32, #tpu.memory_space<vmem_shared>>
        tpu.wait_indirect_dma semaphore(%run_scoped3A_68 : memref<!tpu.dma_semaphore, #tpu.memory_space<semaphore_mem>>) src(%dma_wait3A_82 : memref<128x128xf32, #tpu.memory_space<vmem>>) dst(%dma_wait3A_88 : memref<10112x128xf32, #tpu.memory_space<vmem_shared>>)
        tpu.yield
      }) : () -> ()
      %mul3A_49 = arith.constant 1 : i32
      %mul3A_50 = arith.muli %scan3A_32, %mul3A_49 : i32
      %add3A = arith.constant 0 : i32
      %add3A_51 = arith.addi %mul3A_50, %add3A : i32
      %add3A_52 = arith.constant 1 : i32
      %add3A_53 = arith.addi %add3A_51, %add3A_52 : i32
      %run_scoped3A_54 = arith.constant 0 : i32
      "tpu.region"() ({
        %run_scoped3A_68 = tpu.sem_alloc : memref<!tpu.dma_semaphore, #tpu.memory_space<semaphore_mem>>
        %dma_start3A_69 = arith.constant 0 : i32
        %dma_start3A_70 = arith.constant 0 : i32
        %dma_start3A_71 = tpu.memref_slice %arg6[%run_scoped3A_54, %dma_start3A_69, %dma_start3A_70] : memref<1x2x128xi32, #tpu.memory_space<vmem>> -> memref<1x2x128xi32, #tpu.memory_space<vmem>>
        %dma_start3A_72 = tpu.memref_squeeze %dma_start3A_71 : memref<1x2x128xi32, #tpu.memory_space<vmem>> -> memref<2x128xi32, #tpu.memory_space<vmem>>
        %dma_start3A_73 = arith.constant 0 : i32
        %dma_start3A_74 = arith.constant 0 : i32
        %dma_start3A_75 = tpu.memref_slice %arg3[%arg0, %arg1, %add3A_53, %dma_start3A_73, %dma_start3A_74] : memref<2x16x158x2x128xi32, #tpu.memory_space<hbm>> -> memref<1x1x1x2x128xi32, #tpu.memory_space<hbm>>
        %dma_start3A_76 = tpu.memref_squeeze %dma_start3A_75 : memref<1x1x1x2x128xi32, #tpu.memory_space<hbm>> -> memref<2x128xi32, #tpu.memory_space<hbm>>
        %dma_start3A_77 = arith.constant 0 : i32
        %dma_start3A_78 = arith.constant 0 : i32
        %dma_start3A_79 = tpu.memref_slice %arg6[%run_scoped3A_54, %dma_start3A_77, %dma_start3A_78] : memref<1x2x128xi32, #tpu.memory_space<vmem>> -> memref<1x2x128xi32, #tpu.memory_space<vmem>>
        %dma_start3A_80 = tpu.memref_squeeze %dma_start3A_79 : memref<1x2x128xi32, #tpu.memory_space<vmem>> -> memref<2x128xi32, #tpu.memory_space<vmem>>
        %dma_start3A_81 = arith.constant 0 : i32
        %dma_start3A_82 = arith.constant 0 : i32
        %dma_start3A_83 = tpu.memref_slice %arg3[%arg0, %arg1, %add3A_53, %dma_start3A_81, %dma_start3A_82] : memref<2x16x158x2x128xi32, #tpu.memory_space<hbm>> -> memref<1x1x1x2x128xi32, #tpu.memory_space<hbm>>
        %dma_start3A_84 = tpu.memref_squeeze %dma_start3A_83 : memref<1x1x1x2x128xi32, #tpu.memory_space<hbm>> -> memref<2x128xi32, #tpu.memory_space<hbm>>
        tpu.enqueue_dma source(%dma_start3A_84 : memref<2x128xi32, #tpu.memory_space<hbm>>) target(%dma_start3A_80 : memref<2x128xi32, #tpu.memory_space<vmem>>) target_semaphore(%run_scoped3A_68 : memref<!tpu.dma_semaphore, #tpu.memory_space<semaphore_mem>>)
        %dma_wait3A_85 = arith.constant 0 : i32
        %dma_wait3A_86 = arith.constant 0 : i32
        %dma_wait3A_87 = tpu.memref_slice %arg6[%run_scoped3A_54, %dma_wait3A_85, %dma_wait3A_86] : memref<1x2x128xi32, #tpu.memory_space<vmem>> -> memref<1x2x128xi32, #tpu.memory_space<vmem>>
        %dma_wait3A_88 = tpu.memref_squeeze %dma_wait3A_87 : memref<1x2x128xi32, #tpu.memory_space<vmem>> -> memref<2x128xi32, #tpu.memory_space<vmem>>
        %dma_wait3A_89 = arith.constant 0 : i32
        %dma_wait3A_90 = arith.constant 0 : i32
        %dma_wait3A_91 = tpu.memref_slice %arg3[%arg0, %arg1, %add3A_53, %dma_wait3A_89, %dma_wait3A_90] : memref<2x16x158x2x128xi32, #tpu.memory_space<hbm>> -> memref<1x1x1x2x128xi32, #tpu.memory_space<hbm>>
        %dma_wait3A_92 = tpu.memref_squeeze %dma_wait3A_91 : memref<1x1x1x2x128xi32, #tpu.memory_space<hbm>> -> memref<2x128xi32, #tpu.memory_space<hbm>>
        %dma_wait3A_93 = arith.constant 0 : i32
        %dma_wait3A_94 = arith.constant 0 : i32
        %dma_wait3A_95 = tpu.memref_slice %arg6[%run_scoped3A_54, %dma_wait3A_93, %dma_wait3A_94] : memref<1x2x128xi32, #tpu.memory_space<vmem>> -> memref<1x2x128xi32, #tpu.memory_space<vmem>>
        %dma_wait3A_96 = tpu.memref_squeeze %dma_wait3A_95 : memref<1x2x128xi32, #tpu.memory_space<vmem>> -> memref<2x128xi32, #tpu.memory_space<vmem>>
        %dma_wait3A_97 = arith.constant 0 : i32
        %dma_wait3A_98 = arith.constant 0 : i32
        %dma_wait3A_99 = tpu.memref_slice %arg3[%arg0, %arg1, %add3A_53, %dma_wait3A_97, %dma_wait3A_98] : memref<2x16x158x2x128xi32, #tpu.memory_space<hbm>> -> memref<1x1x1x2x128xi32, #tpu.memory_space<hbm>>
        %dma_wait3A_100 = tpu.memref_squeeze %dma_wait3A_99 : memref<1x1x1x2x128xi32, #tpu.memory_space<hbm>> -> memref<2x128xi32, #tpu.memory_space<hbm>>
        tpu.wait_dma2 semaphore(%run_scoped3A_68 : memref<!tpu.dma_semaphore, #tpu.memory_space<semaphore_mem>>) src(%dma_wait3A_100 : memref<2x128xi32, #tpu.memory_space<hbm>>) dst(%dma_wait3A_96 : memref<2x128xi32, #tpu.memory_space<vmem>>)
        tpu.yield
      }) : () -> ()
      %dma_start3A_55 = arith.constant 0 : i32
      %dma_start3A_56 = arith.constant 0 : i32
      %dma_start3A_57 = arith.constant 0 : i32
      %dma_start3A_58 = arith.constant 0 : i32
      %dma_start3A_59 = arith.constant 0 : i32
      %dma_start3A_60 = tpu.memref_slice %arg7[%dma_start3A_57, %dma_start3A_58, %dma_start3A_59] : memref<1x128x128xf32, #tpu.memory_space<vmem>> -> memref<1x128x128xf32, #tpu.memory_space<vmem>>
      %dma_start3A_61 = tpu.memref_squeeze %dma_start3A_60 : memref<1x128x128xf32, #tpu.memory_space<vmem>> -> memref<128x128xf32, #tpu.memory_space<vmem>>
      %dma_start3A_62 = arith.constant 0 : i32
      %dma_start3A_63 = tpu.memref_slice %arg6[%dma_start3A_55, %dma_start3A_56, %dma_start3A_62] : memref<1x2x128xi32, #tpu.memory_space<vmem>> -> memref<1x1x128xi32, #tpu.memory_space<vmem>>
      %dma_start3A_64 = tpu.memref_squeeze %dma_start3A_63 : memref<1x1x128xi32, #tpu.memory_space<vmem>> -> memref<128xi32, #tpu.memory_space<vmem>>
      %dma_start3A_65 = arith.constant 0 : i32
      %dma_start3A_66 = arith.constant 0 : i32
      %dma_start3A_67 = tpu.memref_slice %arg2[%dma_start3A_65, %dma_start3A_66] : memref<20000x128xf32, #tpu.memory_space<hbm>> -> memref<20000x128xf32, #tpu.memory_space<hbm>>
      tpu.enqueue_indirect_dma source(%dma_start3A_67 : memref<20000x128xf32, #tpu.memory_space<hbm>>) target(%dma_start3A_61 : memref<128x128xf32, #tpu.memory_space<vmem>>) offsets(%dma_start3A_64 : memref<128xi32, #tpu.memory_space<vmem>>) semaphore(%arg9 : memref<!tpu.dma_semaphore, #tpu.memory_space<semaphore_mem>>)
    }
    %scan3A_18 = arith.constant 157 : i32
    %dma_wait3A = arith.constant 0 : i32
    %dma_wait3A_19 = arith.constant 0 : i32
    %dma_wait3A_20 = arith.constant 0 : i32
    %dma_wait3A_21 = arith.constant 0 : i32
    %dma_wait3A_22 = arith.constant 0 : i32
    %dma_wait3A_23 = tpu.memref_slice %arg7[%dma_wait3A_20, %dma_wait3A_21, %dma_wait3A_22] : memref<1x128x128xf32, #tpu.memory_space<vmem>> -> memref<1x128x128xf32, #tpu.memory_space<vmem>>
    %dma_wait3A_24 = tpu.memref_squeeze %dma_wait3A_23 : memref<1x128x128xf32, #tpu.memory_space<vmem>> -> memref<128x128xf32, #tpu.memory_space<vmem>>
    %dma_wait3A_25 = arith.constant 0 : i32
    %dma_wait3A_26 = tpu.memref_slice %arg6[%dma_wait3A, %dma_wait3A_19, %dma_wait3A_25] : memref<1x2x128xi32, #tpu.memory_space<vmem>> -> memref<1x1x128xi32, #tpu.memory_space<vmem>>
    %dma_wait3A_27 = tpu.memref_squeeze %dma_wait3A_26 : memref<1x1x128xi32, #tpu.memory_space<vmem>> -> memref<128xi32, #tpu.memory_space<vmem>>
    %dma_wait3A_28 = arith.constant 0 : i32
    %dma_wait3A_29 = arith.constant 0 : i32
    %dma_wait3A_30 = tpu.memref_slice %arg2[%dma_wait3A_28, %dma_wait3A_29] : memref<20000x128xf32, #tpu.memory_space<hbm>> -> memref<20000x128xf32, #tpu.memory_space<hbm>>
    tpu.wait_indirect_dma semaphore(%arg9 : memref<!tpu.dma_semaphore, #tpu.memory_space<semaphore_mem>>) src(%dma_wait3A_30 : memref<20000x128xf32, #tpu.memory_space<hbm>>) dst(%dma_wait3A_24 : memref<128x128xf32, #tpu.memory_space<vmem>>)
    %barrier3A_31 = arith.constant 0 : index
    tpu.barrier barrier_id(%barrier3A_31)
    "tpu.region"() ({
      %run_scoped3A_32 = tpu.sem_alloc : memref<!tpu.dma_semaphore, #tpu.memory_space<semaphore_mem>>
      %dma_start3A_33 = arith.constant 0 : i32
      %dma_start3A_34 = tpu.memref_slice %arg5[%arg0, %mul3A_0, %dma_start3A_33] : memref<2x10112x128xf32, #tpu.memory_space<hbm>> -> memref<1x632x128xf32, #tpu.memory_space<hbm>>
      %dma_start3A_35 = tpu.memref_squeeze %dma_start3A_34 : memref<1x632x128xf32, #tpu.memory_space<hbm>> -> memref<632x128xf32, #tpu.memory_space<hbm>>
      %dma_start3A_36 = arith.constant 0 : i32
      %dma_start3A_37 = tpu.memref_slice %arg8[%mul3A_0, %dma_start3A_36] : memref<10112x128xf32, #tpu.memory_space<vmem_shared>> -> memref<632x128xf32, #tpu.memory_space<vmem_shared>>
      tpu.enqueue_dma source(%dma_start3A_37 : memref<632x128xf32, #tpu.memory_space<vmem_shared>>) target(%dma_start3A_35 : memref<632x128xf32, #tpu.memory_space<hbm>>) target_semaphore(%run_scoped3A_32 : memref<!tpu.dma_semaphore, #tpu.memory_space<semaphore_mem>>)
      %dma_wait3A_38 = arith.constant 0 : i32
      %dma_wait3A_39 = tpu.memref_slice %arg5[%arg0, %mul3A_0, %dma_wait3A_38] : memref<2x10112x128xf32, #tpu.memory_space<hbm>> -> memref<1x632x128xf32, #tpu.memory_space<hbm>>
      %dma_wait3A_40 = tpu.memref_squeeze %dma_wait3A_39 : memref<1x632x128xf32, #tpu.memory_space<hbm>> -> memref<632x128xf32, #tpu.memory_space<hbm>>
      %dma_wait3A_41 = arith.constant 0 : i32
      %dma_wait3A_42 = tpu.memref_slice %arg8[%mul3A_0, %dma_wait3A_41] : memref<10112x128xf32, #tpu.memory_space<vmem_shared>> -> memref<632x128xf32, #tpu.memory_space<vmem_shared>>
      tpu.wait_dma2 semaphore(%run_scoped3A_32 : memref<!tpu.dma_semaphore, #tpu.memory_space<semaphore_mem>>) src(%dma_wait3A_42 : memref<632x128xf32, #tpu.memory_space<vmem_shared>>) dst(%dma_wait3A_40 : memref<632x128xf32, #tpu.memory_space<hbm>>)
      tpu.yield
    }) : () -> ()
    return
  }
}

#map = affine_map<(d0, d1) -> (0, 0)>
#map1 = affine_map<(d0, d1) -> (0, 0, 0, 0, 0)>
#map2 = affine_map<(d0, d1) -> (0, 0, 0)>
module attributes {stable_mosaic.version = 14 : i64} {
  func.func @k(%arg0: i32, %arg1: i32, %arg2: memref<20000x128xf32, #tpu.memory_space<hbm>>, %arg3: memref<2x16x158x2x128xi32, #tpu.memory_space<hbm>>, %arg4: memref<10112x128xf32, #tpu.memory_space<hbm>>, %arg5: memref<2x10112x128xf32, #tpu.memory_space<hbm>>, %arg6: memref<1x2x128xi32, #tpu.memory_space<vmem>>, %arg7: memref<1x128x128xf32, #tpu.memory_space<vmem>>, %arg8: memref<10112x128xf32, #tpu.memory_space<vmem_shared>>, %arg9: memref<!tpu.dma_semaphore, #tpu.memory_space<semaphore_mem>>) attributes {dimension_semantics = [#tpu.dimension_semantics<core_parallel>, #tpu.dimension_semantics<subcore_parallel>], iteration_bounds = array<i64: 2, 16>, scalar_prefetch = 0 : i64, scratch_operands = 4 : i64, tpu.core_type = #tpu.core_type<sc_vector_subcore>, window_params = [{transform_indices = #map}, {transform_indices = #map1}, {transform_indices = #map}, {transform_indices = #map2}]} {
    %mul3A = arith.constant 632 : i32
    %mul3A_0 = arith.muli %arg1, %mul3A : i32
    "tpu.region"() ({
      %run_scoped3A_32 = tpu.sem_alloc : memref<!tpu.dma_semaphore, #tpu.memory_space<semaphore_mem>>
      %dma_start3A_33 = arith.constant 0 : i32
      %dma_start3A_34 = tpu.memref_slice %arg8[%mul3A_0, %dma_start3A_33] : memref<10112x128xf32, #tpu.memory_space<vmem_shared>> -> memref<632x128xf32, #tpu.memory_space<vmem_shared>>
      %dma_start3A_35 = arith.constant 0 : i32
      %dma_start3A_36 = tpu.memref_slice %arg4[%mul3A_0, %dma_start3A_35] : memref<10112x128xf32, #tpu.memory_space<hbm>> -> memref<632x128xf32, #tpu.memory_space<hbm>>
      tpu.enqueue_dma source(%dma_start3A_36 : memref<632x128xf32, #tpu.memory_space<hbm>>) target(%dma_start3A_34 : memref<632x128xf32, #tpu.memory_space<vmem_shared>>) target_semaphore(%run_scoped3A_32 : memref<!tpu.dma_semaphore, #tpu.memory_space<semaphore_mem>>)
      %dma_wait3A_37 = arith.constant 0 : i32
      %dma_wait3A_38 = tpu.memref_slice %arg8[%mul3A_0, %dma_wait3A_37] : memref<10112x128xf32, #tpu.memory_space<vmem_shared>> -> memref<632x128xf32, #tpu.memory_space<vmem_shared>>
      %dma_wait3A_39 = arith.constant 0 : i32
      %dma_wait3A_40 = tpu.memref_slice %arg4[%mul3A_0, %dma_wait3A_39] : memref<10112x128xf32, #tpu.memory_space<hbm>> -> memref<632x128xf32, #tpu.memory_space<hbm>>
      tpu.wait_dma2 semaphore(%run_scoped3A_32 : memref<!tpu.dma_semaphore, #tpu.memory_space<semaphore_mem>>) src(%dma_wait3A_40 : memref<632x128xf32, #tpu.memory_space<hbm>>) dst(%dma_wait3A_38 : memref<632x128xf32, #tpu.memory_space<vmem_shared>>)
      tpu.yield
    }) : () -> ()
    %run_scoped3A = arith.constant 0 : i32
    %run_scoped3A_1 = arith.constant 0 : i32
    "tpu.region"() ({
      %run_scoped3A_32 = tpu.sem_alloc : memref<!tpu.dma_semaphore, #tpu.memory_space<semaphore_mem>>
      %dma_start3A_33 = arith.constant 0 : i32
      %dma_start3A_34 = arith.constant 0 : i32
      %dma_start3A_35 = tpu.memref_slice %arg6[%run_scoped3A_1, %dma_start3A_33, %dma_start3A_34] : memref<1x2x128xi32, #tpu.memory_space<vmem>> -> memref<1x2x128xi32, #tpu.memory_space<vmem>>
      %dma_start3A_36 = tpu.memref_squeeze %dma_start3A_35 : memref<1x2x128xi32, #tpu.memory_space<vmem>> -> memref<2x128xi32, #tpu.memory_space<vmem>>
      %dma_start3A_37 = arith.constant 0 : i32
      %dma_start3A_38 = arith.constant 0 : i32
      %dma_start3A_39 = tpu.memref_slice %arg3[%arg0, %arg1, %run_scoped3A, %dma_start3A_37, %dma_start3A_38] : memref<2x16x158x2x128xi32, #tpu.memory_space<hbm>> -> memref<1x1x1x2x128xi32, #tpu.memory_space<hbm>>
      %dma_start3A_40 = tpu.memref_squeeze %dma_start3A_39 : memref<1x1x1x2x128xi32, #tpu.memory_space<hbm>> -> memref<2x128xi32, #tpu.memory_space<hbm>>
      %dma_start3A_41 = arith.constant 0 : i32
      %dma_start3A_42 = arith.constant 0 : i32
      %dma_start3A_43 = tpu.memref_slice %arg6[%run_scoped3A_1, %dma_start3A_41, %dma_start3A_42] : memref<1x2x128xi32, #tpu.memory_space<vmem>> -> memref<1x2x128xi32, #tpu.memory_space<vmem>>
      %dma_start3A_44 = tpu.memref_squeeze %dma_start3A_43 : memref<1x2x128xi32, #tpu.memory_space<vmem>> -> memref<2x128xi32, #tpu.memory_space<vmem>>
      %dma_start3A_45 = arith.constant 0 : i32
      %dma_start3A_46 = arith.constant 0 : i32
      %dma_start3A_47 = tpu.memref_slice %arg3[%arg0, %arg1, %run_scoped3A, %dma_start3A_45, %dma_start3A_46] : memref<2x16x158x2x128xi32, #tpu.memory_space<hbm>> -> memref<1x1x1x2x128xi32, #tpu.memory_space<hbm>>
      %dma_start3A_48 = tpu.memref_squeeze %dma_start3A_47 : memref<1x1x1x2x128xi32, #tpu.memory_space<hbm>> -> memref<2x128xi32, #tpu.memory_space<hbm>>
      tpu.enqueue_dma source(%dma_start3A_48 : memref<2x128xi32, #tpu.memory_space<hbm>>) target(%dma_start3A_44 : memref<2x128xi32, #tpu.memory_space<vmem>>) target_semaphore(%run_scoped3A_32 : memref<!tpu.dma_semaphore, #tpu.memory_space<semaphore_mem>>)
      %dma_wait3A_49 = arith.constant 0 : i32
      %dma_wait3A_50 = arith.constant 0 : i32
      %dma_wait3A_51 = tpu.memref_slice %arg6[%run_scoped3A_1, %dma_wait3A_49, %dma_wait3A_50] : memref<1x2x128xi32, #tpu.memory_space<vmem>> -> memref<1x2x128xi32, #tpu.memory_space<vmem>>
      %dma_wait3A_52 = tpu.memref_squeeze %dma_wait3A_51 : memref<1x2x128xi32, #tpu.memory_space<vmem>> -> memref<2x128xi32, #tpu.memory_space<vmem>>
      %dma_wait3A_53 = arith.constant 0 : i32
      %dma_wait3A_54 = arith.constant 0 : i32
      %dma_wait3A_55 = tpu.memref_slice %arg3[%arg0, %arg1, %run_scoped3A, %dma_wait3A_53, %dma_wait3A_54] : memref<2x16x158x2x128xi32, #tpu.memory_space<hbm>> -> memref<1x1x1x2x128xi32, #tpu.memory_space<hbm>>
      %dma_wait3A_56 = tpu.memref_squeeze %dma_wait3A_55 : memref<1x1x1x2x128xi32, #tpu.memory_space<hbm>> -> memref<2x128xi32, #tpu.memory_space<hbm>>
      %dma_wait3A_57 = arith.constant 0 : i32
      %dma_wait3A_58 = arith.constant 0 : i32
      %dma_wait3A_59 = tpu.memref_slice %arg6[%run_scoped3A_1, %dma_wait3A_57, %dma_wait3A_58] : memref<1x2x128xi32, #tpu.memory_space<vmem>> -> memref<1x2x128xi32, #tpu.memory_space<vmem>>
      %dma_wait3A_60 = tpu.memref_squeeze %dma_wait3A_59 : memref<1x2x128xi32, #tpu.memory_space<vmem>> -> memref<2x128xi32, #tpu.memory_space<vmem>>
      %dma_wait3A_61 = arith.constant 0 : i32
      %dma_wait3A_62 = arith.constant 0 : i32
      %dma_wait3A_63 = tpu.memref_slice %arg3[%arg0, %arg1, %run_scoped3A, %dma_wait3A_61, %dma_wait3A_62] : memref<2x16x158x2x128xi32, #tpu.memory_space<hbm>> -> memref<1x1x1x2x128xi32, #tpu.memory_space<hbm>>
      %dma_wait3A_64 = tpu.memref_squeeze %dma_wait3A_63 : memref<1x1x1x2x128xi32, #tpu.memory_space<hbm>> -> memref<2x128xi32, #tpu.memory_space<hbm>>
      tpu.wait_dma2 semaphore(%run_scoped3A_32 : memref<!tpu.dma_semaphore, #tpu.memory_space<semaphore_mem>>) src(%dma_wait3A_64 : memref<2x128xi32, #tpu.memory_space<hbm>>) dst(%dma_wait3A_60 : memref<2x128xi32, #tpu.memory_space<vmem>>)
      tpu.yield
    }) : () -> ()
    %dma_start3A = arith.constant 0 : i32
    %dma_start3A_2 = arith.constant 0 : i32
    %dma_start3A_3 = arith.constant 0 : i32
    %dma_start3A_4 = arith.constant 0 : i32
    %dma_start3A_5 = arith.constant 0 : i32
    %dma_start3A_6 = tpu.memref_slice %arg7[%dma_start3A_3, %dma_start3A_4, %dma_start3A_5] : memref<1x128x128xf32, #tpu.memory_space<vmem>> -> memref<1x128x128xf32, #tpu.memory_space<vmem>>
    %dma_start3A_7 = tpu.memref_squeeze %dma_start3A_6 : memref<1x128x128xf32, #tpu.memory_space<vmem>> -> memref<128x128xf32, #tpu.memory_space<vmem>>
    %dma_start3A_8 = arith.constant 0 : i32
    %dma_start3A_9 = tpu.memref_slice %arg6[%dma_start3A, %dma_start3A_2, %dma_start3A_8] : memref<1x2x128xi32, #tpu.memory_space<vmem>> -> memref<1x1x128xi32, #tpu.memory_space<vmem>>
    %dma_start3A_10 = tpu.memref_squeeze %dma_start3A_9 : memref<1x1x128xi32, #tpu.memory_space<vmem>> -> memref<128xi32, #tpu.memory_space<vmem>>
    %dma_start3A_11 = arith.constant 0 : i32
    %dma_start3A_12 = arith.constant 0 : i32
    %dma_start3A_13 = tpu.memref_slice %arg2[%dma_start3A_11, %dma_start3A_12] : memref<20000x128xf32, #tpu.memory_space<hbm>> -> memref<20000x128xf32, #tpu.memory_space<hbm>>
    tpu.enqueue_indirect_dma source(%dma_start3A_13 : memref<20000x128xf32, #tpu.memory_space<hbm>>) target(%dma_start3A_7 : memref<128x128xf32, #tpu.memory_space<vmem>>) offsets(%dma_start3A_10 : memref<128xi32, #tpu.memory_space<vmem>>) semaphore(%arg9 : memref<!tpu.dma_semaphore, #tpu.memory_space<semaphore_mem>>)
    %barrier3A = arith.constant 0 : index
    tpu.barrier barrier_id(%barrier3A)
    %scan3A = arith.constant 0 : i32
    %scan3A_14 = arith.constant 0 : i32
    %scan3A_15 = arith.constant 157 : i32
    %scan3A_16 = arith.addi %scan3A_14, %scan3A_15 : i32
    %scan3A_17 = arith.constant 1 : i32
    scf.for %scan3A_32 = %scan3A_14 to %scan3A_16 step %scan3A_17  : i32 {
      %dma_wait3A_33 = arith.constant 0 : i32
      %dma_wait3A_34 = arith.constant 0 : i32
      %dma_wait3A_35 = arith.constant 0 : i32
      %dma_wait3A_36 = arith.constant 0 : i32
      %dma_wait3A_37 = arith.constant 0 : i32
      %dma_wait3A_38 = tpu.memref_slice %arg7[%dma_wait3A_35, %dma_wait3A_36, %dma_wait3A_37] : memref<1x128x128xf32, #tpu.memory_space<vmem>> -> memref<1x128x128xf32, #tpu.memory_space<vmem>>
      %dma_wait3A_39 = tpu.memref_squeeze %dma_wait3A_38 : memref<1x128x128xf32, #tpu.memory_space<vmem>> -> memref<128x128xf32, #tpu.memory_space<vmem>>
      %dma_wait3A_40 = arith.constant 0 : i32
      %dma_wait3A_41 = tpu.memref_slice %arg6[%dma_wait3A_33, %dma_wait3A_34, %dma_wait3A_40] : memref<1x2x128xi32, #tpu.memory_space<vmem>> -> memref<1x1x128xi32, #tpu.memory_space<vmem>>
      %dma_wait3A_42 = tpu.memref_squeeze %dma_wait3A_41 : memref<1x1x128xi32, #tpu.memory_space<vmem>> -> memref<128xi32, #tpu.memory_space<vmem>>
      %dma_wait3A_43 = arith.constant 0 : i32
      %dma_wait3A_44 = arith.constant 0 : i32
      %dma_wait3A_45 = tpu.memref_slice %arg2[%dma_wait3A_43, %dma_wait3A_44] : memref<20000x128xf32, #tpu.memory_space<hbm>> -> memref<20000x128xf32, #tpu.memory_space<hbm>>
      tpu.wait_indirect_dma semaphore(%arg9 : memref<!tpu.dma_semaphore, #tpu.memory_space<semaphore_mem>>) src(%dma_wait3A_45 : memref<20000x128xf32, #tpu.memory_space<hbm>>) dst(%dma_wait3A_39 : memref<128x128xf32, #tpu.memory_space<vmem>>)
      %run_scoped3A_46 = arith.constant 0 : i32
      %run_scoped3A_47 = arith.constant 0 : i32
      %run_scoped3A_48 = arith.constant 1 : i32
      "tpu.region"() ({
        %run_scoped3A_68 = tpu.sem_alloc : memref<!tpu.dma_semaphore, #tpu.memory_space<semaphore_mem>>
        %dma_start3A_69 = arith.constant 0 : i32
        %dma_start3A_70 = arith.constant 0 : i32
        %dma_start3A_71 = tpu.memref_slice %arg7[%run_scoped3A_46, %dma_start3A_69, %dma_start3A_70] : memref<1x128x128xf32, #tpu.memory_space<vmem>> -> memref<1x128x128xf32, #tpu.memory_space<vmem>>
        %dma_start3A_72 = tpu.memref_squeeze %dma_start3A_71 : memref<1x128x128xf32, #tpu.memory_space<vmem>> -> memref<128x128xf32, #tpu.memory_space<vmem>>
        %dma_start3A_73 = arith.constant 0 : i32
        %dma_start3A_74 = tpu.memref_slice %arg6[%run_scoped3A_47, %run_scoped3A_48, %dma_start3A_73] : memref<1x2x128xi32, #tpu.memory_space<vmem>> -> memref<1x1x128xi32, #tpu.memory_space<vmem>>
        %dma_start3A_75 = tpu.memref_squeeze %dma_start3A_74 : memref<1x1x128xi32, #tpu.memory_space<vmem>> -> memref<128xi32, #tpu.memory_space<vmem>>
        %dma_start3A_76 = arith.constant 0 : i32
        %dma_start3A_77 = arith.constant 0 : i32
        %dma_start3A_78 = tpu.memref_slice %arg8[%dma_start3A_76, %dma_start3A_77] : memref<10112x128xf32, #tpu.memory_space<vmem_shared>> -> memref<10112x128xf32, #tpu.memory_space<vmem_shared>>
        tpu.enqueue_indirect_dma source(%dma_start3A_72 : memref<128x128xf32, #tpu.memory_space<vmem>>) target(%dma_start3A_78 : memref<10112x128xf32, #tpu.memory_space<vmem_shared>>) offsets(%dma_start3A_75 : memref<128xi32, #tpu.memory_space<vmem>>) semaphore(%run_scoped3A_68 : memref<!tpu.dma_semaphore, #tpu.memory_space<semaphore_mem>>) {add = true}
        %dma_wait3A_79 = arith.constant 0 : i32
        %dma_wait3A_80 = arith.constant 0 : i32
        %dma_wait3A_81 = tpu.memref_slice %arg7[%run_scoped3A_46, %dma_wait3A_79, %dma_wait3A_80] : memref<1x128x128xf32, #tpu.memory_space<vmem>> -> memref<1x128x128xf32, #tpu.memory_space<vmem>>
        %dma_wait3A_82 = tpu.memref_squeeze %dma_wait3A_81 : memref<1x128x128xf32, #tpu.memory_space<vmem>> -> memref<128x128xf32, #tpu.memory_space<vmem>>
        %dma_wait3A_83 = arith.constant 0 : i32
        %dma_wait3A_84 = tpu.memref_slice %arg6[%run_scoped3A_47, %run_scoped3A_48, %dma_wait3A_83] : memref<1x2x128xi32, #tpu.memory_space<vmem>> -> memref<1x1x128xi32, #tpu.memory_space<vmem>>
        %dma_wait3A_85 = tpu.memref_squeeze %dma_wait3A_84 : memref<1x1x128xi32, #tpu.memory_space<vmem>> -> memref<128xi32, #tpu.memory_space<vmem>>
        %dma_wait3A_86 = arith.constant 0 : i32
        %dma_wait3A_87 = arith.constant 0 : i32
        %dma_wait3A_88 = tpu.memref_slice %arg8[%dma_wait3A_86, %dma_wait3A_87] : memref<10112x128xf32, #tpu.memory_space<vmem_shared>> -> memref<10112x128xf32, #tpu.memory_space<vmem_shared>>
        tpu.wait_indirect_dma semaphore(%run_scoped3A_68 : memref<!tpu.dma_semaphore, #tpu.memory_space<semaphore_mem>>) src(%dma_wait3A_82 : memref<128x128xf32, #tpu.memory_space<vmem>>) dst(%dma_wait3A_88 : memref<10112x128xf32, #tpu.memory_space<vmem_shared>>)
        tpu.yield
      }) : () -> ()
      %mul3A_49 = arith.constant 1 : i32
      %mul3A_50 = arith.muli %scan3A_32, %mul3A_49 : i32
      %add3A = arith.constant 0 : i32
      %add3A_51 = arith.addi %mul3A_50, %add3A : i32
      %add3A_52 = arith.constant 1 : i32
      %add3A_53 = arith.addi %add3A_51, %add3A_52 : i32
      %run_scoped3A_54 = arith.constant 0 : i32
      "tpu.region"() ({
        %run_scoped3A_68 = tpu.sem_alloc : memref<!tpu.dma_semaphore, #tpu.memory_space<semaphore_mem>>
        %dma_start3A_69 = arith.constant 0 : i32
        %dma_start3A_70 = arith.constant 0 : i32
        %dma_start3A_71 = tpu.memref_slice %arg6[%run_scoped3A_54, %dma_start3A_69, %dma_start3A_70] : memref<1x2x128xi32, #tpu.memory_space<vmem>> -> memref<1x2x128xi32, #tpu.memory_space<vmem>>
        %dma_start3A_72 = tpu.memref_squeeze %dma_start3A_71 : memref<1x2x128xi32, #tpu.memory_space<vmem>> -> memref<2x128xi32, #tpu.memory_space<vmem>>
        %dma_start3A_73 = arith.constant 0 : i32
        %dma_start3A_74 = arith.constant 0 : i32
        %dma_start3A_75 = tpu.memref_slice %arg3[%arg0, %arg1, %add3A_53, %dma_start3A_73, %dma_start3A_74] : memref<2x16x158x2x128xi32, #tpu.memory_space<hbm>> -> memref<1x1x1x2x128xi32, #tpu.memory_space<hbm>>
        %dma_start3A_76 = tpu.memref_squeeze %dma_start3A_75 : memref<1x1x1x2x128xi32, #tpu.memory_space<hbm>> -> memref<2x128xi32, #tpu.memory_space<hbm>>
        %dma_start3A_77 = arith.constant 0 : i32
        %dma_start3A_78 = arith.constant 0 : i32
        %dma_start3A_79 = tpu.memref_slice %arg6[%run_scoped3A_54, %dma_start3A_77, %dma_start3A_78] : memref<1x2x128xi32, #tpu.memory_space<vmem>> -> memref<1x2x128xi32, #tpu.memory_space<vmem>>
        %dma_start3A_80 = tpu.memref_squeeze %dma_start3A_79 : memref<1x2x128xi32, #tpu.memory_space<vmem>> -> memref<2x128xi32, #tpu.memory_space<vmem>>
        %dma_start3A_81 = arith.constant 0 : i32
        %dma_start3A_82 = arith.constant 0 : i32
        %dma_start3A_83 = tpu.memref_slice %arg3[%arg0, %arg1, %add3A_53, %dma_start3A_81, %dma_start3A_82] : memref<2x16x158x2x128xi32, #tpu.memory_space<hbm>> -> memref<1x1x1x2x128xi32, #tpu.memory_space<hbm>>
        %dma_start3A_84 = tpu.memref_squeeze %dma_start3A_83 : memref<1x1x1x2x128xi32, #tpu.memory_space<hbm>> -> memref<2x128xi32, #tpu.memory_space<hbm>>
        tpu.enqueue_dma source(%dma_start3A_84 : memref<2x128xi32, #tpu.memory_space<hbm>>) target(%dma_start3A_80 : memref<2x128xi32, #tpu.memory_space<vmem>>) target_semaphore(%run_scoped3A_68 : memref<!tpu.dma_semaphore, #tpu.memory_space<semaphore_mem>>)
        %dma_wait3A_85 = arith.constant 0 : i32
        %dma_wait3A_86 = arith.constant 0 : i32
        %dma_wait3A_87 = tpu.memref_slice %arg6[%run_scoped3A_54, %dma_wait3A_85, %dma_wait3A_86] : memref<1x2x128xi32, #tpu.memory_space<vmem>> -> memref<1x2x128xi32, #tpu.memory_space<vmem>>
        %dma_wait3A_88 = tpu.memref_squeeze %dma_wait3A_87 : memref<1x2x128xi32, #tpu.memory_space<vmem>> -> memref<2x128xi32, #tpu.memory_space<vmem>>
        %dma_wait3A_89 = arith.constant 0 : i32
        %dma_wait3A_90 = arith.constant 0 : i32
        %dma_wait3A_91 = tpu.memref_slice %arg3[%arg0, %arg1, %add3A_53, %dma_wait3A_89, %dma_wait3A_90] : memref<2x16x158x2x128xi32, #tpu.memory_space<hbm>> -> memref<1x1x1x2x128xi32, #tpu.memory_space<hbm>>
        %dma_wait3A_92 = tpu.memref_squeeze %dma_wait3A_91 : memref<1x1x1x2x128xi32, #tpu.memory_space<hbm>> -> memref<2x128xi32, #tpu.memory_space<hbm>>
        %dma_wait3A_93 = arith.constant 0 : i32
        %dma_wait3A_94 = arith.constant 0 : i32
        %dma_wait3A_95 = tpu.memref_slice %arg6[%run_scoped3A_54, %dma_wait3A_93, %dma_wait3A_94] : memref<1x2x128xi32, #tpu.memory_space<vmem>> -> memref<1x2x128xi32, #tpu.memory_space<vmem>>
        %dma_wait3A_96 = tpu.memref_squeeze %dma_wait3A_95 : memref<1x2x128xi32, #tpu.memory_space<vmem>> -> memref<2x128xi32, #tpu.memory_space<vmem>>
        %dma_wait3A_97 = arith.constant 0 : i32
        %dma_wait3A_98 = arith.constant 0 : i32
        %dma_wait3A_99 = tpu.memref_slice %arg3[%arg0, %arg1, %add3A_53, %dma_wait3A_97, %dma_wait3A_98] : memref<2x16x158x2x128xi32, #tpu.memory_space<hbm>> -> memref<1x1x1x2x128xi32, #tpu.memory_space<hbm>>
        %dma_wait3A_100 = tpu.memref_squeeze %dma_wait3A_99 : memref<1x1x1x2x128xi32, #tpu.memory_space<hbm>> -> memref<2x128xi32, #tpu.memory_space<hbm>>
        tpu.wait_dma2 semaphore(%run_scoped3A_68 : memref<!tpu.dma_semaphore, #tpu.memory_space<semaphore_mem>>) src(%dma_wait3A_100 : memref<2x128xi32, #tpu.memory_space<hbm>>) dst(%dma_wait3A_96 : memref<2x128xi32, #tpu.memory_space<vmem>>)
        tpu.yield
      }) : () -> ()
      %dma_start3A_55 = arith.constant 0 : i32
      %dma_start3A_56 = arith.constant 0 : i32
      %dma_start3A_57 = arith.constant 0 : i32
      %dma_start3A_58 = arith.constant 0 : i32
      %dma_start3A_59 = arith.constant 0 : i32
      %dma_start3A_60 = tpu.memref_slice %arg7[%dma_start3A_57, %dma_start3A_58, %dma_start3A_59] : memref<1x128x128xf32, #tpu.memory_space<vmem>> -> memref<1x128x128xf32, #tpu.memory_space<vmem>>
      %dma_start3A_61 = tpu.memref_squeeze %dma_start3A_60 : memref<1x128x128xf32, #tpu.memory_space<vmem>> -> memref<128x128xf32, #tpu.memory_space<vmem>>
      %dma_start3A_62 = arith.constant 0 : i32
      %dma_start3A_63 = tpu.memref_slice %arg6[%dma_start3A_55, %dma_start3A_56, %dma_start3A_62] : memref<1x2x128xi32, #tpu.memory_space<vmem>> -> memref<1x1x128xi32, #tpu.memory_space<vmem>>
      %dma_start3A_64 = tpu.memref_squeeze %dma_start3A_63 : memref<1x1x128xi32, #tpu.memory_space<vmem>> -> memref<128xi32, #tpu.memory_space<vmem>>
      %dma_start3A_65 = arith.constant 0 : i32
      %dma_start3A_66 = arith.constant 0 : i32
      %dma_start3A_67 = tpu.memref_slice %arg2[%dma_start3A_65, %dma_start3A_66] : memref<20000x128xf32, #tpu.memory_space<hbm>> -> memref<20000x128xf32, #tpu.memory_space<hbm>>
      tpu.enqueue_indirect_dma source(%dma_start3A_67 : memref<20000x128xf32, #tpu.memory_space<hbm>>) target(%dma_start3A_61 : memref<128x128xf32, #tpu.memory_space<vmem>>) offsets(%dma_start3A_64 : memref<128xi32, #tpu.memory_space<vmem>>) semaphore(%arg9 : memref<!tpu.dma_semaphore, #tpu.memory_space<semaphore_mem>>)
    }
    %scan3A_18 = arith.constant 157 : i32
    %dma_wait3A = arith.constant 0 : i32
    %dma_wait3A_19 = arith.constant 0 : i32
    %dma_wait3A_20 = arith.constant 0 : i32
    %dma_wait3A_21 = arith.constant 0 : i32
    %dma_wait3A_22 = arith.constant 0 : i32
    %dma_wait3A_23 = tpu.memref_slice %arg7[%dma_wait3A_20, %dma_wait3A_21, %dma_wait3A_22] : memref<1x128x128xf32, #tpu.memory_space<vmem>> -> memref<1x128x128xf32, #tpu.memory_space<vmem>>
    %dma_wait3A_24 = tpu.memref_squeeze %dma_wait3A_23 : memref<1x128x128xf32, #tpu.memory_space<vmem>> -> memref<128x128xf32, #tpu.memory_space<vmem>>
    %dma_wait3A_25 = arith.constant 0 : i32
    %dma_wait3A_26 = tpu.memref_slice %arg6[%dma_wait3A, %dma_wait3A_19, %dma_wait3A_25] : memref<1x2x128xi32, #tpu.memory_space<vmem>> -> memref<1x1x128xi32, #tpu.memory_space<vmem>>
    %dma_wait3A_27 = tpu.memref_squeeze %dma_wait3A_26 : memref<1x1x128xi32, #tpu.memory_space<vmem>> -> memref<128xi32, #tpu.memory_space<vmem>>
    %dma_wait3A_28 = arith.constant 0 : i32
    %dma_wait3A_29 = arith.constant 0 : i32
    %dma_wait3A_30 = tpu.memref_slice %arg2[%dma_wait3A_28, %dma_wait3A_29] : memref<20000x128xf32, #tpu.memory_space<hbm>> -> memref<20000x128xf32, #tpu.memory_space<hbm>>
    tpu.wait_indirect_dma semaphore(%arg9 : memref<!tpu.dma_semaphore, #tpu.memory_space<semaphore_mem>>) src(%dma_wait3A_30 : memref<20000x128xf32, #tpu.memory_space<hbm>>) dst(%dma_wait3A_24 : memref<128x128xf32, #tpu.memory_space<vmem>>)
    %barrier3A_31 = arith.constant 0 : index
    tpu.barrier barrier_id(%barrier3A_31)
    "tpu.region"() ({
      %run_scoped3A_32 = tpu.sem_alloc : memref<!tpu.dma_semaphore, #tpu.memory_space<semaphore_mem>>
      %dma_start3A_33 = arith.constant 0 : i32
      %dma_start3A_34 = tpu.memref_slice %arg5[%arg0, %mul3A_0, %dma_start3A_33] : memref<2x10112x128xf32, #tpu.memory_space<hbm>> -> memref<1x632x128xf32, #tpu.memory_space<hbm>>
      %dma_start3A_35 = tpu.memref_squeeze %dma_start3A_34 : memref<1x632x128xf32, #tpu.memory_space<hbm>> -> memref<632x128xf32, #tpu.memory_space<hbm>>
      %dma_start3A_36 = arith.constant 0 : i32
      %dma_start3A_37 = tpu.memref_slice %arg8[%mul3A_0, %dma_start3A_36] : memref<10112x128xf32, #tpu.memory_space<vmem_shared>> -> memref<632x128xf32, #tpu.memory_space<vmem_shared>>
      tpu.enqueue_dma source(%dma_start3A_37 : memref<632x128xf32, #tpu.memory_space<vmem_shared>>) target(%dma_start3A_35 : memref<632x128xf32, #tpu.memory_space<hbm>>) target_semaphore(%run_scoped3A_32 : memref<!tpu.dma_semaphore, #tpu.memory_space<semaphore_mem>>)
      %dma_wait3A_38 = arith.constant 0 : i32
      %dma_wait3A_39 = tpu.memref_slice %arg5[%arg0, %mul3A_0, %dma_wait3A_38] : memref<2x10112x128xf32, #tpu.memory_space<hbm>> -> memref<1x632x128xf32, #tpu.memory_space<hbm>>
      %dma_wait3A_40 = tpu.memref_squeeze %dma_wait3A_39 : memref<1x632x128xf32, #tpu.memory_space<hbm>> -> memref<632x128xf32, #tpu.memory_space<hbm>>
      %dma_wait3A_41 = arith.constant 0 : i32
      %dma_wait3A_42 = tpu.memref_slice %arg8[%mul3A_0, %dma_wait3A_41] : memref<10112x128xf32, #tpu.memory_space<vmem_shared>> -> memref<632x128xf32, #tpu.memory_space<vmem_shared>>
      tpu.wait_dma2 semaphore(%run_scoped3A_32 : memref<!tpu.dma_semaphore, #tpu.memory_space<semaphore_mem>>) src(%dma_wait3A_42 : memref<632x128xf32, #tpu.memory_space<vmem_shared>>) dst(%dma_wait3A_40 : memref<632x128xf32, #tpu.memory_space<hbm>>)
      tpu.yield
    }) : () -> ()
    return
  }
}

#map = affine_map<(d0, d1) -> (0, 0)>
#map1 = affine_map<(d0, d1) -> (0, 0, 0, 0, 0)>
#map2 = affine_map<(d0, d1) -> (0, 0, 0)>
module attributes {stable_mosaic.version = 14 : i64} {
  func.func @k(%arg0: i32, %arg1: i32, %arg2: memref<20000x128xf32, #tpu.memory_space<hbm>>, %arg3: memref<2x16x158x2x128xi32, #tpu.memory_space<hbm>>, %arg4: memref<10112x128xf32, #tpu.memory_space<hbm>>, %arg5: memref<2x10112x128xf32, #tpu.memory_space<hbm>>, %arg6: memref<1x2x128xi32, #tpu.memory_space<vmem>>, %arg7: memref<1x128x128xf32, #tpu.memory_space<vmem>>, %arg8: memref<10112x128xf32, #tpu.memory_space<vmem_shared>>, %arg9: memref<!tpu.dma_semaphore, #tpu.memory_space<semaphore_mem>>) attributes {dimension_semantics = [#tpu.dimension_semantics<core_parallel>, #tpu.dimension_semantics<subcore_parallel>], iteration_bounds = array<i64: 2, 16>, scalar_prefetch = 0 : i64, scratch_operands = 4 : i64, tpu.core_type = #tpu.core_type<sc_vector_subcore>, window_params = [{transform_indices = #map}, {transform_indices = #map1}, {transform_indices = #map}, {transform_indices = #map2}]} {
    %mul3A = arith.constant 632 : i32
    %mul3A_0 = arith.muli %arg1, %mul3A : i32
    "tpu.region"() ({
      %run_scoped3A_32 = tpu.sem_alloc : memref<!tpu.dma_semaphore, #tpu.memory_space<semaphore_mem>>
      %dma_start3A_33 = arith.constant 0 : i32
      %dma_start3A_34 = tpu.memref_slice %arg8[%mul3A_0, %dma_start3A_33] : memref<10112x128xf32, #tpu.memory_space<vmem_shared>> -> memref<632x128xf32, #tpu.memory_space<vmem_shared>>
      %dma_start3A_35 = arith.constant 0 : i32
      %dma_start3A_36 = tpu.memref_slice %arg4[%mul3A_0, %dma_start3A_35] : memref<10112x128xf32, #tpu.memory_space<hbm>> -> memref<632x128xf32, #tpu.memory_space<hbm>>
      tpu.enqueue_dma source(%dma_start3A_36 : memref<632x128xf32, #tpu.memory_space<hbm>>) target(%dma_start3A_34 : memref<632x128xf32, #tpu.memory_space<vmem_shared>>) target_semaphore(%run_scoped3A_32 : memref<!tpu.dma_semaphore, #tpu.memory_space<semaphore_mem>>)
      %dma_wait3A_37 = arith.constant 0 : i32
      %dma_wait3A_38 = tpu.memref_slice %arg8[%mul3A_0, %dma_wait3A_37] : memref<10112x128xf32, #tpu.memory_space<vmem_shared>> -> memref<632x128xf32, #tpu.memory_space<vmem_shared>>
      %dma_wait3A_39 = arith.constant 0 : i32
      %dma_wait3A_40 = tpu.memref_slice %arg4[%mul3A_0, %dma_wait3A_39] : memref<10112x128xf32, #tpu.memory_space<hbm>> -> memref<632x128xf32, #tpu.memory_space<hbm>>
      tpu.wait_dma2 semaphore(%run_scoped3A_32 : memref<!tpu.dma_semaphore, #tpu.memory_space<semaphore_mem>>) src(%dma_wait3A_40 : memref<632x128xf32, #tpu.memory_space<hbm>>) dst(%dma_wait3A_38 : memref<632x128xf32, #tpu.memory_space<vmem_shared>>)
      tpu.yield
    }) : () -> ()
    %run_scoped3A = arith.constant 0 : i32
    %run_scoped3A_1 = arith.constant 0 : i32
    "tpu.region"() ({
      %run_scoped3A_32 = tpu.sem_alloc : memref<!tpu.dma_semaphore, #tpu.memory_space<semaphore_mem>>
      %dma_start3A_33 = arith.constant 0 : i32
      %dma_start3A_34 = arith.constant 0 : i32
      %dma_start3A_35 = tpu.memref_slice %arg6[%run_scoped3A_1, %dma_start3A_33, %dma_start3A_34] : memref<1x2x128xi32, #tpu.memory_space<vmem>> -> memref<1x2x128xi32, #tpu.memory_space<vmem>>
      %dma_start3A_36 = tpu.memref_squeeze %dma_start3A_35 : memref<1x2x128xi32, #tpu.memory_space<vmem>> -> memref<2x128xi32, #tpu.memory_space<vmem>>
      %dma_start3A_37 = arith.constant 0 : i32
      %dma_start3A_38 = arith.constant 0 : i32
      %dma_start3A_39 = tpu.memref_slice %arg3[%arg0, %arg1, %run_scoped3A, %dma_start3A_37, %dma_start3A_38] : memref<2x16x158x2x128xi32, #tpu.memory_space<hbm>> -> memref<1x1x1x2x128xi32, #tpu.memory_space<hbm>>
      %dma_start3A_40 = tpu.memref_squeeze %dma_start3A_39 : memref<1x1x1x2x128xi32, #tpu.memory_space<hbm>> -> memref<2x128xi32, #tpu.memory_space<hbm>>
      %dma_start3A_41 = arith.constant 0 : i32
      %dma_start3A_42 = arith.constant 0 : i32
      %dma_start3A_43 = tpu.memref_slice %arg6[%run_scoped3A_1, %dma_start3A_41, %dma_start3A_42] : memref<1x2x128xi32, #tpu.memory_space<vmem>> -> memref<1x2x128xi32, #tpu.memory_space<vmem>>
      %dma_start3A_44 = tpu.memref_squeeze %dma_start3A_43 : memref<1x2x128xi32, #tpu.memory_space<vmem>> -> memref<2x128xi32, #tpu.memory_space<vmem>>
      %dma_start3A_45 = arith.constant 0 : i32
      %dma_start3A_46 = arith.constant 0 : i32
      %dma_start3A_47 = tpu.memref_slice %arg3[%arg0, %arg1, %run_scoped3A, %dma_start3A_45, %dma_start3A_46] : memref<2x16x158x2x128xi32, #tpu.memory_space<hbm>> -> memref<1x1x1x2x128xi32, #tpu.memory_space<hbm>>
      %dma_start3A_48 = tpu.memref_squeeze %dma_start3A_47 : memref<1x1x1x2x128xi32, #tpu.memory_space<hbm>> -> memref<2x128xi32, #tpu.memory_space<hbm>>
      tpu.enqueue_dma source(%dma_start3A_48 : memref<2x128xi32, #tpu.memory_space<hbm>>) target(%dma_start3A_44 : memref<2x128xi32, #tpu.memory_space<vmem>>) target_semaphore(%run_scoped3A_32 : memref<!tpu.dma_semaphore, #tpu.memory_space<semaphore_mem>>)
      %dma_wait3A_49 = arith.constant 0 : i32
      %dma_wait3A_50 = arith.constant 0 : i32
      %dma_wait3A_51 = tpu.memref_slice %arg6[%run_scoped3A_1, %dma_wait3A_49, %dma_wait3A_50] : memref<1x2x128xi32, #tpu.memory_space<vmem>> -> memref<1x2x128xi32, #tpu.memory_space<vmem>>
      %dma_wait3A_52 = tpu.memref_squeeze %dma_wait3A_51 : memref<1x2x128xi32, #tpu.memory_space<vmem>> -> memref<2x128xi32, #tpu.memory_space<vmem>>
      %dma_wait3A_53 = arith.constant 0 : i32
      %dma_wait3A_54 = arith.constant 0 : i32
      %dma_wait3A_55 = tpu.memref_slice %arg3[%arg0, %arg1, %run_scoped3A, %dma_wait3A_53, %dma_wait3A_54] : memref<2x16x158x2x128xi32, #tpu.memory_space<hbm>> -> memref<1x1x1x2x128xi32, #tpu.memory_space<hbm>>
      %dma_wait3A_56 = tpu.memref_squeeze %dma_wait3A_55 : memref<1x1x1x2x128xi32, #tpu.memory_space<hbm>> -> memref<2x128xi32, #tpu.memory_space<hbm>>
      %dma_wait3A_57 = arith.constant 0 : i32
      %dma_wait3A_58 = arith.constant 0 : i32
      %dma_wait3A_59 = tpu.memref_slice %arg6[%run_scoped3A_1, %dma_wait3A_57, %dma_wait3A_58] : memref<1x2x128xi32, #tpu.memory_space<vmem>> -> memref<1x2x128xi32, #tpu.memory_space<vmem>>
      %dma_wait3A_60 = tpu.memref_squeeze %dma_wait3A_59 : memref<1x2x128xi32, #tpu.memory_space<vmem>> -> memref<2x128xi32, #tpu.memory_space<vmem>>
      %dma_wait3A_61 = arith.constant 0 : i32
      %dma_wait3A_62 = arith.constant 0 : i32
      %dma_wait3A_63 = tpu.memref_slice %arg3[%arg0, %arg1, %run_scoped3A, %dma_wait3A_61, %dma_wait3A_62] : memref<2x16x158x2x128xi32, #tpu.memory_space<hbm>> -> memref<1x1x1x2x128xi32, #tpu.memory_space<hbm>>
      %dma_wait3A_64 = tpu.memref_squeeze %dma_wait3A_63 : memref<1x1x1x2x128xi32, #tpu.memory_space<hbm>> -> memref<2x128xi32, #tpu.memory_space<hbm>>
      tpu.wait_dma2 semaphore(%run_scoped3A_32 : memref<!tpu.dma_semaphore, #tpu.memory_space<semaphore_mem>>) src(%dma_wait3A_64 : memref<2x128xi32, #tpu.memory_space<hbm>>) dst(%dma_wait3A_60 : memref<2x128xi32, #tpu.memory_space<vmem>>)
      tpu.yield
    }) : () -> ()
    %dma_start3A = arith.constant 0 : i32
    %dma_start3A_2 = arith.constant 0 : i32
    %dma_start3A_3 = arith.constant 0 : i32
    %dma_start3A_4 = arith.constant 0 : i32
    %dma_start3A_5 = arith.constant 0 : i32
    %dma_start3A_6 = tpu.memref_slice %arg7[%dma_start3A_3, %dma_start3A_4, %dma_start3A_5] : memref<1x128x128xf32, #tpu.memory_space<vmem>> -> memref<1x128x128xf32, #tpu.memory_space<vmem>>
    %dma_start3A_7 = tpu.memref_squeeze %dma_start3A_6 : memref<1x128x128xf32, #tpu.memory_space<vmem>> -> memref<128x128xf32, #tpu.memory_space<vmem>>
    %dma_start3A_8 = arith.constant 0 : i32
    %dma_start3A_9 = tpu.memref_slice %arg6[%dma_start3A, %dma_start3A_2, %dma_start3A_8] : memref<1x2x128xi32, #tpu.memory_space<vmem>> -> memref<1x1x128xi32, #tpu.memory_space<vmem>>
    %dma_start3A_10 = tpu.memref_squeeze %dma_start3A_9 : memref<1x1x128xi32, #tpu.memory_space<vmem>> -> memref<128xi32, #tpu.memory_space<vmem>>
    %dma_start3A_11 = arith.constant 0 : i32
    %dma_start3A_12 = arith.constant 0 : i32
    %dma_start3A_13 = tpu.memref_slice %arg2[%dma_start3A_11, %dma_start3A_12] : memref<20000x128xf32, #tpu.memory_space<hbm>> -> memref<20000x128xf32, #tpu.memory_space<hbm>>
    tpu.enqueue_indirect_dma source(%dma_start3A_13 : memref<20000x128xf32, #tpu.memory_space<hbm>>) target(%dma_start3A_7 : memref<128x128xf32, #tpu.memory_space<vmem>>) offsets(%dma_start3A_10 : memref<128xi32, #tpu.memory_space<vmem>>) semaphore(%arg9 : memref<!tpu.dma_semaphore, #tpu.memory_space<semaphore_mem>>)
    %barrier3A = arith.constant 0 : index
    tpu.barrier barrier_id(%barrier3A)
    %scan3A = arith.constant 0 : i32
    %scan3A_14 = arith.constant 0 : i32
    %scan3A_15 = arith.constant 157 : i32
    %scan3A_16 = arith.addi %scan3A_14, %scan3A_15 : i32
    %scan3A_17 = arith.constant 1 : i32
    scf.for %scan3A_32 = %scan3A_14 to %scan3A_16 step %scan3A_17  : i32 {
      %dma_wait3A_33 = arith.constant 0 : i32
      %dma_wait3A_34 = arith.constant 0 : i32
      %dma_wait3A_35 = arith.constant 0 : i32
      %dma_wait3A_36 = arith.constant 0 : i32
      %dma_wait3A_37 = arith.constant 0 : i32
      %dma_wait3A_38 = tpu.memref_slice %arg7[%dma_wait3A_35, %dma_wait3A_36, %dma_wait3A_37] : memref<1x128x128xf32, #tpu.memory_space<vmem>> -> memref<1x128x128xf32, #tpu.memory_space<vmem>>
      %dma_wait3A_39 = tpu.memref_squeeze %dma_wait3A_38 : memref<1x128x128xf32, #tpu.memory_space<vmem>> -> memref<128x128xf32, #tpu.memory_space<vmem>>
      %dma_wait3A_40 = arith.constant 0 : i32
      %dma_wait3A_41 = tpu.memref_slice %arg6[%dma_wait3A_33, %dma_wait3A_34, %dma_wait3A_40] : memref<1x2x128xi32, #tpu.memory_space<vmem>> -> memref<1x1x128xi32, #tpu.memory_space<vmem>>
      %dma_wait3A_42 = tpu.memref_squeeze %dma_wait3A_41 : memref<1x1x128xi32, #tpu.memory_space<vmem>> -> memref<128xi32, #tpu.memory_space<vmem>>
      %dma_wait3A_43 = arith.constant 0 : i32
      %dma_wait3A_44 = arith.constant 0 : i32
      %dma_wait3A_45 = tpu.memref_slice %arg2[%dma_wait3A_43, %dma_wait3A_44] : memref<20000x128xf32, #tpu.memory_space<hbm>> -> memref<20000x128xf32, #tpu.memory_space<hbm>>
      tpu.wait_indirect_dma semaphore(%arg9 : memref<!tpu.dma_semaphore, #tpu.memory_space<semaphore_mem>>) src(%dma_wait3A_45 : memref<20000x128xf32, #tpu.memory_space<hbm>>) dst(%dma_wait3A_39 : memref<128x128xf32, #tpu.memory_space<vmem>>)
      %run_scoped3A_46 = arith.constant 0 : i32
      %run_scoped3A_47 = arith.constant 0 : i32
      %run_scoped3A_48 = arith.constant 1 : i32
      "tpu.region"() ({
        %run_scoped3A_68 = tpu.sem_alloc : memref<!tpu.dma_semaphore, #tpu.memory_space<semaphore_mem>>
        %dma_start3A_69 = arith.constant 0 : i32
        %dma_start3A_70 = arith.constant 0 : i32
        %dma_start3A_71 = tpu.memref_slice %arg7[%run_scoped3A_46, %dma_start3A_69, %dma_start3A_70] : memref<1x128x128xf32, #tpu.memory_space<vmem>> -> memref<1x128x128xf32, #tpu.memory_space<vmem>>
        %dma_start3A_72 = tpu.memref_squeeze %dma_start3A_71 : memref<1x128x128xf32, #tpu.memory_space<vmem>> -> memref<128x128xf32, #tpu.memory_space<vmem>>
        %dma_start3A_73 = arith.constant 0 : i32
        %dma_start3A_74 = tpu.memref_slice %arg6[%run_scoped3A_47, %run_scoped3A_48, %dma_start3A_73] : memref<1x2x128xi32, #tpu.memory_space<vmem>> -> memref<1x1x128xi32, #tpu.memory_space<vmem>>
        %dma_start3A_75 = tpu.memref_squeeze %dma_start3A_74 : memref<1x1x128xi32, #tpu.memory_space<vmem>> -> memref<128xi32, #tpu.memory_space<vmem>>
        %dma_start3A_76 = arith.constant 0 : i32
        %dma_start3A_77 = arith.constant 0 : i32
        %dma_start3A_78 = tpu.memref_slice %arg8[%dma_start3A_76, %dma_start3A_77] : memref<10112x128xf32, #tpu.memory_space<vmem_shared>> -> memref<10112x128xf32, #tpu.memory_space<vmem_shared>>
        tpu.enqueue_indirect_dma source(%dma_start3A_72 : memref<128x128xf32, #tpu.memory_space<vmem>>) target(%dma_start3A_78 : memref<10112x128xf32, #tpu.memory_space<vmem_shared>>) offsets(%dma_start3A_75 : memref<128xi32, #tpu.memory_space<vmem>>) semaphore(%run_scoped3A_68 : memref<!tpu.dma_semaphore, #tpu.memory_space<semaphore_mem>>) {add = true}
        %dma_wait3A_79 = arith.constant 0 : i32
        %dma_wait3A_80 = arith.constant 0 : i32
        %dma_wait3A_81 = tpu.memref_slice %arg7[%run_scoped3A_46, %dma_wait3A_79, %dma_wait3A_80] : memref<1x128x128xf32, #tpu.memory_space<vmem>> -> memref<1x128x128xf32, #tpu.memory_space<vmem>>
        %dma_wait3A_82 = tpu.memref_squeeze %dma_wait3A_81 : memref<1x128x128xf32, #tpu.memory_space<vmem>> -> memref<128x128xf32, #tpu.memory_space<vmem>>
        %dma_wait3A_83 = arith.constant 0 : i32
        %dma_wait3A_84 = tpu.memref_slice %arg6[%run_scoped3A_47, %run_scoped3A_48, %dma_wait3A_83] : memref<1x2x128xi32, #tpu.memory_space<vmem>> -> memref<1x1x128xi32, #tpu.memory_space<vmem>>
        %dma_wait3A_85 = tpu.memref_squeeze %dma_wait3A_84 : memref<1x1x128xi32, #tpu.memory_space<vmem>> -> memref<128xi32, #tpu.memory_space<vmem>>
        %dma_wait3A_86 = arith.constant 0 : i32
        %dma_wait3A_87 = arith.constant 0 : i32
        %dma_wait3A_88 = tpu.memref_slice %arg8[%dma_wait3A_86, %dma_wait3A_87] : memref<10112x128xf32, #tpu.memory_space<vmem_shared>> -> memref<10112x128xf32, #tpu.memory_space<vmem_shared>>
        tpu.wait_indirect_dma semaphore(%run_scoped3A_68 : memref<!tpu.dma_semaphore, #tpu.memory_space<semaphore_mem>>) src(%dma_wait3A_82 : memref<128x128xf32, #tpu.memory_space<vmem>>) dst(%dma_wait3A_88 : memref<10112x128xf32, #tpu.memory_space<vmem_shared>>)
        tpu.yield
      }) : () -> ()
      %mul3A_49 = arith.constant 1 : i32
      %mul3A_50 = arith.muli %scan3A_32, %mul3A_49 : i32
      %add3A = arith.constant 0 : i32
      %add3A_51 = arith.addi %mul3A_50, %add3A : i32
      %add3A_52 = arith.constant 1 : i32
      %add3A_53 = arith.addi %add3A_51, %add3A_52 : i32
      %run_scoped3A_54 = arith.constant 0 : i32
      "tpu.region"() ({
        %run_scoped3A_68 = tpu.sem_alloc : memref<!tpu.dma_semaphore, #tpu.memory_space<semaphore_mem>>
        %dma_start3A_69 = arith.constant 0 : i32
        %dma_start3A_70 = arith.constant 0 : i32
        %dma_start3A_71 = tpu.memref_slice %arg6[%run_scoped3A_54, %dma_start3A_69, %dma_start3A_70] : memref<1x2x128xi32, #tpu.memory_space<vmem>> -> memref<1x2x128xi32, #tpu.memory_space<vmem>>
        %dma_start3A_72 = tpu.memref_squeeze %dma_start3A_71 : memref<1x2x128xi32, #tpu.memory_space<vmem>> -> memref<2x128xi32, #tpu.memory_space<vmem>>
        %dma_start3A_73 = arith.constant 0 : i32
        %dma_start3A_74 = arith.constant 0 : i32
        %dma_start3A_75 = tpu.memref_slice %arg3[%arg0, %arg1, %add3A_53, %dma_start3A_73, %dma_start3A_74] : memref<2x16x158x2x128xi32, #tpu.memory_space<hbm>> -> memref<1x1x1x2x128xi32, #tpu.memory_space<hbm>>
        %dma_start3A_76 = tpu.memref_squeeze %dma_start3A_75 : memref<1x1x1x2x128xi32, #tpu.memory_space<hbm>> -> memref<2x128xi32, #tpu.memory_space<hbm>>
        %dma_start3A_77 = arith.constant 0 : i32
        %dma_start3A_78 = arith.constant 0 : i32
        %dma_start3A_79 = tpu.memref_slice %arg6[%run_scoped3A_54, %dma_start3A_77, %dma_start3A_78] : memref<1x2x128xi32, #tpu.memory_space<vmem>> -> memref<1x2x128xi32, #tpu.memory_space<vmem>>
        %dma_start3A_80 = tpu.memref_squeeze %dma_start3A_79 : memref<1x2x128xi32, #tpu.memory_space<vmem>> -> memref<2x128xi32, #tpu.memory_space<vmem>>
        %dma_start3A_81 = arith.constant 0 : i32
        %dma_start3A_82 = arith.constant 0 : i32
        %dma_start3A_83 = tpu.memref_slice %arg3[%arg0, %arg1, %add3A_53, %dma_start3A_81, %dma_start3A_82] : memref<2x16x158x2x128xi32, #tpu.memory_space<hbm>> -> memref<1x1x1x2x128xi32, #tpu.memory_space<hbm>>
        %dma_start3A_84 = tpu.memref_squeeze %dma_start3A_83 : memref<1x1x1x2x128xi32, #tpu.memory_space<hbm>> -> memref<2x128xi32, #tpu.memory_space<hbm>>
        tpu.enqueue_dma source(%dma_start3A_84 : memref<2x128xi32, #tpu.memory_space<hbm>>) target(%dma_start3A_80 : memref<2x128xi32, #tpu.memory_space<vmem>>) target_semaphore(%run_scoped3A_68 : memref<!tpu.dma_semaphore, #tpu.memory_space<semaphore_mem>>)
        %dma_wait3A_85 = arith.constant 0 : i32
        %dma_wait3A_86 = arith.constant 0 : i32
        %dma_wait3A_87 = tpu.memref_slice %arg6[%run_scoped3A_54, %dma_wait3A_85, %dma_wait3A_86] : memref<1x2x128xi32, #tpu.memory_space<vmem>> -> memref<1x2x128xi32, #tpu.memory_space<vmem>>
        %dma_wait3A_88 = tpu.memref_squeeze %dma_wait3A_87 : memref<1x2x128xi32, #tpu.memory_space<vmem>> -> memref<2x128xi32, #tpu.memory_space<vmem>>
        %dma_wait3A_89 = arith.constant 0 : i32
        %dma_wait3A_90 = arith.constant 0 : i32
        %dma_wait3A_91 = tpu.memref_slice %arg3[%arg0, %arg1, %add3A_53, %dma_wait3A_89, %dma_wait3A_90] : memref<2x16x158x2x128xi32, #tpu.memory_space<hbm>> -> memref<1x1x1x2x128xi32, #tpu.memory_space<hbm>>
        %dma_wait3A_92 = tpu.memref_squeeze %dma_wait3A_91 : memref<1x1x1x2x128xi32, #tpu.memory_space<hbm>> -> memref<2x128xi32, #tpu.memory_space<hbm>>
        %dma_wait3A_93 = arith.constant 0 : i32
        %dma_wait3A_94 = arith.constant 0 : i32
        %dma_wait3A_95 = tpu.memref_slice %arg6[%run_scoped3A_54, %dma_wait3A_93, %dma_wait3A_94] : memref<1x2x128xi32, #tpu.memory_space<vmem>> -> memref<1x2x128xi32, #tpu.memory_space<vmem>>
        %dma_wait3A_96 = tpu.memref_squeeze %dma_wait3A_95 : memref<1x2x128xi32, #tpu.memory_space<vmem>> -> memref<2x128xi32, #tpu.memory_space<vmem>>
        %dma_wait3A_97 = arith.constant 0 : i32
        %dma_wait3A_98 = arith.constant 0 : i32
        %dma_wait3A_99 = tpu.memref_slice %arg3[%arg0, %arg1, %add3A_53, %dma_wait3A_97, %dma_wait3A_98] : memref<2x16x158x2x128xi32, #tpu.memory_space<hbm>> -> memref<1x1x1x2x128xi32, #tpu.memory_space<hbm>>
        %dma_wait3A_100 = tpu.memref_squeeze %dma_wait3A_99 : memref<1x1x1x2x128xi32, #tpu.memory_space<hbm>> -> memref<2x128xi32, #tpu.memory_space<hbm>>
        tpu.wait_dma2 semaphore(%run_scoped3A_68 : memref<!tpu.dma_semaphore, #tpu.memory_space<semaphore_mem>>) src(%dma_wait3A_100 : memref<2x128xi32, #tpu.memory_space<hbm>>) dst(%dma_wait3A_96 : memref<2x128xi32, #tpu.memory_space<vmem>>)
        tpu.yield
      }) : () -> ()
      %dma_start3A_55 = arith.constant 0 : i32
      %dma_start3A_56 = arith.constant 0 : i32
      %dma_start3A_57 = arith.constant 0 : i32
      %dma_start3A_58 = arith.constant 0 : i32
      %dma_start3A_59 = arith.constant 0 : i32
      %dma_start3A_60 = tpu.memref_slice %arg7[%dma_start3A_57, %dma_start3A_58, %dma_start3A_59] : memref<1x128x128xf32, #tpu.memory_space<vmem>> -> memref<1x128x128xf32, #tpu.memory_space<vmem>>
      %dma_start3A_61 = tpu.memref_squeeze %dma_start3A_60 : memref<1x128x128xf32, #tpu.memory_space<vmem>> -> memref<128x128xf32, #tpu.memory_space<vmem>>
      %dma_start3A_62 = arith.constant 0 : i32
      %dma_start3A_63 = tpu.memref_slice %arg6[%dma_start3A_55, %dma_start3A_56, %dma_start3A_62] : memref<1x2x128xi32, #tpu.memory_space<vmem>> -> memref<1x1x128xi32, #tpu.memory_space<vmem>>
      %dma_start3A_64 = tpu.memref_squeeze %dma_start3A_63 : memref<1x1x128xi32, #tpu.memory_space<vmem>> -> memref<128xi32, #tpu.memory_space<vmem>>
      %dma_start3A_65 = arith.constant 0 : i32
      %dma_start3A_66 = arith.constant 0 : i32
      %dma_start3A_67 = tpu.memref_slice %arg2[%dma_start3A_65, %dma_start3A_66] : memref<20000x128xf32, #tpu.memory_space<hbm>> -> memref<20000x128xf32, #tpu.memory_space<hbm>>
      tpu.enqueue_indirect_dma source(%dma_start3A_67 : memref<20000x128xf32, #tpu.memory_space<hbm>>) target(%dma_start3A_61 : memref<128x128xf32, #tpu.memory_space<vmem>>) offsets(%dma_start3A_64 : memref<128xi32, #tpu.memory_space<vmem>>) semaphore(%arg9 : memref<!tpu.dma_semaphore, #tpu.memory_space<semaphore_mem>>)
    }
    %scan3A_18 = arith.constant 157 : i32
    %dma_wait3A = arith.constant 0 : i32
    %dma_wait3A_19 = arith.constant 0 : i32
    %dma_wait3A_20 = arith.constant 0 : i32
    %dma_wait3A_21 = arith.constant 0 : i32
    %dma_wait3A_22 = arith.constant 0 : i32
    %dma_wait3A_23 = tpu.memref_slice %arg7[%dma_wait3A_20, %dma_wait3A_21, %dma_wait3A_22] : memref<1x128x128xf32, #tpu.memory_space<vmem>> -> memref<1x128x128xf32, #tpu.memory_space<vmem>>
    %dma_wait3A_24 = tpu.memref_squeeze %dma_wait3A_23 : memref<1x128x128xf32, #tpu.memory_space<vmem>> -> memref<128x128xf32, #tpu.memory_space<vmem>>
    %dma_wait3A_25 = arith.constant 0 : i32
    %dma_wait3A_26 = tpu.memref_slice %arg6[%dma_wait3A, %dma_wait3A_19, %dma_wait3A_25] : memref<1x2x128xi32, #tpu.memory_space<vmem>> -> memref<1x1x128xi32, #tpu.memory_space<vmem>>
    %dma_wait3A_27 = tpu.memref_squeeze %dma_wait3A_26 : memref<1x1x128xi32, #tpu.memory_space<vmem>> -> memref<128xi32, #tpu.memory_space<vmem>>
    %dma_wait3A_28 = arith.constant 0 : i32
    %dma_wait3A_29 = arith.constant 0 : i32
    %dma_wait3A_30 = tpu.memref_slice %arg2[%dma_wait3A_28, %dma_wait3A_29] : memref<20000x128xf32, #tpu.memory_space<hbm>> -> memref<20000x128xf32, #tpu.memory_space<hbm>>
    tpu.wait_indirect_dma semaphore(%arg9 : memref<!tpu.dma_semaphore, #tpu.memory_space<semaphore_mem>>) src(%dma_wait3A_30 : memref<20000x128xf32, #tpu.memory_space<hbm>>) dst(%dma_wait3A_24 : memref<128x128xf32, #tpu.memory_space<vmem>>)
    %barrier3A_31 = arith.constant 0 : index
    tpu.barrier barrier_id(%barrier3A_31)
    "tpu.region"() ({
      %run_scoped3A_32 = tpu.sem_alloc : memref<!tpu.dma_semaphore, #tpu.memory_space<semaphore_mem>>
      %dma_start3A_33 = arith.constant 0 : i32
      %dma_start3A_34 = tpu.memref_slice %arg5[%arg0, %mul3A_0, %dma_start3A_33] : memref<2x10112x128xf32, #tpu.memory_space<hbm>> -> memref<1x632x128xf32, #tpu.memory_space<hbm>>
      %dma_start3A_35 = tpu.memref_squeeze %dma_start3A_34 : memref<1x632x128xf32, #tpu.memory_space<hbm>> -> memref<632x128xf32, #tpu.memory_space<hbm>>
      %dma_start3A_36 = arith.constant 0 : i32
      %dma_start3A_37 = tpu.memref_slice %arg8[%mul3A_0, %dma_start3A_36] : memref<10112x128xf32, #tpu.memory_space<vmem_shared>> -> memref<632x128xf32, #tpu.memory_space<vmem_shared>>
      tpu.enqueue_dma source(%dma_start3A_37 : memref<632x128xf32, #tpu.memory_space<vmem_shared>>) target(%dma_start3A_35 : memref<632x128xf32, #tpu.memory_space<hbm>>) target_semaphore(%run_scoped3A_32 : memref<!tpu.dma_semaphore, #tpu.memory_space<semaphore_mem>>)
      %dma_wait3A_38 = arith.constant 0 : i32
      %dma_wait3A_39 = tpu.memref_slice %arg5[%arg0, %mul3A_0, %dma_wait3A_38] : memref<2x10112x128xf32, #tpu.memory_space<hbm>> -> memref<1x632x128xf32, #tpu.memory_space<hbm>>
      %dma_wait3A_40 = tpu.memref_squeeze %dma_wait3A_39 : memref<1x632x128xf32, #tpu.memory_space<hbm>> -> memref<632x128xf32, #tpu.memory_space<hbm>>
      %dma_wait3A_41 = arith.constant 0 : i32
      %dma_wait3A_42 = tpu.memref_slice %arg8[%mul3A_0, %dma_wait3A_41] : memref<10112x128xf32, #tpu.memory_space<vmem_shared>> -> memref<632x128xf32, #tpu.memory_space<vmem_shared>>
      tpu.wait_dma2 semaphore(%run_scoped3A_32 : memref<!tpu.dma_semaphore, #tpu.memory_space<semaphore_mem>>) src(%dma_wait3A_42 : memref<632x128xf32, #tpu.memory_space<vmem_shared>>) dst(%dma_wait3A_40 : memref<632x128xf32, #tpu.memory_space<hbm>>)
      tpu.yield
    }) : () -> ()
    return
  }
}

#map = affine_map<(d0, d1) -> (0, 0)>
#map1 = affine_map<(d0, d1) -> (0, 0, 0, 0, 0)>
#map2 = affine_map<(d0, d1) -> (0, 0, 0)>
module attributes {stable_mosaic.version = 14 : i64} {
  func.func @k(%arg0: i32, %arg1: i32, %arg2: memref<20000x128xf32, #tpu.memory_space<hbm>>, %arg3: memref<2x16x158x2x128xi32, #tpu.memory_space<hbm>>, %arg4: memref<10112x128xf32, #tpu.memory_space<hbm>>, %arg5: memref<2x10112x128xf32, #tpu.memory_space<hbm>>, %arg6: memref<1x2x128xi32, #tpu.memory_space<vmem>>, %arg7: memref<1x128x128xf32, #tpu.memory_space<vmem>>, %arg8: memref<10112x128xf32, #tpu.memory_space<vmem_shared>>, %arg9: memref<!tpu.dma_semaphore, #tpu.memory_space<semaphore_mem>>) attributes {dimension_semantics = [#tpu.dimension_semantics<core_parallel>, #tpu.dimension_semantics<subcore_parallel>], iteration_bounds = array<i64: 2, 16>, scalar_prefetch = 0 : i64, scratch_operands = 4 : i64, tpu.core_type = #tpu.core_type<sc_vector_subcore>, window_params = [{transform_indices = #map}, {transform_indices = #map1}, {transform_indices = #map}, {transform_indices = #map2}]} {
    %mul3A = arith.constant 632 : i32
    %mul3A_0 = arith.muli %arg1, %mul3A : i32
    "tpu.region"() ({
      %run_scoped3A_32 = tpu.sem_alloc : memref<!tpu.dma_semaphore, #tpu.memory_space<semaphore_mem>>
      %dma_start3A_33 = arith.constant 0 : i32
      %dma_start3A_34 = tpu.memref_slice %arg8[%mul3A_0, %dma_start3A_33] : memref<10112x128xf32, #tpu.memory_space<vmem_shared>> -> memref<632x128xf32, #tpu.memory_space<vmem_shared>>
      %dma_start3A_35 = arith.constant 0 : i32
      %dma_start3A_36 = tpu.memref_slice %arg4[%mul3A_0, %dma_start3A_35] : memref<10112x128xf32, #tpu.memory_space<hbm>> -> memref<632x128xf32, #tpu.memory_space<hbm>>
      tpu.enqueue_dma source(%dma_start3A_36 : memref<632x128xf32, #tpu.memory_space<hbm>>) target(%dma_start3A_34 : memref<632x128xf32, #tpu.memory_space<vmem_shared>>) target_semaphore(%run_scoped3A_32 : memref<!tpu.dma_semaphore, #tpu.memory_space<semaphore_mem>>)
      %dma_wait3A_37 = arith.constant 0 : i32
      %dma_wait3A_38 = tpu.memref_slice %arg8[%mul3A_0, %dma_wait3A_37] : memref<10112x128xf32, #tpu.memory_space<vmem_shared>> -> memref<632x128xf32, #tpu.memory_space<vmem_shared>>
      %dma_wait3A_39 = arith.constant 0 : i32
      %dma_wait3A_40 = tpu.memref_slice %arg4[%mul3A_0, %dma_wait3A_39] : memref<10112x128xf32, #tpu.memory_space<hbm>> -> memref<632x128xf32, #tpu.memory_space<hbm>>
      tpu.wait_dma2 semaphore(%run_scoped3A_32 : memref<!tpu.dma_semaphore, #tpu.memory_space<semaphore_mem>>) src(%dma_wait3A_40 : memref<632x128xf32, #tpu.memory_space<hbm>>) dst(%dma_wait3A_38 : memref<632x128xf32, #tpu.memory_space<vmem_shared>>)
      tpu.yield
    }) : () -> ()
    %run_scoped3A = arith.constant 0 : i32
    %run_scoped3A_1 = arith.constant 0 : i32
    "tpu.region"() ({
      %run_scoped3A_32 = tpu.sem_alloc : memref<!tpu.dma_semaphore, #tpu.memory_space<semaphore_mem>>
      %dma_start3A_33 = arith.constant 0 : i32
      %dma_start3A_34 = arith.constant 0 : i32
      %dma_start3A_35 = tpu.memref_slice %arg6[%run_scoped3A_1, %dma_start3A_33, %dma_start3A_34] : memref<1x2x128xi32, #tpu.memory_space<vmem>> -> memref<1x2x128xi32, #tpu.memory_space<vmem>>
      %dma_start3A_36 = tpu.memref_squeeze %dma_start3A_35 : memref<1x2x128xi32, #tpu.memory_space<vmem>> -> memref<2x128xi32, #tpu.memory_space<vmem>>
      %dma_start3A_37 = arith.constant 0 : i32
      %dma_start3A_38 = arith.constant 0 : i32
      %dma_start3A_39 = tpu.memref_slice %arg3[%arg0, %arg1, %run_scoped3A, %dma_start3A_37, %dma_start3A_38] : memref<2x16x158x2x128xi32, #tpu.memory_space<hbm>> -> memref<1x1x1x2x128xi32, #tpu.memory_space<hbm>>
      %dma_start3A_40 = tpu.memref_squeeze %dma_start3A_39 : memref<1x1x1x2x128xi32, #tpu.memory_space<hbm>> -> memref<2x128xi32, #tpu.memory_space<hbm>>
      %dma_start3A_41 = arith.constant 0 : i32
      %dma_start3A_42 = arith.constant 0 : i32
      %dma_start3A_43 = tpu.memref_slice %arg6[%run_scoped3A_1, %dma_start3A_41, %dma_start3A_42] : memref<1x2x128xi32, #tpu.memory_space<vmem>> -> memref<1x2x128xi32, #tpu.memory_space<vmem>>
      %dma_start3A_44 = tpu.memref_squeeze %dma_start3A_43 : memref<1x2x128xi32, #tpu.memory_space<vmem>> -> memref<2x128xi32, #tpu.memory_space<vmem>>
      %dma_start3A_45 = arith.constant 0 : i32
      %dma_start3A_46 = arith.constant 0 : i32
      %dma_start3A_47 = tpu.memref_slice %arg3[%arg0, %arg1, %run_scoped3A, %dma_start3A_45, %dma_start3A_46] : memref<2x16x158x2x128xi32, #tpu.memory_space<hbm>> -> memref<1x1x1x2x128xi32, #tpu.memory_space<hbm>>
      %dma_start3A_48 = tpu.memref_squeeze %dma_start3A_47 : memref<1x1x1x2x128xi32, #tpu.memory_space<hbm>> -> memref<2x128xi32, #tpu.memory_space<hbm>>
      tpu.enqueue_dma source(%dma_start3A_48 : memref<2x128xi32, #tpu.memory_space<hbm>>) target(%dma_start3A_44 : memref<2x128xi32, #tpu.memory_space<vmem>>) target_semaphore(%run_scoped3A_32 : memref<!tpu.dma_semaphore, #tpu.memory_space<semaphore_mem>>)
      %dma_wait3A_49 = arith.constant 0 : i32
      %dma_wait3A_50 = arith.constant 0 : i32
      %dma_wait3A_51 = tpu.memref_slice %arg6[%run_scoped3A_1, %dma_wait3A_49, %dma_wait3A_50] : memref<1x2x128xi32, #tpu.memory_space<vmem>> -> memref<1x2x128xi32, #tpu.memory_space<vmem>>
      %dma_wait3A_52 = tpu.memref_squeeze %dma_wait3A_51 : memref<1x2x128xi32, #tpu.memory_space<vmem>> -> memref<2x128xi32, #tpu.memory_space<vmem>>
      %dma_wait3A_53 = arith.constant 0 : i32
      %dma_wait3A_54 = arith.constant 0 : i32
      %dma_wait3A_55 = tpu.memref_slice %arg3[%arg0, %arg1, %run_scoped3A, %dma_wait3A_53, %dma_wait3A_54] : memref<2x16x158x2x128xi32, #tpu.memory_space<hbm>> -> memref<1x1x1x2x128xi32, #tpu.memory_space<hbm>>
      %dma_wait3A_56 = tpu.memref_squeeze %dma_wait3A_55 : memref<1x1x1x2x128xi32, #tpu.memory_space<hbm>> -> memref<2x128xi32, #tpu.memory_space<hbm>>
      %dma_wait3A_57 = arith.constant 0 : i32
      %dma_wait3A_58 = arith.constant 0 : i32
      %dma_wait3A_59 = tpu.memref_slice %arg6[%run_scoped3A_1, %dma_wait3A_57, %dma_wait3A_58] : memref<1x2x128xi32, #tpu.memory_space<vmem>> -> memref<1x2x128xi32, #tpu.memory_space<vmem>>
      %dma_wait3A_60 = tpu.memref_squeeze %dma_wait3A_59 : memref<1x2x128xi32, #tpu.memory_space<vmem>> -> memref<2x128xi32, #tpu.memory_space<vmem>>
      %dma_wait3A_61 = arith.constant 0 : i32
      %dma_wait3A_62 = arith.constant 0 : i32
      %dma_wait3A_63 = tpu.memref_slice %arg3[%arg0, %arg1, %run_scoped3A, %dma_wait3A_61, %dma_wait3A_62] : memref<2x16x158x2x128xi32, #tpu.memory_space<hbm>> -> memref<1x1x1x2x128xi32, #tpu.memory_space<hbm>>
      %dma_wait3A_64 = tpu.memref_squeeze %dma_wait3A_63 : memref<1x1x1x2x128xi32, #tpu.memory_space<hbm>> -> memref<2x128xi32, #tpu.memory_space<hbm>>
      tpu.wait_dma2 semaphore(%run_scoped3A_32 : memref<!tpu.dma_semaphore, #tpu.memory_space<semaphore_mem>>) src(%dma_wait3A_64 : memref<2x128xi32, #tpu.memory_space<hbm>>) dst(%dma_wait3A_60 : memref<2x128xi32, #tpu.memory_space<vmem>>)
      tpu.yield
    }) : () -> ()
    %dma_start3A = arith.constant 0 : i32
    %dma_start3A_2 = arith.constant 0 : i32
    %dma_start3A_3 = arith.constant 0 : i32
    %dma_start3A_4 = arith.constant 0 : i32
    %dma_start3A_5 = arith.constant 0 : i32
    %dma_start3A_6 = tpu.memref_slice %arg7[%dma_start3A_3, %dma_start3A_4, %dma_start3A_5] : memref<1x128x128xf32, #tpu.memory_space<vmem>> -> memref<1x128x128xf32, #tpu.memory_space<vmem>>
    %dma_start3A_7 = tpu.memref_squeeze %dma_start3A_6 : memref<1x128x128xf32, #tpu.memory_space<vmem>> -> memref<128x128xf32, #tpu.memory_space<vmem>>
    %dma_start3A_8 = arith.constant 0 : i32
    %dma_start3A_9 = tpu.memref_slice %arg6[%dma_start3A, %dma_start3A_2, %dma_start3A_8] : memref<1x2x128xi32, #tpu.memory_space<vmem>> -> memref<1x1x128xi32, #tpu.memory_space<vmem>>
    %dma_start3A_10 = tpu.memref_squeeze %dma_start3A_9 : memref<1x1x128xi32, #tpu.memory_space<vmem>> -> memref<128xi32, #tpu.memory_space<vmem>>
    %dma_start3A_11 = arith.constant 0 : i32
    %dma_start3A_12 = arith.constant 0 : i32
    %dma_start3A_13 = tpu.memref_slice %arg2[%dma_start3A_11, %dma_start3A_12] : memref<20000x128xf32, #tpu.memory_space<hbm>> -> memref<20000x128xf32, #tpu.memory_space<hbm>>
    tpu.enqueue_indirect_dma source(%dma_start3A_13 : memref<20000x128xf32, #tpu.memory_space<hbm>>) target(%dma_start3A_7 : memref<128x128xf32, #tpu.memory_space<vmem>>) offsets(%dma_start3A_10 : memref<128xi32, #tpu.memory_space<vmem>>) semaphore(%arg9 : memref<!tpu.dma_semaphore, #tpu.memory_space<semaphore_mem>>)
    %barrier3A = arith.constant 0 : index
    tpu.barrier barrier_id(%barrier3A)
    %scan3A = arith.constant 0 : i32
    %scan3A_14 = arith.constant 0 : i32
    %scan3A_15 = arith.constant 157 : i32
    %scan3A_16 = arith.addi %scan3A_14, %scan3A_15 : i32
    %scan3A_17 = arith.constant 1 : i32
    scf.for %scan3A_32 = %scan3A_14 to %scan3A_16 step %scan3A_17  : i32 {
      %dma_wait3A_33 = arith.constant 0 : i32
      %dma_wait3A_34 = arith.constant 0 : i32
      %dma_wait3A_35 = arith.constant 0 : i32
      %dma_wait3A_36 = arith.constant 0 : i32
      %dma_wait3A_37 = arith.constant 0 : i32
      %dma_wait3A_38 = tpu.memref_slice %arg7[%dma_wait3A_35, %dma_wait3A_36, %dma_wait3A_37] : memref<1x128x128xf32, #tpu.memory_space<vmem>> -> memref<1x128x128xf32, #tpu.memory_space<vmem>>
      %dma_wait3A_39 = tpu.memref_squeeze %dma_wait3A_38 : memref<1x128x128xf32, #tpu.memory_space<vmem>> -> memref<128x128xf32, #tpu.memory_space<vmem>>
      %dma_wait3A_40 = arith.constant 0 : i32
      %dma_wait3A_41 = tpu.memref_slice %arg6[%dma_wait3A_33, %dma_wait3A_34, %dma_wait3A_40] : memref<1x2x128xi32, #tpu.memory_space<vmem>> -> memref<1x1x128xi32, #tpu.memory_space<vmem>>
      %dma_wait3A_42 = tpu.memref_squeeze %dma_wait3A_41 : memref<1x1x128xi32, #tpu.memory_space<vmem>> -> memref<128xi32, #tpu.memory_space<vmem>>
      %dma_wait3A_43 = arith.constant 0 : i32
      %dma_wait3A_44 = arith.constant 0 : i32
      %dma_wait3A_45 = tpu.memref_slice %arg2[%dma_wait3A_43, %dma_wait3A_44] : memref<20000x128xf32, #tpu.memory_space<hbm>> -> memref<20000x128xf32, #tpu.memory_space<hbm>>
      tpu.wait_indirect_dma semaphore(%arg9 : memref<!tpu.dma_semaphore, #tpu.memory_space<semaphore_mem>>) src(%dma_wait3A_45 : memref<20000x128xf32, #tpu.memory_space<hbm>>) dst(%dma_wait3A_39 : memref<128x128xf32, #tpu.memory_space<vmem>>)
      %run_scoped3A_46 = arith.constant 0 : i32
      %run_scoped3A_47 = arith.constant 0 : i32
      %run_scoped3A_48 = arith.constant 1 : i32
      "tpu.region"() ({
        %run_scoped3A_68 = tpu.sem_alloc : memref<!tpu.dma_semaphore, #tpu.memory_space<semaphore_mem>>
        %dma_start3A_69 = arith.constant 0 : i32
        %dma_start3A_70 = arith.constant 0 : i32
        %dma_start3A_71 = tpu.memref_slice %arg7[%run_scoped3A_46, %dma_start3A_69, %dma_start3A_70] : memref<1x128x128xf32, #tpu.memory_space<vmem>> -> memref<1x128x128xf32, #tpu.memory_space<vmem>>
        %dma_start3A_72 = tpu.memref_squeeze %dma_start3A_71 : memref<1x128x128xf32, #tpu.memory_space<vmem>> -> memref<128x128xf32, #tpu.memory_space<vmem>>
        %dma_start3A_73 = arith.constant 0 : i32
        %dma_start3A_74 = tpu.memref_slice %arg6[%run_scoped3A_47, %run_scoped3A_48, %dma_start3A_73] : memref<1x2x128xi32, #tpu.memory_space<vmem>> -> memref<1x1x128xi32, #tpu.memory_space<vmem>>
        %dma_start3A_75 = tpu.memref_squeeze %dma_start3A_74 : memref<1x1x128xi32, #tpu.memory_space<vmem>> -> memref<128xi32, #tpu.memory_space<vmem>>
        %dma_start3A_76 = arith.constant 0 : i32
        %dma_start3A_77 = arith.constant 0 : i32
        %dma_start3A_78 = tpu.memref_slice %arg8[%dma_start3A_76, %dma_start3A_77] : memref<10112x128xf32, #tpu.memory_space<vmem_shared>> -> memref<10112x128xf32, #tpu.memory_space<vmem_shared>>
        tpu.enqueue_indirect_dma source(%dma_start3A_72 : memref<128x128xf32, #tpu.memory_space<vmem>>) target(%dma_start3A_78 : memref<10112x128xf32, #tpu.memory_space<vmem_shared>>) offsets(%dma_start3A_75 : memref<128xi32, #tpu.memory_space<vmem>>) semaphore(%run_scoped3A_68 : memref<!tpu.dma_semaphore, #tpu.memory_space<semaphore_mem>>) {add = true}
        %dma_wait3A_79 = arith.constant 0 : i32
        %dma_wait3A_80 = arith.constant 0 : i32
        %dma_wait3A_81 = tpu.memref_slice %arg7[%run_scoped3A_46, %dma_wait3A_79, %dma_wait3A_80] : memref<1x128x128xf32, #tpu.memory_space<vmem>> -> memref<1x128x128xf32, #tpu.memory_space<vmem>>
        %dma_wait3A_82 = tpu.memref_squeeze %dma_wait3A_81 : memref<1x128x128xf32, #tpu.memory_space<vmem>> -> memref<128x128xf32, #tpu.memory_space<vmem>>
        %dma_wait3A_83 = arith.constant 0 : i32
        %dma_wait3A_84 = tpu.memref_slice %arg6[%run_scoped3A_47, %run_scoped3A_48, %dma_wait3A_83] : memref<1x2x128xi32, #tpu.memory_space<vmem>> -> memref<1x1x128xi32, #tpu.memory_space<vmem>>
        %dma_wait3A_85 = tpu.memref_squeeze %dma_wait3A_84 : memref<1x1x128xi32, #tpu.memory_space<vmem>> -> memref<128xi32, #tpu.memory_space<vmem>>
        %dma_wait3A_86 = arith.constant 0 : i32
        %dma_wait3A_87 = arith.constant 0 : i32
        %dma_wait3A_88 = tpu.memref_slice %arg8[%dma_wait3A_86, %dma_wait3A_87] : memref<10112x128xf32, #tpu.memory_space<vmem_shared>> -> memref<10112x128xf32, #tpu.memory_space<vmem_shared>>
        tpu.wait_indirect_dma semaphore(%run_scoped3A_68 : memref<!tpu.dma_semaphore, #tpu.memory_space<semaphore_mem>>) src(%dma_wait3A_82 : memref<128x128xf32, #tpu.memory_space<vmem>>) dst(%dma_wait3A_88 : memref<10112x128xf32, #tpu.memory_space<vmem_shared>>)
        tpu.yield
      }) : () -> ()
      %mul3A_49 = arith.constant 1 : i32
      %mul3A_50 = arith.muli %scan3A_32, %mul3A_49 : i32
      %add3A = arith.constant 0 : i32
      %add3A_51 = arith.addi %mul3A_50, %add3A : i32
      %add3A_52 = arith.constant 1 : i32
      %add3A_53 = arith.addi %add3A_51, %add3A_52 : i32
      %run_scoped3A_54 = arith.constant 0 : i32
      "tpu.region"() ({
        %run_scoped3A_68 = tpu.sem_alloc : memref<!tpu.dma_semaphore, #tpu.memory_space<semaphore_mem>>
        %dma_start3A_69 = arith.constant 0 : i32
        %dma_start3A_70 = arith.constant 0 : i32
        %dma_start3A_71 = tpu.memref_slice %arg6[%run_scoped3A_54, %dma_start3A_69, %dma_start3A_70] : memref<1x2x128xi32, #tpu.memory_space<vmem>> -> memref<1x2x128xi32, #tpu.memory_space<vmem>>
        %dma_start3A_72 = tpu.memref_squeeze %dma_start3A_71 : memref<1x2x128xi32, #tpu.memory_space<vmem>> -> memref<2x128xi32, #tpu.memory_space<vmem>>
        %dma_start3A_73 = arith.constant 0 : i32
        %dma_start3A_74 = arith.constant 0 : i32
        %dma_start3A_75 = tpu.memref_slice %arg3[%arg0, %arg1, %add3A_53, %dma_start3A_73, %dma_start3A_74] : memref<2x16x158x2x128xi32, #tpu.memory_space<hbm>> -> memref<1x1x1x2x128xi32, #tpu.memory_space<hbm>>
        %dma_start3A_76 = tpu.memref_squeeze %dma_start3A_75 : memref<1x1x1x2x128xi32, #tpu.memory_space<hbm>> -> memref<2x128xi32, #tpu.memory_space<hbm>>
        %dma_start3A_77 = arith.constant 0 : i32
        %dma_start3A_78 = arith.constant 0 : i32
        %dma_start3A_79 = tpu.memref_slice %arg6[%run_scoped3A_54, %dma_start3A_77, %dma_start3A_78] : memref<1x2x128xi32, #tpu.memory_space<vmem>> -> memref<1x2x128xi32, #tpu.memory_space<vmem>>
        %dma_start3A_80 = tpu.memref_squeeze %dma_start3A_79 : memref<1x2x128xi32, #tpu.memory_space<vmem>> -> memref<2x128xi32, #tpu.memory_space<vmem>>
        %dma_start3A_81 = arith.constant 0 : i32
        %dma_start3A_82 = arith.constant 0 : i32
        %dma_start3A_83 = tpu.memref_slice %arg3[%arg0, %arg1, %add3A_53, %dma_start3A_81, %dma_start3A_82] : memref<2x16x158x2x128xi32, #tpu.memory_space<hbm>> -> memref<1x1x1x2x128xi32, #tpu.memory_space<hbm>>
        %dma_start3A_84 = tpu.memref_squeeze %dma_start3A_83 : memref<1x1x1x2x128xi32, #tpu.memory_space<hbm>> -> memref<2x128xi32, #tpu.memory_space<hbm>>
        tpu.enqueue_dma source(%dma_start3A_84 : memref<2x128xi32, #tpu.memory_space<hbm>>) target(%dma_start3A_80 : memref<2x128xi32, #tpu.memory_space<vmem>>) target_semaphore(%run_scoped3A_68 : memref<!tpu.dma_semaphore, #tpu.memory_space<semaphore_mem>>)
        %dma_wait3A_85 = arith.constant 0 : i32
        %dma_wait3A_86 = arith.constant 0 : i32
        %dma_wait3A_87 = tpu.memref_slice %arg6[%run_scoped3A_54, %dma_wait3A_85, %dma_wait3A_86] : memref<1x2x128xi32, #tpu.memory_space<vmem>> -> memref<1x2x128xi32, #tpu.memory_space<vmem>>
        %dma_wait3A_88 = tpu.memref_squeeze %dma_wait3A_87 : memref<1x2x128xi32, #tpu.memory_space<vmem>> -> memref<2x128xi32, #tpu.memory_space<vmem>>
        %dma_wait3A_89 = arith.constant 0 : i32
        %dma_wait3A_90 = arith.constant 0 : i32
        %dma_wait3A_91 = tpu.memref_slice %arg3[%arg0, %arg1, %add3A_53, %dma_wait3A_89, %dma_wait3A_90] : memref<2x16x158x2x128xi32, #tpu.memory_space<hbm>> -> memref<1x1x1x2x128xi32, #tpu.memory_space<hbm>>
        %dma_wait3A_92 = tpu.memref_squeeze %dma_wait3A_91 : memref<1x1x1x2x128xi32, #tpu.memory_space<hbm>> -> memref<2x128xi32, #tpu.memory_space<hbm>>
        %dma_wait3A_93 = arith.constant 0 : i32
        %dma_wait3A_94 = arith.constant 0 : i32
        %dma_wait3A_95 = tpu.memref_slice %arg6[%run_scoped3A_54, %dma_wait3A_93, %dma_wait3A_94] : memref<1x2x128xi32, #tpu.memory_space<vmem>> -> memref<1x2x128xi32, #tpu.memory_space<vmem>>
        %dma_wait3A_96 = tpu.memref_squeeze %dma_wait3A_95 : memref<1x2x128xi32, #tpu.memory_space<vmem>> -> memref<2x128xi32, #tpu.memory_space<vmem>>
        %dma_wait3A_97 = arith.constant 0 : i32
        %dma_wait3A_98 = arith.constant 0 : i32
        %dma_wait3A_99 = tpu.memref_slice %arg3[%arg0, %arg1, %add3A_53, %dma_wait3A_97, %dma_wait3A_98] : memref<2x16x158x2x128xi32, #tpu.memory_space<hbm>> -> memref<1x1x1x2x128xi32, #tpu.memory_space<hbm>>
        %dma_wait3A_100 = tpu.memref_squeeze %dma_wait3A_99 : memref<1x1x1x2x128xi32, #tpu.memory_space<hbm>> -> memref<2x128xi32, #tpu.memory_space<hbm>>
        tpu.wait_dma2 semaphore(%run_scoped3A_68 : memref<!tpu.dma_semaphore, #tpu.memory_space<semaphore_mem>>) src(%dma_wait3A_100 : memref<2x128xi32, #tpu.memory_space<hbm>>) dst(%dma_wait3A_96 : memref<2x128xi32, #tpu.memory_space<vmem>>)
        tpu.yield
      }) : () -> ()
      %dma_start3A_55 = arith.constant 0 : i32
      %dma_start3A_56 = arith.constant 0 : i32
      %dma_start3A_57 = arith.constant 0 : i32
      %dma_start3A_58 = arith.constant 0 : i32
      %dma_start3A_59 = arith.constant 0 : i32
      %dma_start3A_60 = tpu.memref_slice %arg7[%dma_start3A_57, %dma_start3A_58, %dma_start3A_59] : memref<1x128x128xf32, #tpu.memory_space<vmem>> -> memref<1x128x128xf32, #tpu.memory_space<vmem>>
      %dma_start3A_61 = tpu.memref_squeeze %dma_start3A_60 : memref<1x128x128xf32, #tpu.memory_space<vmem>> -> memref<128x128xf32, #tpu.memory_space<vmem>>
      %dma_start3A_62 = arith.constant 0 : i32
      %dma_start3A_63 = tpu.memref_slice %arg6[%dma_start3A_55, %dma_start3A_56, %dma_start3A_62] : memref<1x2x128xi32, #tpu.memory_space<vmem>> -> memref<1x1x128xi32, #tpu.memory_space<vmem>>
      %dma_start3A_64 = tpu.memref_squeeze %dma_start3A_63 : memref<1x1x128xi32, #tpu.memory_space<vmem>> -> memref<128xi32, #tpu.memory_space<vmem>>
      %dma_start3A_65 = arith.constant 0 : i32
      %dma_start3A_66 = arith.constant 0 : i32
      %dma_start3A_67 = tpu.memref_slice %arg2[%dma_start3A_65, %dma_start3A_66] : memref<20000x128xf32, #tpu.memory_space<hbm>> -> memref<20000x128xf32, #tpu.memory_space<hbm>>
      tpu.enqueue_indirect_dma source(%dma_start3A_67 : memref<20000x128xf32, #tpu.memory_space<hbm>>) target(%dma_start3A_61 : memref<128x128xf32, #tpu.memory_space<vmem>>) offsets(%dma_start3A_64 : memref<128xi32, #tpu.memory_space<vmem>>) semaphore(%arg9 : memref<!tpu.dma_semaphore, #tpu.memory_space<semaphore_mem>>)
    }
    %scan3A_18 = arith.constant 157 : i32
    %dma_wait3A = arith.constant 0 : i32
    %dma_wait3A_19 = arith.constant 0 : i32
    %dma_wait3A_20 = arith.constant 0 : i32
    %dma_wait3A_21 = arith.constant 0 : i32
    %dma_wait3A_22 = arith.constant 0 : i32
    %dma_wait3A_23 = tpu.memref_slice %arg7[%dma_wait3A_20, %dma_wait3A_21, %dma_wait3A_22] : memref<1x128x128xf32, #tpu.memory_space<vmem>> -> memref<1x128x128xf32, #tpu.memory_space<vmem>>
    %dma_wait3A_24 = tpu.memref_squeeze %dma_wait3A_23 : memref<1x128x128xf32, #tpu.memory_space<vmem>> -> memref<128x128xf32, #tpu.memory_space<vmem>>
    %dma_wait3A_25 = arith.constant 0 : i32
    %dma_wait3A_26 = tpu.memref_slice %arg6[%dma_wait3A, %dma_wait3A_19, %dma_wait3A_25] : memref<1x2x128xi32, #tpu.memory_space<vmem>> -> memref<1x1x128xi32, #tpu.memory_space<vmem>>
    %dma_wait3A_27 = tpu.memref_squeeze %dma_wait3A_26 : memref<1x1x128xi32, #tpu.memory_space<vmem>> -> memref<128xi32, #tpu.memory_space<vmem>>
    %dma_wait3A_28 = arith.constant 0 : i32
    %dma_wait3A_29 = arith.constant 0 : i32
    %dma_wait3A_30 = tpu.memref_slice %arg2[%dma_wait3A_28, %dma_wait3A_29] : memref<20000x128xf32, #tpu.memory_space<hbm>> -> memref<20000x128xf32, #tpu.memory_space<hbm>>
    tpu.wait_indirect_dma semaphore(%arg9 : memref<!tpu.dma_semaphore, #tpu.memory_space<semaphore_mem>>) src(%dma_wait3A_30 : memref<20000x128xf32, #tpu.memory_space<hbm>>) dst(%dma_wait3A_24 : memref<128x128xf32, #tpu.memory_space<vmem>>)
    %barrier3A_31 = arith.constant 0 : index
    tpu.barrier barrier_id(%barrier3A_31)
    "tpu.region"() ({
      %run_scoped3A_32 = tpu.sem_alloc : memref<!tpu.dma_semaphore, #tpu.memory_space<semaphore_mem>>
      %dma_start3A_33 = arith.constant 0 : i32
      %dma_start3A_34 = tpu.memref_slice %arg5[%arg0, %mul3A_0, %dma_start3A_33] : memref<2x10112x128xf32, #tpu.memory_space<hbm>> -> memref<1x632x128xf32, #tpu.memory_space<hbm>>
      %dma_start3A_35 = tpu.memref_squeeze %dma_start3A_34 : memref<1x632x128xf32, #tpu.memory_space<hbm>> -> memref<632x128xf32, #tpu.memory_space<hbm>>
      %dma_start3A_36 = arith.constant 0 : i32
      %dma_start3A_37 = tpu.memref_slice %arg8[%mul3A_0, %dma_start3A_36] : memref<10112x128xf32, #tpu.memory_space<vmem_shared>> -> memref<632x128xf32, #tpu.memory_space<vmem_shared>>
      tpu.enqueue_dma source(%dma_start3A_37 : memref<632x128xf32, #tpu.memory_space<vmem_shared>>) target(%dma_start3A_35 : memref<632x128xf32, #tpu.memory_space<hbm>>) target_semaphore(%run_scoped3A_32 : memref<!tpu.dma_semaphore, #tpu.memory_space<semaphore_mem>>)
      %dma_wait3A_38 = arith.constant 0 : i32
      %dma_wait3A_39 = tpu.memref_slice %arg5[%arg0, %mul3A_0, %dma_wait3A_38] : memref<2x10112x128xf32, #tpu.memory_space<hbm>> -> memref<1x632x128xf32, #tpu.memory_space<hbm>>
      %dma_wait3A_40 = tpu.memref_squeeze %dma_wait3A_39 : memref<1x632x128xf32, #tpu.memory_space<hbm>> -> memref<632x128xf32, #tpu.memory_space<hbm>>
      %dma_wait3A_41 = arith.constant 0 : i32
      %dma_wait3A_42 = tpu.memref_slice %arg8[%mul3A_0, %dma_wait3A_41] : memref<10112x128xf32, #tpu.memory_space<vmem_shared>> -> memref<632x128xf32, #tpu.memory_space<vmem_shared>>
      tpu.wait_dma2 semaphore(%run_scoped3A_32 : memref<!tpu.dma_semaphore, #tpu.memory_space<semaphore_mem>>) src(%dma_wait3A_42 : memref<632x128xf32, #tpu.memory_space<vmem_shared>>) dst(%dma_wait3A_40 : memref<632x128xf32, #tpu.memory_space<hbm>>)
      tpu.yield
    }) : () -> ()
    return
  }
}

#map = affine_map<(d0, d1) -> (0, 0)>
#map1 = affine_map<(d0, d1) -> (0, 0, 0, 0, 0)>
#map2 = affine_map<(d0, d1) -> (0, 0, 0)>
module attributes {stable_mosaic.version = 14 : i64} {
  func.func @k(%arg0: i32, %arg1: i32, %arg2: memref<20000x128xf32, #tpu.memory_space<hbm>>, %arg3: memref<2x16x158x2x128xi32, #tpu.memory_space<hbm>>, %arg4: memref<10112x128xf32, #tpu.memory_space<hbm>>, %arg5: memref<2x10112x128xf32, #tpu.memory_space<hbm>>, %arg6: memref<1x2x128xi32, #tpu.memory_space<vmem>>, %arg7: memref<1x128x128xf32, #tpu.memory_space<vmem>>, %arg8: memref<10112x128xf32, #tpu.memory_space<vmem_shared>>, %arg9: memref<!tpu.dma_semaphore, #tpu.memory_space<semaphore_mem>>) attributes {dimension_semantics = [#tpu.dimension_semantics<core_parallel>, #tpu.dimension_semantics<subcore_parallel>], iteration_bounds = array<i64: 2, 16>, scalar_prefetch = 0 : i64, scratch_operands = 4 : i64, tpu.core_type = #tpu.core_type<sc_vector_subcore>, window_params = [{transform_indices = #map}, {transform_indices = #map1}, {transform_indices = #map}, {transform_indices = #map2}]} {
    %mul3A = arith.constant 632 : i32
    %mul3A_0 = arith.muli %arg1, %mul3A : i32
    "tpu.region"() ({
      %run_scoped3A_32 = tpu.sem_alloc : memref<!tpu.dma_semaphore, #tpu.memory_space<semaphore_mem>>
      %dma_start3A_33 = arith.constant 0 : i32
      %dma_start3A_34 = tpu.memref_slice %arg8[%mul3A_0, %dma_start3A_33] : memref<10112x128xf32, #tpu.memory_space<vmem_shared>> -> memref<632x128xf32, #tpu.memory_space<vmem_shared>>
      %dma_start3A_35 = arith.constant 0 : i32
      %dma_start3A_36 = tpu.memref_slice %arg4[%mul3A_0, %dma_start3A_35] : memref<10112x128xf32, #tpu.memory_space<hbm>> -> memref<632x128xf32, #tpu.memory_space<hbm>>
      tpu.enqueue_dma source(%dma_start3A_36 : memref<632x128xf32, #tpu.memory_space<hbm>>) target(%dma_start3A_34 : memref<632x128xf32, #tpu.memory_space<vmem_shared>>) target_semaphore(%run_scoped3A_32 : memref<!tpu.dma_semaphore, #tpu.memory_space<semaphore_mem>>)
      %dma_wait3A_37 = arith.constant 0 : i32
      %dma_wait3A_38 = tpu.memref_slice %arg8[%mul3A_0, %dma_wait3A_37] : memref<10112x128xf32, #tpu.memory_space<vmem_shared>> -> memref<632x128xf32, #tpu.memory_space<vmem_shared>>
      %dma_wait3A_39 = arith.constant 0 : i32
      %dma_wait3A_40 = tpu.memref_slice %arg4[%mul3A_0, %dma_wait3A_39] : memref<10112x128xf32, #tpu.memory_space<hbm>> -> memref<632x128xf32, #tpu.memory_space<hbm>>
      tpu.wait_dma2 semaphore(%run_scoped3A_32 : memref<!tpu.dma_semaphore, #tpu.memory_space<semaphore_mem>>) src(%dma_wait3A_40 : memref<632x128xf32, #tpu.memory_space<hbm>>) dst(%dma_wait3A_38 : memref<632x128xf32, #tpu.memory_space<vmem_shared>>)
      tpu.yield
    }) : () -> ()
    %run_scoped3A = arith.constant 0 : i32
    %run_scoped3A_1 = arith.constant 0 : i32
    "tpu.region"() ({
      %run_scoped3A_32 = tpu.sem_alloc : memref<!tpu.dma_semaphore, #tpu.memory_space<semaphore_mem>>
      %dma_start3A_33 = arith.constant 0 : i32
      %dma_start3A_34 = arith.constant 0 : i32
      %dma_start3A_35 = tpu.memref_slice %arg6[%run_scoped3A_1, %dma_start3A_33, %dma_start3A_34] : memref<1x2x128xi32, #tpu.memory_space<vmem>> -> memref<1x2x128xi32, #tpu.memory_space<vmem>>
      %dma_start3A_36 = tpu.memref_squeeze %dma_start3A_35 : memref<1x2x128xi32, #tpu.memory_space<vmem>> -> memref<2x128xi32, #tpu.memory_space<vmem>>
      %dma_start3A_37 = arith.constant 0 : i32
      %dma_start3A_38 = arith.constant 0 : i32
      %dma_start3A_39 = tpu.memref_slice %arg3[%arg0, %arg1, %run_scoped3A, %dma_start3A_37, %dma_start3A_38] : memref<2x16x158x2x128xi32, #tpu.memory_space<hbm>> -> memref<1x1x1x2x128xi32, #tpu.memory_space<hbm>>
      %dma_start3A_40 = tpu.memref_squeeze %dma_start3A_39 : memref<1x1x1x2x128xi32, #tpu.memory_space<hbm>> -> memref<2x128xi32, #tpu.memory_space<hbm>>
      %dma_start3A_41 = arith.constant 0 : i32
      %dma_start3A_42 = arith.constant 0 : i32
      %dma_start3A_43 = tpu.memref_slice %arg6[%run_scoped3A_1, %dma_start3A_41, %dma_start3A_42] : memref<1x2x128xi32, #tpu.memory_space<vmem>> -> memref<1x2x128xi32, #tpu.memory_space<vmem>>
      %dma_start3A_44 = tpu.memref_squeeze %dma_start3A_43 : memref<1x2x128xi32, #tpu.memory_space<vmem>> -> memref<2x128xi32, #tpu.memory_space<vmem>>
      %dma_start3A_45 = arith.constant 0 : i32
      %dma_start3A_46 = arith.constant 0 : i32
      %dma_start3A_47 = tpu.memref_slice %arg3[%arg0, %arg1, %run_scoped3A, %dma_start3A_45, %dma_start3A_46] : memref<2x16x158x2x128xi32, #tpu.memory_space<hbm>> -> memref<1x1x1x2x128xi32, #tpu.memory_space<hbm>>
      %dma_start3A_48 = tpu.memref_squeeze %dma_start3A_47 : memref<1x1x1x2x128xi32, #tpu.memory_space<hbm>> -> memref<2x128xi32, #tpu.memory_space<hbm>>
      tpu.enqueue_dma source(%dma_start3A_48 : memref<2x128xi32, #tpu.memory_space<hbm>>) target(%dma_start3A_44 : memref<2x128xi32, #tpu.memory_space<vmem>>) target_semaphore(%run_scoped3A_32 : memref<!tpu.dma_semaphore, #tpu.memory_space<semaphore_mem>>)
      %dma_wait3A_49 = arith.constant 0 : i32
      %dma_wait3A_50 = arith.constant 0 : i32
      %dma_wait3A_51 = tpu.memref_slice %arg6[%run_scoped3A_1, %dma_wait3A_49, %dma_wait3A_50] : memref<1x2x128xi32, #tpu.memory_space<vmem>> -> memref<1x2x128xi32, #tpu.memory_space<vmem>>
      %dma_wait3A_52 = tpu.memref_squeeze %dma_wait3A_51 : memref<1x2x128xi32, #tpu.memory_space<vmem>> -> memref<2x128xi32, #tpu.memory_space<vmem>>
      %dma_wait3A_53 = arith.constant 0 : i32
      %dma_wait3A_54 = arith.constant 0 : i32
      %dma_wait3A_55 = tpu.memref_slice %arg3[%arg0, %arg1, %run_scoped3A, %dma_wait3A_53, %dma_wait3A_54] : memref<2x16x158x2x128xi32, #tpu.memory_space<hbm>> -> memref<1x1x1x2x128xi32, #tpu.memory_space<hbm>>
      %dma_wait3A_56 = tpu.memref_squeeze %dma_wait3A_55 : memref<1x1x1x2x128xi32, #tpu.memory_space<hbm>> -> memref<2x128xi32, #tpu.memory_space<hbm>>
      %dma_wait3A_57 = arith.constant 0 : i32
      %dma_wait3A_58 = arith.constant 0 : i32
      %dma_wait3A_59 = tpu.memref_slice %arg6[%run_scoped3A_1, %dma_wait3A_57, %dma_wait3A_58] : memref<1x2x128xi32, #tpu.memory_space<vmem>> -> memref<1x2x128xi32, #tpu.memory_space<vmem>>
      %dma_wait3A_60 = tpu.memref_squeeze %dma_wait3A_59 : memref<1x2x128xi32, #tpu.memory_space<vmem>> -> memref<2x128xi32, #tpu.memory_space<vmem>>
      %dma_wait3A_61 = arith.constant 0 : i32
      %dma_wait3A_62 = arith.constant 0 : i32
      %dma_wait3A_63 = tpu.memref_slice %arg3[%arg0, %arg1, %run_scoped3A, %dma_wait3A_61, %dma_wait3A_62] : memref<2x16x158x2x128xi32, #tpu.memory_space<hbm>> -> memref<1x1x1x2x128xi32, #tpu.memory_space<hbm>>
      %dma_wait3A_64 = tpu.memref_squeeze %dma_wait3A_63 : memref<1x1x1x2x128xi32, #tpu.memory_space<hbm>> -> memref<2x128xi32, #tpu.memory_space<hbm>>
      tpu.wait_dma2 semaphore(%run_scoped3A_32 : memref<!tpu.dma_semaphore, #tpu.memory_space<semaphore_mem>>) src(%dma_wait3A_64 : memref<2x128xi32, #tpu.memory_space<hbm>>) dst(%dma_wait3A_60 : memref<2x128xi32, #tpu.memory_space<vmem>>)
      tpu.yield
    }) : () -> ()
    %dma_start3A = arith.constant 0 : i32
    %dma_start3A_2 = arith.constant 0 : i32
    %dma_start3A_3 = arith.constant 0 : i32
    %dma_start3A_4 = arith.constant 0 : i32
    %dma_start3A_5 = arith.constant 0 : i32
    %dma_start3A_6 = tpu.memref_slice %arg7[%dma_start3A_3, %dma_start3A_4, %dma_start3A_5] : memref<1x128x128xf32, #tpu.memory_space<vmem>> -> memref<1x128x128xf32, #tpu.memory_space<vmem>>
    %dma_start3A_7 = tpu.memref_squeeze %dma_start3A_6 : memref<1x128x128xf32, #tpu.memory_space<vmem>> -> memref<128x128xf32, #tpu.memory_space<vmem>>
    %dma_start3A_8 = arith.constant 0 : i32
    %dma_start3A_9 = tpu.memref_slice %arg6[%dma_start3A, %dma_start3A_2, %dma_start3A_8] : memref<1x2x128xi32, #tpu.memory_space<vmem>> -> memref<1x1x128xi32, #tpu.memory_space<vmem>>
    %dma_start3A_10 = tpu.memref_squeeze %dma_start3A_9 : memref<1x1x128xi32, #tpu.memory_space<vmem>> -> memref<128xi32, #tpu.memory_space<vmem>>
    %dma_start3A_11 = arith.constant 0 : i32
    %dma_start3A_12 = arith.constant 0 : i32
    %dma_start3A_13 = tpu.memref_slice %arg2[%dma_start3A_11, %dma_start3A_12] : memref<20000x128xf32, #tpu.memory_space<hbm>> -> memref<20000x128xf32, #tpu.memory_space<hbm>>
    tpu.enqueue_indirect_dma source(%dma_start3A_13 : memref<20000x128xf32, #tpu.memory_space<hbm>>) target(%dma_start3A_7 : memref<128x128xf32, #tpu.memory_space<vmem>>) offsets(%dma_start3A_10 : memref<128xi32, #tpu.memory_space<vmem>>) semaphore(%arg9 : memref<!tpu.dma_semaphore, #tpu.memory_space<semaphore_mem>>)
    %barrier3A = arith.constant 0 : index
    tpu.barrier barrier_id(%barrier3A)
    %scan3A = arith.constant 0 : i32
    %scan3A_14 = arith.constant 0 : i32
    %scan3A_15 = arith.constant 157 : i32
    %scan3A_16 = arith.addi %scan3A_14, %scan3A_15 : i32
    %scan3A_17 = arith.constant 1 : i32
    scf.for %scan3A_32 = %scan3A_14 to %scan3A_16 step %scan3A_17  : i32 {
      %dma_wait3A_33 = arith.constant 0 : i32
      %dma_wait3A_34 = arith.constant 0 : i32
      %dma_wait3A_35 = arith.constant 0 : i32
      %dma_wait3A_36 = arith.constant 0 : i32
      %dma_wait3A_37 = arith.constant 0 : i32
      %dma_wait3A_38 = tpu.memref_slice %arg7[%dma_wait3A_35, %dma_wait3A_36, %dma_wait3A_37] : memref<1x128x128xf32, #tpu.memory_space<vmem>> -> memref<1x128x128xf32, #tpu.memory_space<vmem>>
      %dma_wait3A_39 = tpu.memref_squeeze %dma_wait3A_38 : memref<1x128x128xf32, #tpu.memory_space<vmem>> -> memref<128x128xf32, #tpu.memory_space<vmem>>
      %dma_wait3A_40 = arith.constant 0 : i32
      %dma_wait3A_41 = tpu.memref_slice %arg6[%dma_wait3A_33, %dma_wait3A_34, %dma_wait3A_40] : memref<1x2x128xi32, #tpu.memory_space<vmem>> -> memref<1x1x128xi32, #tpu.memory_space<vmem>>
      %dma_wait3A_42 = tpu.memref_squeeze %dma_wait3A_41 : memref<1x1x128xi32, #tpu.memory_space<vmem>> -> memref<128xi32, #tpu.memory_space<vmem>>
      %dma_wait3A_43 = arith.constant 0 : i32
      %dma_wait3A_44 = arith.constant 0 : i32
      %dma_wait3A_45 = tpu.memref_slice %arg2[%dma_wait3A_43, %dma_wait3A_44] : memref<20000x128xf32, #tpu.memory_space<hbm>> -> memref<20000x128xf32, #tpu.memory_space<hbm>>
      tpu.wait_indirect_dma semaphore(%arg9 : memref<!tpu.dma_semaphore, #tpu.memory_space<semaphore_mem>>) src(%dma_wait3A_45 : memref<20000x128xf32, #tpu.memory_space<hbm>>) dst(%dma_wait3A_39 : memref<128x128xf32, #tpu.memory_space<vmem>>)
      %run_scoped3A_46 = arith.constant 0 : i32
      %run_scoped3A_47 = arith.constant 0 : i32
      %run_scoped3A_48 = arith.constant 1 : i32
      "tpu.region"() ({
        %run_scoped3A_68 = tpu.sem_alloc : memref<!tpu.dma_semaphore, #tpu.memory_space<semaphore_mem>>
        %dma_start3A_69 = arith.constant 0 : i32
        %dma_start3A_70 = arith.constant 0 : i32
        %dma_start3A_71 = tpu.memref_slice %arg7[%run_scoped3A_46, %dma_start3A_69, %dma_start3A_70] : memref<1x128x128xf32, #tpu.memory_space<vmem>> -> memref<1x128x128xf32, #tpu.memory_space<vmem>>
        %dma_start3A_72 = tpu.memref_squeeze %dma_start3A_71 : memref<1x128x128xf32, #tpu.memory_space<vmem>> -> memref<128x128xf32, #tpu.memory_space<vmem>>
        %dma_start3A_73 = arith.constant 0 : i32
        %dma_start3A_74 = tpu.memref_slice %arg6[%run_scoped3A_47, %run_scoped3A_48, %dma_start3A_73] : memref<1x2x128xi32, #tpu.memory_space<vmem>> -> memref<1x1x128xi32, #tpu.memory_space<vmem>>
        %dma_start3A_75 = tpu.memref_squeeze %dma_start3A_74 : memref<1x1x128xi32, #tpu.memory_space<vmem>> -> memref<128xi32, #tpu.memory_space<vmem>>
        %dma_start3A_76 = arith.constant 0 : i32
        %dma_start3A_77 = arith.constant 0 : i32
        %dma_start3A_78 = tpu.memref_slice %arg8[%dma_start3A_76, %dma_start3A_77] : memref<10112x128xf32, #tpu.memory_space<vmem_shared>> -> memref<10112x128xf32, #tpu.memory_space<vmem_shared>>
        tpu.enqueue_indirect_dma source(%dma_start3A_72 : memref<128x128xf32, #tpu.memory_space<vmem>>) target(%dma_start3A_78 : memref<10112x128xf32, #tpu.memory_space<vmem_shared>>) offsets(%dma_start3A_75 : memref<128xi32, #tpu.memory_space<vmem>>) semaphore(%run_scoped3A_68 : memref<!tpu.dma_semaphore, #tpu.memory_space<semaphore_mem>>) {add = true}
        %dma_wait3A_79 = arith.constant 0 : i32
        %dma_wait3A_80 = arith.constant 0 : i32
        %dma_wait3A_81 = tpu.memref_slice %arg7[%run_scoped3A_46, %dma_wait3A_79, %dma_wait3A_80] : memref<1x128x128xf32, #tpu.memory_space<vmem>> -> memref<1x128x128xf32, #tpu.memory_space<vmem>>
        %dma_wait3A_82 = tpu.memref_squeeze %dma_wait3A_81 : memref<1x128x128xf32, #tpu.memory_space<vmem>> -> memref<128x128xf32, #tpu.memory_space<vmem>>
        %dma_wait3A_83 = arith.constant 0 : i32
        %dma_wait3A_84 = tpu.memref_slice %arg6[%run_scoped3A_47, %run_scoped3A_48, %dma_wait3A_83] : memref<1x2x128xi32, #tpu.memory_space<vmem>> -> memref<1x1x128xi32, #tpu.memory_space<vmem>>
        %dma_wait3A_85 = tpu.memref_squeeze %dma_wait3A_84 : memref<1x1x128xi32, #tpu.memory_space<vmem>> -> memref<128xi32, #tpu.memory_space<vmem>>
        %dma_wait3A_86 = arith.constant 0 : i32
        %dma_wait3A_87 = arith.constant 0 : i32
        %dma_wait3A_88 = tpu.memref_slice %arg8[%dma_wait3A_86, %dma_wait3A_87] : memref<10112x128xf32, #tpu.memory_space<vmem_shared>> -> memref<10112x128xf32, #tpu.memory_space<vmem_shared>>
        tpu.wait_indirect_dma semaphore(%run_scoped3A_68 : memref<!tpu.dma_semaphore, #tpu.memory_space<semaphore_mem>>) src(%dma_wait3A_82 : memref<128x128xf32, #tpu.memory_space<vmem>>) dst(%dma_wait3A_88 : memref<10112x128xf32, #tpu.memory_space<vmem_shared>>)
        tpu.yield
      }) : () -> ()
      %mul3A_49 = arith.constant 1 : i32
      %mul3A_50 = arith.muli %scan3A_32, %mul3A_49 : i32
      %add3A = arith.constant 0 : i32
      %add3A_51 = arith.addi %mul3A_50, %add3A : i32
      %add3A_52 = arith.constant 1 : i32
      %add3A_53 = arith.addi %add3A_51, %add3A_52 : i32
      %run_scoped3A_54 = arith.constant 0 : i32
      "tpu.region"() ({
        %run_scoped3A_68 = tpu.sem_alloc : memref<!tpu.dma_semaphore, #tpu.memory_space<semaphore_mem>>
        %dma_start3A_69 = arith.constant 0 : i32
        %dma_start3A_70 = arith.constant 0 : i32
        %dma_start3A_71 = tpu.memref_slice %arg6[%run_scoped3A_54, %dma_start3A_69, %dma_start3A_70] : memref<1x2x128xi32, #tpu.memory_space<vmem>> -> memref<1x2x128xi32, #tpu.memory_space<vmem>>
        %dma_start3A_72 = tpu.memref_squeeze %dma_start3A_71 : memref<1x2x128xi32, #tpu.memory_space<vmem>> -> memref<2x128xi32, #tpu.memory_space<vmem>>
        %dma_start3A_73 = arith.constant 0 : i32
        %dma_start3A_74 = arith.constant 0 : i32
        %dma_start3A_75 = tpu.memref_slice %arg3[%arg0, %arg1, %add3A_53, %dma_start3A_73, %dma_start3A_74] : memref<2x16x158x2x128xi32, #tpu.memory_space<hbm>> -> memref<1x1x1x2x128xi32, #tpu.memory_space<hbm>>
        %dma_start3A_76 = tpu.memref_squeeze %dma_start3A_75 : memref<1x1x1x2x128xi32, #tpu.memory_space<hbm>> -> memref<2x128xi32, #tpu.memory_space<hbm>>
        %dma_start3A_77 = arith.constant 0 : i32
        %dma_start3A_78 = arith.constant 0 : i32
        %dma_start3A_79 = tpu.memref_slice %arg6[%run_scoped3A_54, %dma_start3A_77, %dma_start3A_78] : memref<1x2x128xi32, #tpu.memory_space<vmem>> -> memref<1x2x128xi32, #tpu.memory_space<vmem>>
        %dma_start3A_80 = tpu.memref_squeeze %dma_start3A_79 : memref<1x2x128xi32, #tpu.memory_space<vmem>> -> memref<2x128xi32, #tpu.memory_space<vmem>>
        %dma_start3A_81 = arith.constant 0 : i32
        %dma_start3A_82 = arith.constant 0 : i32
        %dma_start3A_83 = tpu.memref_slice %arg3[%arg0, %arg1, %add3A_53, %dma_start3A_81, %dma_start3A_82] : memref<2x16x158x2x128xi32, #tpu.memory_space<hbm>> -> memref<1x1x1x2x128xi32, #tpu.memory_space<hbm>>
        %dma_start3A_84 = tpu.memref_squeeze %dma_start3A_83 : memref<1x1x1x2x128xi32, #tpu.memory_space<hbm>> -> memref<2x128xi32, #tpu.memory_space<hbm>>
        tpu.enqueue_dma source(%dma_start3A_84 : memref<2x128xi32, #tpu.memory_space<hbm>>) target(%dma_start3A_80 : memref<2x128xi32, #tpu.memory_space<vmem>>) target_semaphore(%run_scoped3A_68 : memref<!tpu.dma_semaphore, #tpu.memory_space<semaphore_mem>>)
        %dma_wait3A_85 = arith.constant 0 : i32
        %dma_wait3A_86 = arith.constant 0 : i32
        %dma_wait3A_87 = tpu.memref_slice %arg6[%run_scoped3A_54, %dma_wait3A_85, %dma_wait3A_86] : memref<1x2x128xi32, #tpu.memory_space<vmem>> -> memref<1x2x128xi32, #tpu.memory_space<vmem>>
        %dma_wait3A_88 = tpu.memref_squeeze %dma_wait3A_87 : memref<1x2x128xi32, #tpu.memory_space<vmem>> -> memref<2x128xi32, #tpu.memory_space<vmem>>
        %dma_wait3A_89 = arith.constant 0 : i32
        %dma_wait3A_90 = arith.constant 0 : i32
        %dma_wait3A_91 = tpu.memref_slice %arg3[%arg0, %arg1, %add3A_53, %dma_wait3A_89, %dma_wait3A_90] : memref<2x16x158x2x128xi32, #tpu.memory_space<hbm>> -> memref<1x1x1x2x128xi32, #tpu.memory_space<hbm>>
        %dma_wait3A_92 = tpu.memref_squeeze %dma_wait3A_91 : memref<1x1x1x2x128xi32, #tpu.memory_space<hbm>> -> memref<2x128xi32, #tpu.memory_space<hbm>>
        %dma_wait3A_93 = arith.constant 0 : i32
        %dma_wait3A_94 = arith.constant 0 : i32
        %dma_wait3A_95 = tpu.memref_slice %arg6[%run_scoped3A_54, %dma_wait3A_93, %dma_wait3A_94] : memref<1x2x128xi32, #tpu.memory_space<vmem>> -> memref<1x2x128xi32, #tpu.memory_space<vmem>>
        %dma_wait3A_96 = tpu.memref_squeeze %dma_wait3A_95 : memref<1x2x128xi32, #tpu.memory_space<vmem>> -> memref<2x128xi32, #tpu.memory_space<vmem>>
        %dma_wait3A_97 = arith.constant 0 : i32
        %dma_wait3A_98 = arith.constant 0 : i32
        %dma_wait3A_99 = tpu.memref_slice %arg3[%arg0, %arg1, %add3A_53, %dma_wait3A_97, %dma_wait3A_98] : memref<2x16x158x2x128xi32, #tpu.memory_space<hbm>> -> memref<1x1x1x2x128xi32, #tpu.memory_space<hbm>>
        %dma_wait3A_100 = tpu.memref_squeeze %dma_wait3A_99 : memref<1x1x1x2x128xi32, #tpu.memory_space<hbm>> -> memref<2x128xi32, #tpu.memory_space<hbm>>
        tpu.wait_dma2 semaphore(%run_scoped3A_68 : memref<!tpu.dma_semaphore, #tpu.memory_space<semaphore_mem>>) src(%dma_wait3A_100 : memref<2x128xi32, #tpu.memory_space<hbm>>) dst(%dma_wait3A_96 : memref<2x128xi32, #tpu.memory_space<vmem>>)
        tpu.yield
      }) : () -> ()
      %dma_start3A_55 = arith.constant 0 : i32
      %dma_start3A_56 = arith.constant 0 : i32
      %dma_start3A_57 = arith.constant 0 : i32
      %dma_start3A_58 = arith.constant 0 : i32
      %dma_start3A_59 = arith.constant 0 : i32
      %dma_start3A_60 = tpu.memref_slice %arg7[%dma_start3A_57, %dma_start3A_58, %dma_start3A_59] : memref<1x128x128xf32, #tpu.memory_space<vmem>> -> memref<1x128x128xf32, #tpu.memory_space<vmem>>
      %dma_start3A_61 = tpu.memref_squeeze %dma_start3A_60 : memref<1x128x128xf32, #tpu.memory_space<vmem>> -> memref<128x128xf32, #tpu.memory_space<vmem>>
      %dma_start3A_62 = arith.constant 0 : i32
      %dma_start3A_63 = tpu.memref_slice %arg6[%dma_start3A_55, %dma_start3A_56, %dma_start3A_62] : memref<1x2x128xi32, #tpu.memory_space<vmem>> -> memref<1x1x128xi32, #tpu.memory_space<vmem>>
      %dma_start3A_64 = tpu.memref_squeeze %dma_start3A_63 : memref<1x1x128xi32, #tpu.memory_space<vmem>> -> memref<128xi32, #tpu.memory_space<vmem>>
      %dma_start3A_65 = arith.constant 0 : i32
      %dma_start3A_66 = arith.constant 0 : i32
      %dma_start3A_67 = tpu.memref_slice %arg2[%dma_start3A_65, %dma_start3A_66] : memref<20000x128xf32, #tpu.memory_space<hbm>> -> memref<20000x128xf32, #tpu.memory_space<hbm>>
      tpu.enqueue_indirect_dma source(%dma_start3A_67 : memref<20000x128xf32, #tpu.memory_space<hbm>>) target(%dma_start3A_61 : memref<128x128xf32, #tpu.memory_space<vmem>>) offsets(%dma_start3A_64 : memref<128xi32, #tpu.memory_space<vmem>>) semaphore(%arg9 : memref<!tpu.dma_semaphore, #tpu.memory_space<semaphore_mem>>)
    }
    %scan3A_18 = arith.constant 157 : i32
    %dma_wait3A = arith.constant 0 : i32
    %dma_wait3A_19 = arith.constant 0 : i32
    %dma_wait3A_20 = arith.constant 0 : i32
    %dma_wait3A_21 = arith.constant 0 : i32
    %dma_wait3A_22 = arith.constant 0 : i32
    %dma_wait3A_23 = tpu.memref_slice %arg7[%dma_wait3A_20, %dma_wait3A_21, %dma_wait3A_22] : memref<1x128x128xf32, #tpu.memory_space<vmem>> -> memref<1x128x128xf32, #tpu.memory_space<vmem>>
    %dma_wait3A_24 = tpu.memref_squeeze %dma_wait3A_23 : memref<1x128x128xf32, #tpu.memory_space<vmem>> -> memref<128x128xf32, #tpu.memory_space<vmem>>
    %dma_wait3A_25 = arith.constant 0 : i32
    %dma_wait3A_26 = tpu.memref_slice %arg6[%dma_wait3A, %dma_wait3A_19, %dma_wait3A_25] : memref<1x2x128xi32, #tpu.memory_space<vmem>> -> memref<1x1x128xi32, #tpu.memory_space<vmem>>
    %dma_wait3A_27 = tpu.memref_squeeze %dma_wait3A_26 : memref<1x1x128xi32, #tpu.memory_space<vmem>> -> memref<128xi32, #tpu.memory_space<vmem>>
    %dma_wait3A_28 = arith.constant 0 : i32
    %dma_wait3A_29 = arith.constant 0 : i32
    %dma_wait3A_30 = tpu.memref_slice %arg2[%dma_wait3A_28, %dma_wait3A_29] : memref<20000x128xf32, #tpu.memory_space<hbm>> -> memref<20000x128xf32, #tpu.memory_space<hbm>>
    tpu.wait_indirect_dma semaphore(%arg9 : memref<!tpu.dma_semaphore, #tpu.memory_space<semaphore_mem>>) src(%dma_wait3A_30 : memref<20000x128xf32, #tpu.memory_space<hbm>>) dst(%dma_wait3A_24 : memref<128x128xf32, #tpu.memory_space<vmem>>)
    %barrier3A_31 = arith.constant 0 : index
    tpu.barrier barrier_id(%barrier3A_31)
    "tpu.region"() ({
      %run_scoped3A_32 = tpu.sem_alloc : memref<!tpu.dma_semaphore, #tpu.memory_space<semaphore_mem>>
      %dma_start3A_33 = arith.constant 0 : i32
      %dma_start3A_34 = tpu.memref_slice %arg5[%arg0, %mul3A_0, %dma_start3A_33] : memref<2x10112x128xf32, #tpu.memory_space<hbm>> -> memref<1x632x128xf32, #tpu.memory_space<hbm>>
      %dma_start3A_35 = tpu.memref_squeeze %dma_start3A_34 : memref<1x632x128xf32, #tpu.memory_space<hbm>> -> memref<632x128xf32, #tpu.memory_space<hbm>>
      %dma_start3A_36 = arith.constant 0 : i32
      %dma_start3A_37 = tpu.memref_slice %arg8[%mul3A_0, %dma_start3A_36] : memref<10112x128xf32, #tpu.memory_space<vmem_shared>> -> memref<632x128xf32, #tpu.memory_space<vmem_shared>>
      tpu.enqueue_dma source(%dma_start3A_37 : memref<632x128xf32, #tpu.memory_space<vmem_shared>>) target(%dma_start3A_35 : memref<632x128xf32, #tpu.memory_space<hbm>>) target_semaphore(%run_scoped3A_32 : memref<!tpu.dma_semaphore, #tpu.memory_space<semaphore_mem>>)
      %dma_wait3A_38 = arith.constant 0 : i32
      %dma_wait3A_39 = tpu.memref_slice %arg5[%arg0, %mul3A_0, %dma_wait3A_38] : memref<2x10112x128xf32, #tpu.memory_space<hbm>> -> memref<1x632x128xf32, #tpu.memory_space<hbm>>
      %dma_wait3A_40 = tpu.memref_squeeze %dma_wait3A_39 : memref<1x632x128xf32, #tpu.memory_space<hbm>> -> memref<632x128xf32, #tpu.memory_space<hbm>>
      %dma_wait3A_41 = arith.constant 0 : i32
      %dma_wait3A_42 = tpu.memref_slice %arg8[%mul3A_0, %dma_wait3A_41] : memref<10112x128xf32, #tpu.memory_space<vmem_shared>> -> memref<632x128xf32, #tpu.memory_space<vmem_shared>>
      tpu.wait_dma2 semaphore(%run_scoped3A_32 : memref<!tpu.dma_semaphore, #tpu.memory_space<semaphore_mem>>) src(%dma_wait3A_42 : memref<632x128xf32, #tpu.memory_space<vmem_shared>>) dst(%dma_wait3A_40 : memref<632x128xf32, #tpu.memory_space<hbm>>)
      tpu.yield
    }) : () -> ()
    return
  }
}

module attributes {stable_mosaic.version = 14 : i64} {
  func.func @_pre_body(%arg0: i32, %arg1: memref<2000x128xf32, #tpu.memory_space<vmem>>, %arg2: memref<128x256xf32, #tpu.memory_space<vmem>>, %arg3: memref<1x256xf32, #tpu.memory_space<vmem>>, %arg4: memref<1x256xf32, #tpu.memory_space<vmem>>, %arg5: memref<1x256xf32, #tpu.memory_space<vmem>>, %arg6: memref<256x256xf32, #tpu.memory_space<vmem>>, %arg7: memref<2000x256xf32, #tpu.memory_space<vmem>>, %arg8: memref<2000x256xf32, #tpu.memory_space<vmem>>) attributes {dimension_semantics = [#tpu.dimension_semantics<arbitrary>], iteration_bounds = array<i64: 5>, scalar_prefetch = 0 : i64, scratch_operands = 0 : i64, tpu.core_type = #tpu.core_type<tc>, window_params = [{transform_indices = @transform_0, window_bounds = array<i64: 2000, 128>}, {pipeline_mode = #tpu.pipeline_mode<synchronous>, transform_indices = @transform_1, window_bounds = array<i64: 128, 256>}, {pipeline_mode = #tpu.pipeline_mode<synchronous>, transform_indices = @transform_2, window_bounds = array<i64: 1, 256>}, {pipeline_mode = #tpu.pipeline_mode<synchronous>, transform_indices = @transform_3, window_bounds = array<i64: 1, 256>}, {pipeline_mode = #tpu.pipeline_mode<synchronous>, transform_indices = @transform_4, window_bounds = array<i64: 1, 256>}, {pipeline_mode = #tpu.pipeline_mode<synchronous>, transform_indices = @transform_5, window_bounds = array<i64: 256, 256>}, {transform_indices = @transform_6, window_bounds = array<i64: 2000, 256>}, {transform_indices = @transform_7, window_bounds = array<i64: 2000, 256>}]} {
    %get3A = arith.constant 0 : index
    %get3A_0 = arith.constant 0 : index
    %get3A_1 = vector.load %arg1[%get3A, %get3A_0] : memref<2000x128xf32, #tpu.memory_space<vmem>>, vector<2000x128xf32>
    %get3A_2 = arith.constant 0 : index
    %get3A_3 = arith.constant 0 : index
    %get3A_4 = vector.load %arg2[%get3A_2, %get3A_3] : memref<128x256xf32, #tpu.memory_space<vmem>>, vector<128x256xf32>
    %dot_general3A = arith.constant dense<0.000000e+00> : vector<2000x256xf32>
    %dot_general3A_5 = tpu.matmul %get3A_1, %get3A_4, %dot_general3A {dimension_numbers = #tpu.dot_dimension_numbers<[1], [0], [0], [1], [0, 0, 1, 1], [], []>, transpose_lhs_hint = false} : vector<2000x128xf32>, vector<128x256xf32>, vector<2000x256xf32> -> vector<2000x256xf32>
    %get3A_6 = arith.constant 0 : index
    %get3A_7 = arith.constant 0 : index
    %get3A_8 = vector.load %arg3[%get3A_6, %get3A_7] : memref<1x256xf32, #tpu.memory_space<vmem>>, vector<1x256xf32>
    %add3A = vector.broadcast %get3A_8 : vector<1x256xf32> to vector<2000x256xf32>
    %add3A_9 = arith.addf %dot_general3A_5, %add3A : vector<2000x256xf32>
    %max3A = arith.constant 0.000000e+00 : f32
    %max3A_10 = vector.broadcast %max3A : f32 to vector<2000x256xf32>
    %max3A_11 = arith.maximumf %add3A_9, %max3A_10 : vector<2000x256xf32>
    %reduce_sum3A = arith.constant dense<0.000000e+00> : vector<2000xf32>
    %reduce_sum3A_12 = vector.multi_reduction <add>, %max3A_11, %reduce_sum3A [1] : vector<2000x256xf32> to vector<2000xf32>
    %broadcast_in_dim3A = vector.shape_cast %reduce_sum3A_12 : vector<2000xf32> to vector<2000x1xf32>
    %div3A = arith.constant 2.560000e+02 : f32
    %div3A_13 = vector.broadcast %div3A : f32 to vector<2000x1xf32>
    %div3A_14 = arith.divf %broadcast_in_dim3A, %div3A_13 : vector<2000x1xf32>
    %sub3A = vector.broadcast %div3A_14 : vector<2000x1xf32> to vector<2000x256xf32>
    %sub3A_15 = arith.subf %max3A_11, %sub3A : vector<2000x256xf32>
    %integer_pow3A = arith.mulf %sub3A_15, %sub3A_15 : vector<2000x256xf32>
    %reduce_sum3A_16 = arith.constant dense<0.000000e+00> : vector<2000xf32>
    %reduce_sum3A_17 = vector.multi_reduction <add>, %integer_pow3A, %reduce_sum3A_16 [1] : vector<2000x256xf32> to vector<2000xf32>
    %broadcast_in_dim3A_18 = vector.shape_cast %reduce_sum3A_17 : vector<2000xf32> to vector<2000x1xf32>
    %div3A_19 = arith.constant 2.560000e+02 : f32
    %div3A_20 = vector.broadcast %div3A_19 : f32 to vector<2000x1xf32>
    %div3A_21 = arith.divf %broadcast_in_dim3A_18, %div3A_20 : vector<2000x1xf32>
    %sub3A_22 = vector.broadcast %div3A_14 : vector<2000x1xf32> to vector<2000x256xf32>
    %sub3A_23 = arith.subf %max3A_11, %sub3A_22 : vector<2000x256xf32>
    %add3A_24 = arith.constant 9.99999974E-6 : f32
    %add3A_25 = vector.broadcast %add3A_24 : f32 to vector<2000x1xf32>
    %add3A_26 = arith.addf %div3A_21, %add3A_25 : vector<2000x1xf32>
    %rsqrt3A = math.rsqrt %add3A_26 : vector<2000x1xf32>
    %mul3A = vector.broadcast %rsqrt3A : vector<2000x1xf32> to vector<2000x256xf32>
    %mul3A_27 = arith.mulf %sub3A_23, %mul3A : vector<2000x256xf32>
    %get3A_28 = arith.constant 0 : index
    %get3A_29 = arith.constant 0 : index
    %get3A_30 = vector.load %arg4[%get3A_28, %get3A_29] : memref<1x256xf32, #tpu.memory_space<vmem>>, vector<1x256xf32>
    %mul3A_31 = vector.broadcast %get3A_30 : vector<1x256xf32> to vector<2000x256xf32>
    %mul3A_32 = arith.mulf %mul3A_27, %mul3A_31 : vector<2000x256xf32>
    %get3A_33 = arith.constant 0 : index
    %get3A_34 = arith.constant 0 : index
    %get3A_35 = vector.load %arg5[%get3A_33, %get3A_34] : memref<1x256xf32, #tpu.memory_space<vmem>>, vector<1x256xf32>
    %add3A_36 = vector.broadcast %get3A_35 : vector<1x256xf32> to vector<2000x256xf32>
    %add3A_37 = arith.addf %mul3A_32, %add3A_36 : vector<2000x256xf32>
    %swap3A = arith.constant 0 : index
    %swap3A_38 = arith.constant 0 : index
    %swap3A_39 = vector.load %arg7[%swap3A, %swap3A_38] : memref<2000x256xf32, #tpu.memory_space<vmem>>, vector<2000x256xf32>
    tpu.vector_store %arg7[%swap3A, %swap3A_38], %add3A_37 {strides = array<i32>} : memref<2000x256xf32, #tpu.memory_space<vmem>>, vector<2000x256xf32>,
    %get3A_40 = arith.constant 0 : index
    %get3A_41 = arith.constant 0 : index
    %get3A_42 = vector.load %arg6[%get3A_40, %get3A_41] : memref<256x256xf32, #tpu.memory_space<vmem>>, vector<256x256xf32>
    %dot_general3A_43 = arith.constant dense<0.000000e+00> : vector<2000x256xf32>
    %dot_general3A_44 = tpu.matmul %add3A_37, %get3A_42, %dot_general3A_43 {dimension_numbers = #tpu.dot_dimension_numbers<[1], [0], [0], [1], [0, 0, 1, 1], [], []>, transpose_lhs_hint = false} : vector<2000x256xf32>, vector<256x256xf32>, vector<2000x256xf32> -> vector<2000x256xf32>
    %swap3A_45 = arith.constant 0 : index
    %swap3A_46 = arith.constant 0 : index
    %swap3A_47 = vector.load %arg8[%swap3A_45, %swap3A_46] : memref<2000x256xf32, #tpu.memory_space<vmem>>, vector<2000x256xf32>
    tpu.vector_store %arg8[%swap3A_45, %swap3A_46], %dot_general3A_44 {strides = array<i32>} : memref<2000x256xf32, #tpu.memory_space<vmem>>, vector<2000x256xf32>,
    return
  }
  func.func @transform_0(%arg0: i32) -> (i32, i32) {
    %c0_i32 = arith.constant 0 : i32
    %c0_i32_0 = arith.constant 0 : i32
    return %arg0, %c0_i32 : i32, i32
  }
  func.func @transform_1(%arg0: i32) -> (i32, i32) {
    %c0_i32 = arith.constant 0 : i32
    %c0_i32_0 = arith.constant 0 : i32
    %c0_i32_1 = arith.constant 0 : i32
    return %c0_i32, %c0_i32_0 : i32, i32
  }
  func.func @transform_2(%arg0: i32) -> (i32, i32) {
    %c0_i32 = arith.constant 0 : i32
    %c0_i32_0 = arith.constant 0 : i32
    %c0_i32_1 = arith.constant 0 : i32
    return %c0_i32, %c0_i32_0 : i32, i32
  }
  func.func @transform_3(%arg0: i32) -> (i32, i32) {
    %c0_i32 = arith.constant 0 : i32
    %c0_i32_0 = arith.constant 0 : i32
    %c0_i32_1 = arith.constant 0 : i32
    return %c0_i32, %c0_i32_0 : i32, i32
  }
  func.func @transform_4(%arg0: i32) -> (i32, i32) {
    %c0_i32 = arith.constant 0 : i32
    %c0_i32_0 = arith.constant 0 : i32
    %c0_i32_1 = arith.constant 0 : i32
    return %c0_i32, %c0_i32_0 : i32, i32
  }
  func.func @transform_5(%arg0: i32) -> (i32, i32) {
    %c0_i32 = arith.constant 0 : i32
    %c0_i32_0 = arith.constant 0 : i32
    %c0_i32_1 = arith.constant 0 : i32
    return %c0_i32, %c0_i32_0 : i32, i32
  }
  func.func @transform_6(%arg0: i32) -> (i32, i32) {
    %c0_i32 = arith.constant 0 : i32
    %c0_i32_0 = arith.constant 0 : i32
    return %arg0, %c0_i32 : i32, i32
  }
  func.func @transform_7(%arg0: i32) -> (i32, i32) {
    %c0_i32 = arith.constant 0 : i32
    %c0_i32_0 = arith.constant 0 : i32
    return %arg0, %c0_i32 : i32, i32
  }
}

module attributes {stable_mosaic.version = 14 : i64} {
  func.func @_step_body(%arg0: i32, %arg1: memref<2000x256xf32, #tpu.memory_space<vmem>>, %arg2: memref<2000x128xf32, #tpu.memory_space<vmem>>, %arg3: memref<2000x128xf32, #tpu.memory_space<vmem>>, %arg4: memref<256x768xf32, #tpu.memory_space<vmem>>, %arg5: memref<1x768xf32, #tpu.memory_space<vmem>>, %arg6: memref<256x768xf32, #tpu.memory_space<vmem>>, %arg7: memref<1x768xf32, #tpu.memory_space<vmem>>, %arg8: memref<256x256xf32, #tpu.memory_space<vmem>>, %arg9: memref<2000x256xf32, #tpu.memory_space<vmem>>, %arg10: memref<2000x256xf32, #tpu.memory_space<vmem>>) attributes {dimension_semantics = [#tpu.dimension_semantics<arbitrary>], iteration_bounds = array<i64: 5>, scalar_prefetch = 0 : i64, scratch_operands = 0 : i64, tpu.core_type = #tpu.core_type<tc>, window_params = [{transform_indices = @transform_0, window_bounds = array<i64: 2000, 256>}, {transform_indices = @transform_1, window_bounds = array<i64: 2000, 128>}, {transform_indices = @transform_2, window_bounds = array<i64: 2000, 128>}, {pipeline_mode = #tpu.pipeline_mode<synchronous>, transform_indices = @transform_3, window_bounds = array<i64: 256, 768>}, {pipeline_mode = #tpu.pipeline_mode<synchronous>, transform_indices = @transform_4, window_bounds = array<i64: 1, 768>}, {pipeline_mode = #tpu.pipeline_mode<synchronous>, transform_indices = @transform_5, window_bounds = array<i64: 256, 768>}, {pipeline_mode = #tpu.pipeline_mode<synchronous>, transform_indices = @transform_6, window_bounds = array<i64: 1, 768>}, {pipeline_mode = #tpu.pipeline_mode<synchronous>, transform_indices = @transform_7, window_bounds = array<i64: 256, 256>}, {transform_indices = @transform_8, window_bounds = array<i64: 2000, 256>}, {transform_indices = @transform_9, window_bounds = array<i64: 2000, 256>}]} {
    %get3A = arith.constant 0 : index
    %get3A_0 = arith.constant 0 : index
    %get3A_1 = vector.load %arg1[%get3A, %get3A_0] : memref<2000x256xf32, #tpu.memory_space<vmem>>, vector<2000x256xf32>
    %get3A_2 = arith.constant 0 : index
    %get3A_3 = arith.constant 0 : index
    %get3A_4 = vector.load %arg2[%get3A_2, %get3A_3] : memref<2000x128xf32, #tpu.memory_space<vmem>>, vector<2000x128xf32>
    %get3A_5 = arith.constant 0 : index
    %get3A_6 = arith.constant 0 : index
    %get3A_7 = vector.load %arg3[%get3A_5, %get3A_6] : memref<2000x128xf32, #tpu.memory_space<vmem>>, vector<2000x128xf32>
    %get3A_8 = arith.constant 0 : index
    %get3A_9 = arith.constant 0 : index
    %get3A_10 = vector.load %arg4[%get3A_8, %get3A_9] : memref<256x768xf32, #tpu.memory_space<vmem>>, vector<256x768xf32>
    %get3A_11 = arith.constant 0 : index
    %get3A_12 = arith.constant 0 : index
    %get3A_13 = vector.load %arg5[%get3A_11, %get3A_12] : memref<1x768xf32, #tpu.memory_space<vmem>>, vector<1x768xf32>
    %get3A_14 = arith.constant 0 : index
    %get3A_15 = arith.constant 0 : index
    %get3A_16 = vector.load %arg6[%get3A_14, %get3A_15] : memref<256x768xf32, #tpu.memory_space<vmem>>, vector<256x768xf32>
    %get3A_17 = arith.constant 0 : index
    %get3A_18 = arith.constant 0 : index
    %get3A_19 = vector.load %arg7[%get3A_17, %get3A_18] : memref<1x768xf32, #tpu.memory_space<vmem>>, vector<1x768xf32>
    %slice3A = vector.extract_strided_slice %get3A_10 {offsets = [0, 0], sizes = [128, 768], strides = [1, 1]} : vector<256x768xf32> to vector<128x768xf32>
    %dot_general3A = arith.constant dense<0.000000e+00> : vector<2000x768xf32>
    %dot_general3A_20 = tpu.matmul %get3A_4, %slice3A, %dot_general3A {dimension_numbers = #tpu.dot_dimension_numbers<[1], [0], [0], [1], [0, 0, 1, 1], [], []>, transpose_lhs_hint = false} : vector<2000x128xf32>, vector<128x768xf32>, vector<2000x768xf32> -> vector<2000x768xf32>
    %slice3A_21 = vector.extract_strided_slice %get3A_10 {offsets = [128, 0], sizes = [128, 768], strides = [1, 1]} : vector<256x768xf32> to vector<128x768xf32>
    %dot_general3A_22 = arith.constant dense<0.000000e+00> : vector<2000x768xf32>
    %dot_general3A_23 = tpu.matmul %get3A_7, %slice3A_21, %dot_general3A_22 {dimension_numbers = #tpu.dot_dimension_numbers<[1], [0], [0], [1], [0, 0, 1, 1], [], []>, transpose_lhs_hint = false} : vector<2000x128xf32>, vector<128x768xf32>, vector<2000x768xf32> -> vector<2000x768xf32>
    %add3A = arith.addf %dot_general3A_20, %dot_general3A_23 : vector<2000x768xf32>
    %add3A_24 = vector.broadcast %get3A_13 : vector<1x768xf32> to vector<2000x768xf32>
    %add3A_25 = arith.addf %add3A, %add3A_24 : vector<2000x768xf32>
    %dot_general3A_26 = arith.constant dense<0.000000e+00> : vector<2000x768xf32>
    %dot_general3A_27 = tpu.matmul %get3A_1, %get3A_16, %dot_general3A_26 {dimension_numbers = #tpu.dot_dimension_numbers<[1], [0], [0], [1], [0, 0, 1, 1], [], []>, transpose_lhs_hint = false} : vector<2000x256xf32>, vector<256x768xf32>, vector<2000x768xf32> -> vector<2000x768xf32>
    %add3A_28 = vector.broadcast %get3A_19 : vector<1x768xf32> to vector<2000x768xf32>
    %add3A_29 = arith.addf %dot_general3A_27, %add3A_28 : vector<2000x768xf32>
    %slice3A_30 = vector.extract_strided_slice %add3A_25 {offsets = [0, 0], sizes = [2000, 256], strides = [1, 1]} : vector<2000x768xf32> to vector<2000x256xf32>
    %slice3A_31 = vector.extract_strided_slice %add3A_25 {offsets = [0, 256], sizes = [2000, 256], strides = [1, 1]} : vector<2000x768xf32> to vector<2000x256xf32>
    %slice3A_32 = vector.extract_strided_slice %add3A_25 {offsets = [0, 512], sizes = [2000, 256], strides = [1, 1]} : vector<2000x768xf32> to vector<2000x256xf32>
    %slice3A_33 = vector.extract_strided_slice %add3A_29 {offsets = [0, 0], sizes = [2000, 256], strides = [1, 1]} : vector<2000x768xf32> to vector<2000x256xf32>
    %slice3A_34 = vector.extract_strided_slice %add3A_29 {offsets = [0, 256], sizes = [2000, 256], strides = [1, 1]} : vector<2000x768xf32> to vector<2000x256xf32>
    %slice3A_35 = vector.extract_strided_slice %add3A_29 {offsets = [0, 512], sizes = [2000, 256], strides = [1, 1]} : vector<2000x768xf32> to vector<2000x256xf32>
    %add3A_36 = arith.addf %slice3A_30, %slice3A_33 : vector<2000x256xf32>
    %logistic3A = arith.negf %add3A_36 : vector<2000x256xf32>
    %logistic3A_37 = math.exp %logistic3A : vector<2000x256xf32>
    %logistic3A_38 = arith.constant 1.000000e+00 : f32
    %logistic3A_39 = vector.broadcast %logistic3A_38 : f32 to vector<2000x256xf32>
    %logistic3A_40 = arith.addf %logistic3A_39, %logistic3A_37 : vector<2000x256xf32>
    %logistic3A_41 = arith.divf %logistic3A_39, %logistic3A_40 : vector<2000x256xf32>
    %add3A_42 = arith.addf %slice3A_31, %slice3A_34 : vector<2000x256xf32>
    %logistic3A_43 = arith.negf %add3A_42 : vector<2000x256xf32>
    %logistic3A_44 = math.exp %logistic3A_43 : vector<2000x256xf32>
    %logistic3A_45 = arith.constant 1.000000e+00 : f32
    %logistic3A_46 = vector.broadcast %logistic3A_45 : f32 to vector<2000x256xf32>
    %logistic3A_47 = arith.addf %logistic3A_46, %logistic3A_44 : vector<2000x256xf32>
    %logistic3A_48 = arith.divf %logistic3A_46, %logistic3A_47 : vector<2000x256xf32>
    %mul3A = arith.mulf %logistic3A_41, %slice3A_35 : vector<2000x256xf32>
    %add3A_49 = arith.addf %slice3A_32, %mul3A : vector<2000x256xf32>
    %tanh3A = math.tanh %add3A_49 : vector<2000x256xf32>
    %sub3A = arith.constant 1.000000e+00 : f32
    %sub3A_50 = vector.broadcast %sub3A : f32 to vector<2000x256xf32>
    %sub3A_51 = arith.subf %sub3A_50, %logistic3A_48 : vector<2000x256xf32>
    %mul3A_52 = arith.mulf %sub3A_51, %tanh3A : vector<2000x256xf32>
    %mul3A_53 = arith.mulf %logistic3A_48, %get3A_1 : vector<2000x256xf32>
    %add3A_54 = arith.addf %mul3A_52, %mul3A_53 : vector<2000x256xf32>
    %swap3A = arith.constant 0 : index
    %swap3A_55 = arith.constant 0 : index
    %swap3A_56 = vector.load %arg9[%swap3A, %swap3A_55] : memref<2000x256xf32, #tpu.memory_space<vmem>>, vector<2000x256xf32>
    tpu.vector_store %arg9[%swap3A, %swap3A_55], %add3A_54 {strides = array<i32>} : memref<2000x256xf32, #tpu.memory_space<vmem>>, vector<2000x256xf32>,
    %get3A_57 = arith.constant 0 : index
    %get3A_58 = arith.constant 0 : index
    %get3A_59 = vector.load %arg8[%get3A_57, %get3A_58] : memref<256x256xf32, #tpu.memory_space<vmem>>, vector<256x256xf32>
    %dot_general3A_60 = arith.constant dense<0.000000e+00> : vector<2000x256xf32>
    %dot_general3A_61 = tpu.matmul %add3A_54, %get3A_59, %dot_general3A_60 {dimension_numbers = #tpu.dot_dimension_numbers<[1], [0], [0], [1], [0, 0, 1, 1], [], []>, transpose_lhs_hint = false} : vector<2000x256xf32>, vector<256x256xf32>, vector<2000x256xf32> -> vector<2000x256xf32>
    %swap3A_62 = arith.constant 0 : index
    %swap3A_63 = arith.constant 0 : index
    %swap3A_64 = vector.load %arg10[%swap3A_62, %swap3A_63] : memref<2000x256xf32, #tpu.memory_space<vmem>>, vector<2000x256xf32>
    tpu.vector_store %arg10[%swap3A_62, %swap3A_63], %dot_general3A_61 {strides = array<i32>} : memref<2000x256xf32, #tpu.memory_space<vmem>>, vector<2000x256xf32>,
    return
  }
  func.func @transform_0(%arg0: i32) -> (i32, i32) {
    %c0_i32 = arith.constant 0 : i32
    %c0_i32_0 = arith.constant 0 : i32
    return %arg0, %c0_i32 : i32, i32
  }
  func.func @transform_1(%arg0: i32) -> (i32, i32) {
    %c0_i32 = arith.constant 0 : i32
    %c0_i32_0 = arith.constant 0 : i32
    return %arg0, %c0_i32 : i32, i32
  }
  func.func @transform_2(%arg0: i32) -> (i32, i32) {
    %c0_i32 = arith.constant 0 : i32
    %c0_i32_0 = arith.constant 0 : i32
    return %arg0, %c0_i32 : i32, i32
  }
  func.func @transform_3(%arg0: i32) -> (i32, i32) {
    %c0_i32 = arith.constant 0 : i32
    %c0_i32_0 = arith.constant 0 : i32
    %c0_i32_1 = arith.constant 0 : i32
    return %c0_i32, %c0_i32_0 : i32, i32
  }
  func.func @transform_4(%arg0: i32) -> (i32, i32) {
    %c0_i32 = arith.constant 0 : i32
    %c0_i32_0 = arith.constant 0 : i32
    %c0_i32_1 = arith.constant 0 : i32
    return %c0_i32, %c0_i32_0 : i32, i32
  }
  func.func @transform_5(%arg0: i32) -> (i32, i32) {
    %c0_i32 = arith.constant 0 : i32
    %c0_i32_0 = arith.constant 0 : i32
    %c0_i32_1 = arith.constant 0 : i32
    return %c0_i32, %c0_i32_0 : i32, i32
  }
  func.func @transform_6(%arg0: i32) -> (i32, i32) {
    %c0_i32 = arith.constant 0 : i32
    %c0_i32_0 = arith.constant 0 : i32
    %c0_i32_1 = arith.constant 0 : i32
    return %c0_i32, %c0_i32_0 : i32, i32
  }
  func.func @transform_7(%arg0: i32) -> (i32, i32) {
    %c0_i32 = arith.constant 0 : i32
    %c0_i32_0 = arith.constant 0 : i32
    %c0_i32_1 = arith.constant 0 : i32
    return %c0_i32, %c0_i32_0 : i32, i32
  }
  func.func @transform_8(%arg0: i32) -> (i32, i32) {
    %c0_i32 = arith.constant 0 : i32
    %c0_i32_0 = arith.constant 0 : i32
    return %arg0, %c0_i32 : i32, i32
  }
  func.func @transform_9(%arg0: i32) -> (i32, i32) {
    %c0_i32 = arith.constant 0 : i32
    %c0_i32_0 = arith.constant 0 : i32
    return %arg0, %c0_i32 : i32, i32
  }
}

module attributes {stable_mosaic.version = 14 : i64} {
  func.func @_last_step_body(%arg0: i32, %arg1: memref<2000x256xf32, #tpu.memory_space<vmem>>, %arg2: memref<2000x128xf32, #tpu.memory_space<vmem>>, %arg3: memref<2000x128xf32, #tpu.memory_space<vmem>>, %arg4: memref<256x768xf32, #tpu.memory_space<vmem>>, %arg5: memref<1x768xf32, #tpu.memory_space<vmem>>, %arg6: memref<256x768xf32, #tpu.memory_space<vmem>>, %arg7: memref<1x768xf32, #tpu.memory_space<vmem>>, %arg8: memref<2000x256xf32, #tpu.memory_space<vmem>>) attributes {dimension_semantics = [#tpu.dimension_semantics<arbitrary>], iteration_bounds = array<i64: 5>, scalar_prefetch = 0 : i64, scratch_operands = 0 : i64, tpu.core_type = #tpu.core_type<tc>, window_params = [{transform_indices = @transform_0, window_bounds = array<i64: 2000, 256>}, {transform_indices = @transform_1, window_bounds = array<i64: 2000, 128>}, {transform_indices = @transform_2, window_bounds = array<i64: 2000, 128>}, {pipeline_mode = #tpu.pipeline_mode<synchronous>, transform_indices = @transform_3, window_bounds = array<i64: 256, 768>}, {pipeline_mode = #tpu.pipeline_mode<synchronous>, transform_indices = @transform_4, window_bounds = array<i64: 1, 768>}, {pipeline_mode = #tpu.pipeline_mode<synchronous>, transform_indices = @transform_5, window_bounds = array<i64: 256, 768>}, {pipeline_mode = #tpu.pipeline_mode<synchronous>, transform_indices = @transform_6, window_bounds = array<i64: 1, 768>}, {transform_indices = @transform_7, window_bounds = array<i64: 2000, 256>}]} {
    %get3A = arith.constant 0 : index
    %get3A_0 = arith.constant 0 : index
    %get3A_1 = vector.load %arg1[%get3A, %get3A_0] : memref<2000x256xf32, #tpu.memory_space<vmem>>, vector<2000x256xf32>
    %get3A_2 = arith.constant 0 : index
    %get3A_3 = arith.constant 0 : index
    %get3A_4 = vector.load %arg2[%get3A_2, %get3A_3] : memref<2000x128xf32, #tpu.memory_space<vmem>>, vector<2000x128xf32>
    %get3A_5 = arith.constant 0 : index
    %get3A_6 = arith.constant 0 : index
    %get3A_7 = vector.load %arg3[%get3A_5, %get3A_6] : memref<2000x128xf32, #tpu.memory_space<vmem>>, vector<2000x128xf32>
    %get3A_8 = arith.constant 0 : index
    %get3A_9 = arith.constant 0 : index
    %get3A_10 = vector.load %arg4[%get3A_8, %get3A_9] : memref<256x768xf32, #tpu.memory_space<vmem>>, vector<256x768xf32>
    %get3A_11 = arith.constant 0 : index
    %get3A_12 = arith.constant 0 : index
    %get3A_13 = vector.load %arg5[%get3A_11, %get3A_12] : memref<1x768xf32, #tpu.memory_space<vmem>>, vector<1x768xf32>
    %get3A_14 = arith.constant 0 : index
    %get3A_15 = arith.constant 0 : index
    %get3A_16 = vector.load %arg6[%get3A_14, %get3A_15] : memref<256x768xf32, #tpu.memory_space<vmem>>, vector<256x768xf32>
    %get3A_17 = arith.constant 0 : index
    %get3A_18 = arith.constant 0 : index
    %get3A_19 = vector.load %arg7[%get3A_17, %get3A_18] : memref<1x768xf32, #tpu.memory_space<vmem>>, vector<1x768xf32>
    %slice3A = vector.extract_strided_slice %get3A_10 {offsets = [0, 0], sizes = [128, 768], strides = [1, 1]} : vector<256x768xf32> to vector<128x768xf32>
    %dot_general3A = arith.constant dense<0.000000e+00> : vector<2000x768xf32>
    %dot_general3A_20 = tpu.matmul %get3A_4, %slice3A, %dot_general3A {dimension_numbers = #tpu.dot_dimension_numbers<[1], [0], [0], [1], [0, 0, 1, 1], [], []>, transpose_lhs_hint = false} : vector<2000x128xf32>, vector<128x768xf32>, vector<2000x768xf32> -> vector<2000x768xf32>
    %slice3A_21 = vector.extract_strided_slice %get3A_10 {offsets = [128, 0], sizes = [128, 768], strides = [1, 1]} : vector<256x768xf32> to vector<128x768xf32>
    %dot_general3A_22 = arith.constant dense<0.000000e+00> : vector<2000x768xf32>
    %dot_general3A_23 = tpu.matmul %get3A_7, %slice3A_21, %dot_general3A_22 {dimension_numbers = #tpu.dot_dimension_numbers<[1], [0], [0], [1], [0, 0, 1, 1], [], []>, transpose_lhs_hint = false} : vector<2000x128xf32>, vector<128x768xf32>, vector<2000x768xf32> -> vector<2000x768xf32>
    %add3A = arith.addf %dot_general3A_20, %dot_general3A_23 : vector<2000x768xf32>
    %add3A_24 = vector.broadcast %get3A_13 : vector<1x768xf32> to vector<2000x768xf32>
    %add3A_25 = arith.addf %add3A, %add3A_24 : vector<2000x768xf32>
    %dot_general3A_26 = arith.constant dense<0.000000e+00> : vector<2000x768xf32>
    %dot_general3A_27 = tpu.matmul %get3A_1, %get3A_16, %dot_general3A_26 {dimension_numbers = #tpu.dot_dimension_numbers<[1], [0], [0], [1], [0, 0, 1, 1], [], []>, transpose_lhs_hint = false} : vector<2000x256xf32>, vector<256x768xf32>, vector<2000x768xf32> -> vector<2000x768xf32>
    %add3A_28 = vector.broadcast %get3A_19 : vector<1x768xf32> to vector<2000x768xf32>
    %add3A_29 = arith.addf %dot_general3A_27, %add3A_28 : vector<2000x768xf32>
    %slice3A_30 = vector.extract_strided_slice %add3A_25 {offsets = [0, 0], sizes = [2000, 256], strides = [1, 1]} : vector<2000x768xf32> to vector<2000x256xf32>
    %slice3A_31 = vector.extract_strided_slice %add3A_25 {offsets = [0, 256], sizes = [2000, 256], strides = [1, 1]} : vector<2000x768xf32> to vector<2000x256xf32>
    %slice3A_32 = vector.extract_strided_slice %add3A_25 {offsets = [0, 512], sizes = [2000, 256], strides = [1, 1]} : vector<2000x768xf32> to vector<2000x256xf32>
    %slice3A_33 = vector.extract_strided_slice %add3A_29 {offsets = [0, 0], sizes = [2000, 256], strides = [1, 1]} : vector<2000x768xf32> to vector<2000x256xf32>
    %slice3A_34 = vector.extract_strided_slice %add3A_29 {offsets = [0, 256], sizes = [2000, 256], strides = [1, 1]} : vector<2000x768xf32> to vector<2000x256xf32>
    %slice3A_35 = vector.extract_strided_slice %add3A_29 {offsets = [0, 512], sizes = [2000, 256], strides = [1, 1]} : vector<2000x768xf32> to vector<2000x256xf32>
    %add3A_36 = arith.addf %slice3A_30, %slice3A_33 : vector<2000x256xf32>
    %logistic3A = arith.negf %add3A_36 : vector<2000x256xf32>
    %logistic3A_37 = math.exp %logistic3A : vector<2000x256xf32>
    %logistic3A_38 = arith.constant 1.000000e+00 : f32
    %logistic3A_39 = vector.broadcast %logistic3A_38 : f32 to vector<2000x256xf32>
    %logistic3A_40 = arith.addf %logistic3A_39, %logistic3A_37 : vector<2000x256xf32>
    %logistic3A_41 = arith.divf %logistic3A_39, %logistic3A_40 : vector<2000x256xf32>
    %add3A_42 = arith.addf %slice3A_31, %slice3A_34 : vector<2000x256xf32>
    %logistic3A_43 = arith.negf %add3A_42 : vector<2000x256xf32>
    %logistic3A_44 = math.exp %logistic3A_43 : vector<2000x256xf32>
    %logistic3A_45 = arith.constant 1.000000e+00 : f32
    %logistic3A_46 = vector.broadcast %logistic3A_45 : f32 to vector<2000x256xf32>
    %logistic3A_47 = arith.addf %logistic3A_46, %logistic3A_44 : vector<2000x256xf32>
    %logistic3A_48 = arith.divf %logistic3A_46, %logistic3A_47 : vector<2000x256xf32>
    %mul3A = arith.mulf %logistic3A_41, %slice3A_35 : vector<2000x256xf32>
    %add3A_49 = arith.addf %slice3A_32, %mul3A : vector<2000x256xf32>
    %tanh3A = math.tanh %add3A_49 : vector<2000x256xf32>
    %sub3A = arith.constant 1.000000e+00 : f32
    %sub3A_50 = vector.broadcast %sub3A : f32 to vector<2000x256xf32>
    %sub3A_51 = arith.subf %sub3A_50, %logistic3A_48 : vector<2000x256xf32>
    %mul3A_52 = arith.mulf %sub3A_51, %tanh3A : vector<2000x256xf32>
    %mul3A_53 = arith.mulf %logistic3A_48, %get3A_1 : vector<2000x256xf32>
    %add3A_54 = arith.addf %mul3A_52, %mul3A_53 : vector<2000x256xf32>
    %swap3A = arith.constant 0 : index
    %swap3A_55 = arith.constant 0 : index
    %swap3A_56 = vector.load %arg8[%swap3A, %swap3A_55] : memref<2000x256xf32, #tpu.memory_space<vmem>>, vector<2000x256xf32>
    tpu.vector_store %arg8[%swap3A, %swap3A_55], %add3A_54 {strides = array<i32>} : memref<2000x256xf32, #tpu.memory_space<vmem>>, vector<2000x256xf32>,
    return
  }
  func.func @transform_0(%arg0: i32) -> (i32, i32) {
    %c0_i32 = arith.constant 0 : i32
    %c0_i32_0 = arith.constant 0 : i32
    return %arg0, %c0_i32 : i32, i32
  }
  func.func @transform_1(%arg0: i32) -> (i32, i32) {
    %c0_i32 = arith.constant 0 : i32
    %c0_i32_0 = arith.constant 0 : i32
    return %arg0, %c0_i32 : i32, i32
  }
  func.func @transform_2(%arg0: i32) -> (i32, i32) {
    %c0_i32 = arith.constant 0 : i32
    %c0_i32_0 = arith.constant 0 : i32
    return %arg0, %c0_i32 : i32, i32
  }
  func.func @transform_3(%arg0: i32) -> (i32, i32) {
    %c0_i32 = arith.constant 0 : i32
    %c0_i32_0 = arith.constant 0 : i32
    %c0_i32_1 = arith.constant 0 : i32
    return %c0_i32, %c0_i32_0 : i32, i32
  }
  func.func @transform_4(%arg0: i32) -> (i32, i32) {
    %c0_i32 = arith.constant 0 : i32
    %c0_i32_0 = arith.constant 0 : i32
    %c0_i32_1 = arith.constant 0 : i32
    return %c0_i32, %c0_i32_0 : i32, i32
  }
  func.func @transform_5(%arg0: i32) -> (i32, i32) {
    %c0_i32 = arith.constant 0 : i32
    %c0_i32_0 = arith.constant 0 : i32
    %c0_i32_1 = arith.constant 0 : i32
    return %c0_i32, %c0_i32_0 : i32, i32
  }
  func.func @transform_6(%arg0: i32) -> (i32, i32) {
    %c0_i32 = arith.constant 0 : i32
    %c0_i32_0 = arith.constant 0 : i32
    %c0_i32_1 = arith.constant 0 : i32
    return %c0_i32, %c0_i32_0 : i32, i32
  }
  func.func @transform_7(%arg0: i32) -> (i32, i32) {
    %c0_i32 = arith.constant 0 : i32
    %c0_i32_0 = arith.constant 0 : i32
    return %arg0, %c0_i32 : i32, i32
  }
}

module attributes {stable_mosaic.version = 14 : i64} {
  func.func @_post_body(%arg0: memref<10000x256xf32, #tpu.memory_space<vmem>>, %arg1: memref<1x10000xi32, #tpu.memory_space<vmem>>, %arg2: memref<1x256xf32, #tpu.memory_space<vmem>>, %arg3: memref<1x256xf32, #tpu.memory_space<vmem>>, %arg4: memref<64x256xf32, #tpu.memory_space<vmem>>) attributes {dimension_semantics = [], scalar_prefetch = 0 : i64, scratch_operands = 0 : i64, tpu.core_type = #tpu.core_type<tc>} {
    %get3A = arith.constant 0 : index
    %get3A_0 = arith.constant 0 : index
    %get3A_1 = vector.load %arg0[%get3A, %get3A_0] : memref<10000x256xf32, #tpu.memory_space<vmem>>, vector<10000x256xf32>
    %reduce_sum3A = arith.constant dense<0.000000e+00> : vector<10000xf32>
    %reduce_sum3A_2 = vector.multi_reduction <add>, %get3A_1, %reduce_sum3A [1] : vector<10000x256xf32> to vector<10000xf32>
    %broadcast_in_dim3A = vector.shape_cast %reduce_sum3A_2 : vector<10000xf32> to vector<10000x1xf32>
    %div3A = arith.constant 2.560000e+02 : f32
    %div3A_3 = vector.broadcast %div3A : f32 to vector<10000x1xf32>
    %div3A_4 = arith.divf %broadcast_in_dim3A, %div3A_3 : vector<10000x1xf32>
    %sub3A = vector.broadcast %div3A_4 : vector<10000x1xf32> to vector<10000x256xf32>
    %sub3A_5 = arith.subf %get3A_1, %sub3A : vector<10000x256xf32>
    %integer_pow3A = arith.mulf %sub3A_5, %sub3A_5 : vector<10000x256xf32>
    %reduce_sum3A_6 = arith.constant dense<0.000000e+00> : vector<10000xf32>
    %reduce_sum3A_7 = vector.multi_reduction <add>, %integer_pow3A, %reduce_sum3A_6 [1] : vector<10000x256xf32> to vector<10000xf32>
    %broadcast_in_dim3A_8 = vector.shape_cast %reduce_sum3A_7 : vector<10000xf32> to vector<10000x1xf32>
    %div3A_9 = arith.constant 2.560000e+02 : f32
    %div3A_10 = vector.broadcast %div3A_9 : f32 to vector<10000x1xf32>
    %div3A_11 = arith.divf %broadcast_in_dim3A_8, %div3A_10 : vector<10000x1xf32>
    %sub3A_12 = vector.broadcast %div3A_4 : vector<10000x1xf32> to vector<10000x256xf32>
    %sub3A_13 = arith.subf %get3A_1, %sub3A_12 : vector<10000x256xf32>
    %add3A = arith.constant 9.99999974E-6 : f32
    %add3A_14 = vector.broadcast %add3A : f32 to vector<10000x1xf32>
    %add3A_15 = arith.addf %div3A_11, %add3A_14 : vector<10000x1xf32>
    %rsqrt3A = math.rsqrt %add3A_15 : vector<10000x1xf32>
    %mul3A = vector.broadcast %rsqrt3A : vector<10000x1xf32> to vector<10000x256xf32>
    %mul3A_16 = arith.mulf %sub3A_13, %mul3A : vector<10000x256xf32>
    %get3A_17 = arith.constant 0 : index
    %get3A_18 = arith.constant 0 : index
    %get3A_19 = vector.load %arg2[%get3A_17, %get3A_18] : memref<1x256xf32, #tpu.memory_space<vmem>>, vector<1x256xf32>
    %mul3A_20 = vector.broadcast %get3A_19 : vector<1x256xf32> to vector<10000x256xf32>
    %mul3A_21 = arith.mulf %mul3A_16, %mul3A_20 : vector<10000x256xf32>
    %get3A_22 = arith.constant 0 : index
    %get3A_23 = arith.constant 0 : index
    %get3A_24 = vector.load %arg3[%get3A_22, %get3A_23] : memref<1x256xf32, #tpu.memory_space<vmem>>, vector<1x256xf32>
    %add3A_25 = vector.broadcast %get3A_24 : vector<1x256xf32> to vector<10000x256xf32>
    %add3A_26 = arith.addf %mul3A_21, %add3A_25 : vector<10000x256xf32>
    %iota3A = tpu.iota {dimensions = array<i32: 0>} : vector<64x10000xi32>
    %get3A_27 = arith.constant 0 : index
    %get3A_28 = arith.constant 0 : index
    %get3A_29 = vector.load %arg1[%get3A_27, %get3A_28] : memref<1x10000xi32, #tpu.memory_space<vmem>>, vector<1x10000xi32>
    %eq3A = vector.broadcast %get3A_29 : vector<1x10000xi32> to vector<64x10000xi32>
    %eq3A_30 = arith.cmpi eq, %iota3A, %eq3A : vector<64x10000xi32>
    %convert_element_type3A = arith.extui %eq3A_30 : vector<64x10000xi1> to vector<64x10000xi32>
    %convert_element_type3A_31 = arith.sitofp %convert_element_type3A : vector<64x10000xi32> to vector<64x10000xf32>
    %dot_general3A = arith.constant dense<0.000000e+00> : vector<64x256xf32>
    %dot_general3A_32 = tpu.matmul %convert_element_type3A_31, %add3A_26, %dot_general3A {dimension_numbers = #tpu.dot_dimension_numbers<[1], [0], [0], [1], [0, 0, 1, 1], [], []>, transpose_lhs_hint = false} : vector<64x10000xf32>, vector<10000x256xf32>, vector<64x256xf32> -> vector<64x256xf32>
    %reduce_sum3A_33 = arith.constant dense<0.000000e+00> : vector<64xf32>
    %reduce_sum3A_34 = vector.multi_reduction <add>, %convert_element_type3A_31, %reduce_sum3A_33 [1] : vector<64x10000xf32> to vector<64xf32>
    %broadcast_in_dim3A_35 = vector.shape_cast %reduce_sum3A_34 : vector<64xf32> to vector<64x1xf32>
    %max3A = arith.constant 1.000000e+00 : f32
    %max3A_36 = vector.broadcast %max3A : f32 to vector<64x1xf32>
    %max3A_37 = arith.maximumf %broadcast_in_dim3A_35, %max3A_36 : vector<64x1xf32>
    %div3A_38 = vector.broadcast %max3A_37 : vector<64x1xf32> to vector<64x256xf32>
    %div3A_39 = arith.divf %dot_general3A_32, %div3A_38 : vector<64x256xf32>
    %swap3A = arith.constant 0 : index
    %swap3A_40 = arith.constant 0 : index
    %swap3A_41 = vector.load %arg4[%swap3A, %swap3A_40] : memref<64x256xf32, #tpu.memory_space<vmem>>, vector<64x256xf32>
    tpu.vector_store %arg4[%swap3A, %swap3A_40], %div3A_39 {strides = array<i32>} : memref<64x256xf32, #tpu.memory_space<vmem>>, vector<64x256xf32>,
    return
  }
}

</mosaic_0001>

<sc_bundles>
// kernel: kernel.14.cloned.1.call-start
scs
__scs_entry_jumppad:
0x0: {  	(pc) =	sbr.rel $0x88, $3  }
0x1: {  	(tag) =	ssettag $0x0;
	lr =	simm.s32 $0x1  }
0x2: {  	[smem:$0x3F95] =	sst lr;
	_ =	strace $0xD0000000  }
0x3: {  	_ = 	snop  }
0x4: {  	_ = 	snop  }
0x5: {  	_ = 	snop  }
0x6: {  	_ = 	snop  }
0x7: {  	_ = 	snop  }
__scs_overlays_trampoline_lowered:
0x8: {  	[smem:$0x3FA4] =	sst s0  }
0x9: {  	[smem:$0x3FA5] =	sst s1  }
0xa: {  	[smem:$0x3FA6] =	sst s2  }
0xb: {  	[smem:$0x3FA7] =	sst s3  }
0xc: {  	[smem:$0x3FA8] =	sst s4  }
0xd: {  	[smem:$0x3FA9] =	sst s5  }
0xe: {  	[smem:$0x3FAA] =	sst s6  }
0xf: {  	[smem:$0x3FAB] =	sst s7  }
0x10: {  	[smem:$0x3FAC] =	sst s8  }
0x11: {  	[smem:$0x3FAD] =	sst s9;
	s0 =	simm.s32 @!p0 $0x0  }
0x12: {  	s1 =	sld [smem:$0x3F93];
	s0 =	simm.s32 @p0 $0x1  }
0x13: {  	[smem:$0x3FAE] =	sst s0;
	s0 =	simm.s32 @!p1 $0x0  }
0x14: {  	s2 =	sld [smem:$0x3F92];
	s0 =	simm.s32 @p1 $0x1  }
0x15: {  	[smem:$0x3FAF] =	sst s0;
	s0 =	simm.s32 @!p2 $0x0  }
0x16: {  	s3 =	sld [smem:$0x3FDB];
	s0 =	simm.s32 @p2 $0x1  }
0x17: {  	s4 =	simm.s32 $0x1BF5;
	[smem:$0x3FB1] =	sst s0  }
0x18: {  	s0 =	sld [smem:$0x3F94];
	_ =	swait.ge [sflag:s4], $0x0  }
0x19: {  	s7 =	sld [smem:$0x3F95]  }
0x1a: {  	s8 =	sadd.s32 $0xFFFFE003, lr  }
0x1b: {  	s9 =	sadd.s32 $0xFFFFFEF7, lr;
	s5 =	simm.s32 $0xFFFFFFFF;
	p2 =	slt.u32 s8, $0xFFFFF086  }
0x1c: {  	p1 =	slt.u32 s9, $0xF7A;
	s5 =	simm.s32 @!p2 $0x0  }
0x1d: {  	s5 =	simm.s32 @p1 $0x1;
	p0 =	seq.s32 s7, s2  }
0x1e: {  	s7 =	smul.u32 @!p0 $0xF7A, s2;
	p2 =	seq.s32 @!p0 s5, $0x0  }
0x1f: {  	s9 =	smul.u32 $0xF7A, s1;
	s8 =	simm.s32 @!p0 $0x1BF5;
	p2 =	por !p2, p0  }
0x20: {  	[sflag:s8] =	ssyncset.s32 @!p0 $0xFFFFF086;
	s6 =	sadd.s32 @!p0 s3, s7;
	s7 =	simm.s32 @!p0 $0x108  }
0x21: {  	s3 =	sadd.s32 s3, s9;
	s6 =	sadd.s32 @!p0 $0x88, s6;
	s7 =	simm.s32 @p2 $0x1082  }
0x22: {  	[simem:s7], [sflag:s8] =	dma.local @!p0 [hbm:s6], $0xF7A  }
0x23: {  	s9 =	sor.u32 $0xD0000000, s2;
	s6 =	simm.s32 $0x108;
	_ =	swait.ge @!p0 [sflag:s8], $0x0  }
0x24: {  	s3 =	sadd.s32 $0x88, s3;
	s6 =	simm.s32 @!p1 $0x1082;
	[sflag:s4] =	ssyncset.s32 $0xFFFFF086  }
0x25: {  	[simem:s6], [sflag:s4] =	dma.local [hbm:s3], $0xF7A  }
0x26: {  	[smem:$0x3F95] =	sst s1;
	(tag) =	ssettag s2;
	_ =	strace s9  }
0x27: {  	s1 =	sld [smem:$0x3FA5]  }
0x28: {  	s2 =	sld [smem:$0x3FA6]  }
0x29: {  	s4 =	sld [smem:$0x3FA8]  }
0x2a: {  	p0 =	seq.s32 s5, $0x0;
	s5 =	sld [smem:$0x3FA9]  }
0x2b: {  	s6 =	sld [smem:$0x3FAA]  }
0x2c: {  	s7 =	sld [smem:$0x3FAB]  }
0x2d: {  	s3 =	simm.s32 $0x108;
	s8 =	sld [smem:$0x3FAC]  }
0x2e: {  	s3 =	simm.s32 @!p0 $0x1082;
	s9 =	sld [smem:$0x3FAD]  }
0x2f: {  	lr =	sadd.s32 s0, s3;
	s0 =	sld [smem:$0x3FA4]  }
0x30: {  	s3 =	sld [smem:$0x3FA7]  }
0x31: {  	[smem:$0x3FB0] =	sst s10  }
0x32: {  	s10 =	sld [smem:$0x3FAE];
	_ =	sdelay $0x3  }
0x33: {  	p0 =	seq.s32 s10, $0x1;
	s10 =	sld [smem:$0x3FB0];
	_ =	sdelay $0x3  }
0x34: {  	[smem:$0x3FB0] =	sst s10  }
0x35: {  	s10 =	sld [smem:$0x3FAF];
	_ =	sdelay $0x3  }
0x36: {  	p1 =	seq.s32 s10, $0x1;
	s10 =	sld [smem:$0x3FB0];
	_ =	sdelay $0x3  }
0x37: {  	[smem:$0x3FB0] =	sst s10  }
0x38: {  	s10 =	sld [smem:$0x3FB1]  }
0x39: {  	_ = 	snop;
	(pc) =	sbr.ind lr, $3  }
0x3a: {  	_ = 	snop  }
0x3b: {  	_ = 	snop  }
0x3c: {  	p2 =	seq.s32 s10, $0x1;
	s10 =	sld [smem:$0x3FB0]  }
0x3d: {  	_ =	shalt  }
0x3e: {  	_ =	shalt  }
0x3f: {  	_ =	shalt  }
0x40: {  	_ =	shalt  }
0x41: {  	_ =	shalt  }
0x42: {  	_ =	shalt  }
0x43: {  	_ =	shalt  }
0x44: {  	_ =	shalt  }
0x45: {  	_ =	shalt  }
0x46: {  	_ =	shalt  }
0x47: {  	_ =	shalt  }
0x48: {  	_ =	shalt  }
0x49: {  	_ =	shalt  }
0x4a: {  	_ =	shalt  }
0x4b: {  	_ =	shalt  }
0x4c: {  	_ =	shalt  }
0x4d: {  	_ =	shalt  }
0x4e: {  	_ =	shalt  }
0x4f: {  	_ =	shalt  }
0x50: {  	_ =	shalt  }
0x51: {  	_ =	shalt  }
0x52: {  	_ =	shalt  }
0x53: {  	_ =	shalt  }
0x54: {  	_ =	shalt  }
0x55: {  	_ =	shalt  }
0x56: {  	_ =	shalt  }
0x57: {  	_ =	shalt  }
0x58: {  	_ =	shalt  }
0x59: {  	_ =	shalt  }
0x5a: {  	_ =	shalt  }
0x5b: {  	_ =	shalt  }
0x5c: {  	_ =	shalt  }
0x5d: {  	_ =	shalt  }
0x5e: {  	_ =	shalt  }
0x5f: {  	_ =	shalt  }
0x60: {  	_ =	shalt  }
0x61: {  	_ =	shalt  }
0x62: {  	_ =	shalt  }
0x63: {  	_ =	shalt  }
0x64: {  	_ =	shalt  }
0x65: {  	_ =	shalt  }
0x66: {  	_ =	shalt  }
0x67: {  	_ =	shalt  }
0x68: {  	_ =	shalt  }
0x69: {  	_ =	shalt  }
0x6a: {  	_ =	shalt  }
0x6b: {  	_ =	shalt  }
0x6c: {  	_ =	shalt  }
0x6d: {  	_ =	shalt  }
0x6e: {  	_ =	shalt  }
0x6f: {  	_ =	shalt  }
0x70: {  	_ =	shalt  }
0x71: {  	_ =	shalt  }
0x72: {  	_ =	shalt  }
0x73: {  	_ =	shalt  }
0x74: {  	_ =	shalt  }
0x75: {  	_ =	shalt  }
0x76: {  	_ =	shalt  }
0x77: {  	_ =	shalt  }
0x78: {  	_ =	shalt  }
0x79: {  	_ =	shalt  }
0x7a: {  	_ =	shalt  }
0x7b: {  	_ =	shalt  }
0x7c: {  	_ =	shalt  }
0x7d: {  	_ =	shalt  }
0x7e: {  	_ =	shalt  }
0x7f: {  	_ =	shalt  }
0x80: {  	_ =	shalt  }
0x81: {  	_ =	shalt  }
0x82: {  	_ =	shalt  }
0x83: {  	_ =	shalt  }
0x84: {  	_ =	shalt  }
0x85: {  	_ =	shalt  }
0x86: {  	_ =	shalt  }
0x87: {  	_ =	shalt  }
.Lfunc_end0:
.L_simem_size_0:
called_computation_lowered:
.L_overlay_start_0:
0x88: {  	s2 =	sld [smem:$0x3FD9]  }
0x89: {  	s3 =	sld [smem:$0x3FFE];
	_ =	sdelay $0x1  }
0x8a: {  	s1 =	srdreg.scid  }
0x8b: {  	s0 =	sand.u32 $0x1, s1  }
0x8c: {  	s16 =	sshll.u32 s0, $0xA;
	s2 =	sadd.s32 s3, s2  }
0x8d: {  	s2 =	sadd.s32 s2, s16  }
0x8e: {  	[smem:$0x3FBC] =	sst s2  }
0x8f: {  	_ = 	snop  }
0x90: {  	(tm) =	ssettm $0x1  }
0x91: {  	s17 =	sld [smem:$0x3FFB];
	_ =	sdelay $0x3  }
0x92: {  	_ =	strace s17  }
0x93: {  	s2 =	sld [smem:$0x3FFC];
	_ =	sdelay $0x3  }
0x94: {  	_ =	strace s2  }
0x95: {  	s2 =	sld [smem:$0x3FFD];
	_ =	sdelay $0x3  }
0x96: {  	_ =	strace s2  }
0x97: {  	_ =	strace $0x8FFFFFFF  }
0x98: {  	s18 =	sld [smem:$0x3FDB];
	_ =	sdelay $0x1  }
0x99: {  	s19 =	simm.s32 $_scs_section_size  }
0x9a: {  	s4 =	simm.s32 $_size__tile_overlayer_lowered;
	s5 =	simm.s32 $_tile_overlayer_lowered  }
0x9b: {  	s22 =	simm.s32 $0x1BFF;
	s21 =	sshll.u32 s5, $0x1;
	s2 =	sadd.s32 s19, s18  }
0x9c: {  	s6 =	simm.s32 $0x0;
	s20 =	sshll.u32 s4, $0x1;
	s4 =	sadd.s32 s21, s2  }
0x9d: {  	[timem:s6], [sflag:s22] =	dma.local [hbm:s4], s20  }
0x9e: {  	_ =	swait.ge [sflag:s22], s20  }
0x9f: {  	s3 =	ssub.s32 $0x0, s20;
	[sflag:s22] =	ssyncset.done $0x0  }
0xa0: {  	[sflag:s22] =	ssyncadd.s32 s3;
	_ =	sdelay $0x1  }
0xa1: {  	s23 =	simm.s32 $0x1B8B  }
0xa2: {  	_ =	swait.ge [sflag:s23], $0x1  }
0xa3: {  	[sflag:s23] =	ssyncset.done $0x0  }
0xa4: {  	s25 =	simm.s32 $0x1B8E;
	s24 =	sld [smem:$0x3FFE];
	[sflag:s23] =	ssyncadd.s32 $0xFFFFFFFF  }
0xa5: {  	s26 =	simm.s32 $execute0_lowered;
	[smem:$0x3FD2] =	sst s25  }
0xa6: {  	s4 =	sshll.u32 s26, $0x1;
	_ =	strace $0x80000046;
	[dreg:$0x1] =	wrdreg $0xFFFFFFFF  }
0xa7: {  	s28 =	simm.s32 $_size_execute0_lowered;
	s2 =	sadd.s32 s2, s4;
	[dreg:$0x0] =	wrdreg $0x0  }
0xa8: {  	s4 =	sshll.u32 s28, $0x1;
	[dreg:$0x2] =	wrdreg s2  }
0xa9: {  	[dreg:$0x3] =	wrdreg s4  }
0xaa: {  	[dreg:$0x4] =	wrdreg $0xC0  }
0xab: {  	_ =	task [dreg:s6], $0x5FFFF  }
0xac: {  	[dreg:$0x1] =	wrdreg $0xFFFFFFFF  }
0xad: {  	[dreg:$0x0] =	wrdreg $0x60  }
0xae: {  	[dreg:$0x2] =	wrdreg s24  }
0xaf: {  	[dreg:$0x3] =	wrdreg $0x41000  }
0xb0: {  	[dreg:$0x4] =	wrdreg $0x9  }
0xb1: {  	_ =	task.clear_ibuf [dreg:s6], $0x5FFFF;
	_ =	strace $0x90000046  }
0xb2: {  	s29 =	simm.s32 $0x9;
	_ =	strace $0x80000048  }
0xb3: {  	_ =	swait.ge [sflag:s29], $0x1  }
0xb4: {  	[sflag:s29] =	ssyncadd.s32 $0xFFFFFFFF  }
0xb5: {  	_ =	strace $0x90000048  }
0xb6: {  	_ =	sfence  }
0xb7: {  	s30 =	sld [smem:$0x0];
	_ =	sdelay $0x2  }
0xb8: {  	s31 =	sshll.u32 s1, $0xD;
	s1 =	sshrl.u32 s1, $0x2  }
0xb9: {  	s3 =	sand.u32 $0x4000, s31;
	s1 =	sadd.s32 s1, s30  }
0xba: {  	s0 =	sor.u32 s3, s0;
	s1 =	sshll.u32 s1, $0x11  }
0xbb: {  	s0 =	sor.u32 s1, s0  }
0xbc: {  	s0 =	sadd.s32 $0x8F2B, s0  }
0xbd: {  	[sflag:s0] =	ssyncadd.remote.s32 $0x1  }
0xbe: {  	_ =	sfence.sel $0xFFFF  }
0xbf: {  	[dreg:$0x0] =	wrdreg $0xFFFFFFFF;
	(pc) =	sbr.abs _section_cstart, $3  }
0xc0: {  	[dreg:$0x1] =	wrdreg $0xFFFFFFFF  }
0xc1: {  	_ =	task.clear_ibuf [dreg:s6], $0x2FFFF;
	_ =	strace $0x9FFFFFFF  }
0xc2: {  	(tm) =	ssettm $0x7FFFFFFF  }
0xc3: {  	_ =	shalt  }
tec
execute0_lowered:
.L_overlay_start_1:
0x0: {  	(tag) =	ssettag $0x1  }
0x1: {  	s5 =	rddreg [dreg:$0x0]  }
0x2: {  	s2 =	rddreg [dreg:$0x1]  }
0x3: {  	s0 =	rddreg [dreg:$0x2];
	s3 =	simm.s32 $0x0  }
0x4: {  	s1 =	stileid.u32;
	s4 =	srdreg.scid;
	s15 =	simm.s32 $0x1  }
0x5: {  	s16 =	simm.s32 $0x0;
	[smem:$0x7FF] =	sst s3;
	s6 =	smul.u32 $0x13C00, s1  }
0x6: {  	s7 =	sand.u32 $0x1, s4;
	s4 =	sadd.s32 $0xA3600, s5;
	s11 =	smul.u32 $0x4F000, s1  }
0x7: {  	s10 =	sadd.s32 $0x7200, s5;
	s13 =	smul.u32 $0x9E00, s1;
	s29 =	sshll.u32 s1, $0x6  }
0x8: {  	_ =	strace $0x80000047;
	s9 =	smul.u32 $0x13C000, s7;
	s25 =	ssub.s32 $0x2, s7  }
0x9: {  	s7 =	smul.u32 $0x9E000, s7;
	s8 =	sshrl.u32 s6, $0x3;
	s12 =	sshrl.u32 s25, $0x1  }
0xa: {  	s26 =	sshrl.u32 s11, $0x2;
	s8 =	sadd.s32 s8, s5;
	s6 =	sadd.s32 s6, s9  }
0xb: {  	s9 =	ssub.s32 s25, s12;
	s11 =	sadd.s32 s26, s2;
	s28 =	sadd.s32 s13, s7  }
0xc: {  	s13 =	simm.s32 $0x80;
	s6 =	sshrl.u32 s6, $0x3;
	s30 =	sshrl.u32 s28, $0x3  }
0xd: {  	s31 =	sor.u32 $0x100, s28;
	s9 =	smax.u32 s9, $0x1;
	s11 =	sshrl.u32 s11, $0x3  }
0xe: {  	s14 =	sadd.s32 s6, s5;
	s5 =	sadd.s32 $0xF1800, s8;
	s6 =	sor.u32 $0x1C02, s29  }
0xf: {  	s7 =	sadd.s32 s10, s30;
	s12 =	sshrl.u32 s31, $0x3;
	s8 =	sadd.s32 $0x119000, s14  }
0x10: {  	s10 =	sadd.s32 s12, s10;
	s12 =	simm.s32 $0x2;
	s14 =	simm.s32 $0x100  }
.LBB2_1:
0x11: {  	[spmem:s11], [sflag:s6] =	dma.local [hbm:s5], $0x2780  }
0x12: {  	_ =	swait.ge [sflag:s12], $0x2780  }
0x13: {  	[sflag:s12] =	ssyncset.done $0x0  }
0x14: {  	[sflag:s12] =	ssyncadd.s32 $0xFFFFD880  }
0x15: {  	[tilespmem:s3], [sflag:$0x2] =	stream.linear.gather [hbm4b:s7+s3], $0x100, $0x38;
	[tilespmem:$0x17D00] =	vst v63  }
0x16: {  	_ =	swait.ge [sflag:s12], $0x100  }
0x17: {  	[sflag:s12] =	ssyncset.done $0x0  }
0x18: {  	[sflag:s12] =	ssyncadd.s32 $0xFFFFFF00  }
0x19: {  	[tilespmem:s14], [sflag:$0x1] =	stream.indirect.gather [hbm4b:s4+s13], $0x80, s3, s13, $0xb8;
	[tilespmem:$0x17D00] =	vst v63  }
0x1a: {  	[bflag:$0x0] =	sbarrier.arrive $0xFFFF  }
0x1b: {  	_ =	swait.ge [sflag:s15], $0x4000  }
0x1c: {  	[sflag:s15] =	ssyncset.done $0x0  }
0x1d: {  	[sflag:s15] =	ssyncadd.s32 $0xFFFFC000  }
0x1e: {  	[spmem:s2] =	stream.indirect.scatter.add.f32 [tilespmem:s14], [sflag:$0x2], $0x80, s13, s13, $0xb8;
	[tilespmem:$0x17D00] =	vst v63  }
0x1f: {  	_ =	swait.ge [sflag:s12], $0x4000  }
0x20: {  	[sflag:s12] =	ssyncset.done $0x0  }
0x21: {  	s17 =	sadd.s32 $0x0, s10;
	[sflag:s12] =	ssyncadd.s32 $0xFFFFC000  }
0x22: {  	[tilespmem:s3], [sflag:$0x2] =	stream.linear.gather [hbm4b:s17+s3], $0x100, $0x38;
	[tilespmem:$0x17D00] =	vst v63  }
0x23: {  	_ =	swait.ge [sflag:s12], $0x100  }
0x24: {  	[sflag:s12] =	ssyncset.done $0x0  }
0x25: {  	s17 =	simm.s32 $0x20;
	[sflag:s12] =	ssyncadd.s32 $0xFFFFFF00  }
.LBB2_2:
0x26: {  	[tilespmem:s14], [sflag:$0x1] =	stream.indirect.gather [hbm4b:s4+s13], $0x80, s3, s13, $0xb8;
	[tilespmem:$0x17D00] =	vst v63  }
0x27: {  	s18 =	smov.u32 s17  }
0x28: {  	p0 =	sne.s32 s17, $0x1380;
	s17 =	sadd.s32 $0x20, s17;
	_ =	swait.ge [sflag:s15], $0x4000  }
0x29: {  	[sflag:s15] =	ssyncset.done $0x0  }
0x2a: {  	[sflag:s15] =	ssyncadd.s32 $0xFFFFC000  }
0x2b: {  	[spmem:s2] =	stream.indirect.scatter.add.f32 [tilespmem:s14], [sflag:$0x2], $0x80, s13, s13, $0xb8;
	[tilespmem:$0x17D00] =	vst v63  }
0x2c: {  	_ =	swait.ge [sflag:s12], $0x4000  }
0x2d: {  	[sflag:s12] =	ssyncset.done $0x0  }
.Ltmp0:
0x2e: {  	s18 =	sadd.s32 s18, s10;
	[sflag:s12] =	ssyncadd.s32 $0xFFFFC000;
	(pc) =	sbr.rel @p0 .LBB2_2-.Ltmp0, $4  }
0x2f: {  	[tilespmem:s3], [sflag:$0x2] =	stream.linear.gather [hbm4b:s18+s3], $0x100, $0x38;
	[tilespmem:$0x17D00] =	vst v63  }
0x30: {  	_ =	swait.ge [sflag:s12], $0x100  }
0x31: {  	[sflag:s12] =	ssyncset.done $0x0  }
0x32: {  	[sflag:s12] =	ssyncadd.s32 $0xFFFFFF00  }
0x33: {  	[tilespmem:s14], [sflag:$0x1] =	stream.indirect.gather [hbm4b:s4+s13], $0x80, s3, s13, $0xb8;
	[tilespmem:$0x17D00] =	vst v63  }
0x34: {  	_ =	swait.ge [sflag:s15], $0x4000  }
0x35: {  	s16 =	sadd.s32 $0x1, s16;
	[sflag:s15] =	ssyncset.done $0x0  }
0x36: {  	p0 =	sne.s32 s16, s9;
	[sflag:s15] =	ssyncadd.s32 $0xFFFFC000  }
.Ltmp1:
0x37: {  	[bflag:$0x0] =	sbarrier.arrive $0xFFFF;
	(pc) =	sbr.rel @p0 .LBB2_1-.Ltmp1, $4  }
0x38: {  	[hbm:s8], [sflag:s6] =	dma.local [spmem:s11], $0x2780  }
0x39: {  	_ =	swait.ge [sflag:s12], $0x2780  }
0x3a: {  	[sflag:s12] =	ssyncset.done $0x0  }
0x3b: {  	[sflag:s12] =	ssyncadd.s32 $0xFFFFD880  }
0x3c: {  	_ =	sfence.sel $0x180000  }
0x3d: {  	[bflag:$0x0] =	sbarrier.arrive $0xFFFF  }
0x3e: {  	p0 =	sne.s32 s1, $0x0;
	_ =	strace $0x90000047  }
0x3f: {  	s0 =	sadd.s32 @!p0 $0x100000, s0;
	[bflag:$0x2] =	sbarrier.arrive $0xFFFF  }
0x40: {  	[sflag:s0] =	ssyncadd.tile.s32 @!p0 $0x1;
	_ =	shalt  }
.Lfunc_end2:
_tile_overlayer_lowered:
.L_overlay_start_2:
0x41: {  	(tag) =	ssettag $0x2  }
0x42: {  	s0 =	rddreg [dreg:$0x0];
	s2 =	stileid.u32  }
0x43: {  	s1 =	rddreg [dreg:$0x1];
	p0 =	sne.s32 s2, $0x0  }
0x44: {  	s3 =	rddreg [dreg:$0x2];
	[bflag:$0x3] =	sbarrier.arrive $0xFFFF;
	s2 =	simm.s32 @!p0 $0x1C02  }
0x45: {  	[timem:s3], [sflag:s2] =	dma.local @!p0 [hbm:s0], s1  }
0x46: {  	s0 =	simm.s32 @!p0 $0x2  }
0x47: {  	_ =	swait.ge @!p0 [sflag:s0], s1  }
0x48: {  	s1 =	ssub.s32 @!p0 $0x0, s1;
	[sflag:s0] =	ssyncset.done @!p0 $0x0  }
0x49: {  	[sflag:s0] =	ssyncadd.s32 @!p0 s1  }
0x4a: {  	[bflag:$0x3] =	sbarrier.arrive $0xFFFF  }
0x4b: {  	_ =	shalt  }

// kernel: kernel.17.cloned.1.call-start
scs
__scs_entry_jumppad:
0x0: {  	(pc) =	sbr.rel $0x88, $3  }
0x1: {  	(tag) =	ssettag $0x0;
	lr =	simm.s32 $0x1  }
0x2: {  	[smem:$0x3F95] =	sst lr;
	_ =	strace $0xD0000000  }
0x3: {  	_ = 	snop  }
0x4: {  	_ = 	snop  }
0x5: {  	_ = 	snop  }
0x6: {  	_ = 	snop  }
0x7: {  	_ = 	snop  }
__scs_overlays_trampoline_lowered:
0x8: {  	[smem:$0x3FA4] =	sst s0  }
0x9: {  	[smem:$0x3FA5] =	sst s1  }
0xa: {  	[smem:$0x3FA6] =	sst s2  }
0xb: {  	[smem:$0x3FA7] =	sst s3  }
0xc: {  	[smem:$0x3FA8] =	sst s4  }
0xd: {  	[smem:$0x3FA9] =	sst s5  }
0xe: {  	[smem:$0x3FAA] =	sst s6  }
0xf: {  	[smem:$0x3FAB] =	sst s7  }
0x10: {  	[smem:$0x3FAC] =	sst s8  }
0x11: {  	[smem:$0x3FAD] =	sst s9;
	s0 =	simm.s32 @!p0 $0x0  }
0x12: {  	s1 =	sld [smem:$0x3F93];
	s0 =	simm.s32 @p0 $0x1  }
0x13: {  	[smem:$0x3FAE] =	sst s0;
	s0 =	simm.s32 @!p1 $0x0  }
0x14: {  	s2 =	sld [smem:$0x3F92];
	s0 =	simm.s32 @p1 $0x1  }
0x15: {  	[smem:$0x3FAF] =	sst s0;
	s0 =	simm.s32 @!p2 $0x0  }
0x16: {  	s3 =	sld [smem:$0x3FDB];
	s0 =	simm.s32 @p2 $0x1  }
0x17: {  	s4 =	simm.s32 $0x1BF5;
	[smem:$0x3FB1] =	sst s0  }
0x18: {  	s0 =	sld [smem:$0x3F94];
	_ =	swait.ge [sflag:s4], $0x0  }
0x19: {  	s7 =	sld [smem:$0x3F95]  }
0x1a: {  	s8 =	sadd.s32 $0xFFFFE003, lr  }
0x1b: {  	s9 =	sadd.s32 $0xFFFFFEF7, lr;
	s5 =	simm.s32 $0xFFFFFFFF;
	p2 =	slt.u32 s8, $0xFFFFF086  }
0x1c: {  	p1 =	slt.u32 s9, $0xF7A;
	s5 =	simm.s32 @!p2 $0x0  }
0x1d: {  	s5 =	simm.s32 @p1 $0x1;
	p0 =	seq.s32 s7, s2  }
0x1e: {  	s7 =	smul.u32 @!p0 $0xF7A, s2;
	p2 =	seq.s32 @!p0 s5, $0x0  }
0x1f: {  	s9 =	smul.u32 $0xF7A, s1;
	s8 =	simm.s32 @!p0 $0x1BF5;
	p2 =	por !p2, p0  }
0x20: {  	[sflag:s8] =	ssyncset.s32 @!p0 $0xFFFFF086;
	s6 =	sadd.s32 @!p0 s3, s7;
	s7 =	simm.s32 @!p0 $0x108  }
0x21: {  	s3 =	sadd.s32 s3, s9;
	s6 =	sadd.s32 @!p0 $0x88, s6;
	s7 =	simm.s32 @p2 $0x1082  }
0x22: {  	[simem:s7], [sflag:s8] =	dma.local @!p0 [hbm:s6], $0xF7A  }
0x23: {  	s9 =	sor.u32 $0xD0000000, s2;
	s6 =	simm.s32 $0x108;
	_ =	swait.ge @!p0 [sflag:s8], $0x0  }
0x24: {  	s3 =	sadd.s32 $0x88, s3;
	s6 =	simm.s32 @!p1 $0x1082;
	[sflag:s4] =	ssyncset.s32 $0xFFFFF086  }
0x25: {  	[simem:s6], [sflag:s4] =	dma.local [hbm:s3], $0xF7A  }
0x26: {  	[smem:$0x3F95] =	sst s1;
	(tag) =	ssettag s2;
	_ =	strace s9  }
0x27: {  	s1 =	sld [smem:$0x3FA5]  }
0x28: {  	s2 =	sld [smem:$0x3FA6]  }
0x29: {  	s4 =	sld [smem:$0x3FA8]  }
0x2a: {  	p0 =	seq.s32 s5, $0x0;
	s5 =	sld [smem:$0x3FA9]  }
0x2b: {  	s6 =	sld [smem:$0x3FAA]  }
0x2c: {  	s7 =	sld [smem:$0x3FAB]  }
0x2d: {  	s3 =	simm.s32 $0x108;
	s8 =	sld [smem:$0x3FAC]  }
0x2e: {  	s3 =	simm.s32 @!p0 $0x1082;
	s9 =	sld [smem:$0x3FAD]  }
0x2f: {  	lr =	sadd.s32 s0, s3;
	s0 =	sld [smem:$0x3FA4]  }
0x30: {  	s3 =	sld [smem:$0x3FA7]  }
0x31: {  	[smem:$0x3FB0] =	sst s10  }
0x32: {  	s10 =	sld [smem:$0x3FAE];
	_ =	sdelay $0x3  }
0x33: {  	p0 =	seq.s32 s10, $0x1;
	s10 =	sld [smem:$0x3FB0];
	_ =	sdelay $0x3  }
0x34: {  	[smem:$0x3FB0] =	sst s10  }
0x35: {  	s10 =	sld [smem:$0x3FAF];
	_ =	sdelay $0x3  }
0x36: {  	p1 =	seq.s32 s10, $0x1;
	s10 =	sld [smem:$0x3FB0];
	_ =	sdelay $0x3  }
0x37: {  	[smem:$0x3FB0] =	sst s10  }
0x38: {  	s10 =	sld [smem:$0x3FB1]  }
0x39: {  	_ = 	snop;
	(pc) =	sbr.ind lr, $3  }
0x3a: {  	_ = 	snop  }
0x3b: {  	_ = 	snop  }
0x3c: {  	p2 =	seq.s32 s10, $0x1;
	s10 =	sld [smem:$0x3FB0]  }
0x3d: {  	_ =	shalt  }
0x3e: {  	_ =	shalt  }
0x3f: {  	_ =	shalt  }
0x40: {  	_ =	shalt  }
0x41: {  	_ =	shalt  }
0x42: {  	_ =	shalt  }
0x43: {  	_ =	shalt  }
0x44: {  	_ =	shalt  }
0x45: {  	_ =	shalt  }
0x46: {  	_ =	shalt  }
0x47: {  	_ =	shalt  }
0x48: {  	_ =	shalt  }
0x49: {  	_ =	shalt  }
0x4a: {  	_ =	shalt  }
0x4b: {  	_ =	shalt  }
0x4c: {  	_ =	shalt  }
0x4d: {  	_ =	shalt  }
0x4e: {  	_ =	shalt  }
0x4f: {  	_ =	shalt  }
0x50: {  	_ =	shalt  }
0x51: {  	_ =	shalt  }
0x52: {  	_ =	shalt  }
0x53: {  	_ =	shalt  }
0x54: {  	_ =	shalt  }
0x55: {  	_ =	shalt  }
0x56: {  	_ =	shalt  }
0x57: {  	_ =	shalt  }
0x58: {  	_ =	shalt  }
0x59: {  	_ =	shalt  }
0x5a: {  	_ =	shalt  }
0x5b: {  	_ =	shalt  }
0x5c: {  	_ =	shalt  }
0x5d: {  	_ =	shalt  }
0x5e: {  	_ =	shalt  }
0x5f: {  	_ =	shalt  }
0x60: {  	_ =	shalt  }
0x61: {  	_ =	shalt  }
0x62: {  	_ =	shalt  }
0x63: {  	_ =	shalt  }
0x64: {  	_ =	shalt  }
0x65: {  	_ =	shalt  }
0x66: {  	_ =	shalt  }
0x67: {  	_ =	shalt  }
0x68: {  	_ =	shalt  }
0x69: {  	_ =	shalt  }
0x6a: {  	_ =	shalt  }
0x6b: {  	_ =	shalt  }
0x6c: {  	_ =	shalt  }
0x6d: {  	_ =	shalt  }
0x6e: {  	_ =	shalt  }
0x6f: {  	_ =	shalt  }
0x70: {  	_ =	shalt  }
0x71: {  	_ =	shalt  }
0x72: {  	_ =	shalt  }
0x73: {  	_ =	shalt  }
0x74: {  	_ =	shalt  }
0x75: {  	_ =	shalt  }
0x76: {  	_ =	shalt  }
0x77: {  	_ =	shalt  }
0x78: {  	_ =	shalt  }
0x79: {  	_ =	shalt  }
0x7a: {  	_ =	shalt  }
0x7b: {  	_ =	shalt  }
0x7c: {  	_ =	shalt  }
0x7d: {  	_ =	shalt  }
0x7e: {  	_ =	shalt  }
0x7f: {  	_ =	shalt  }
0x80: {  	_ =	shalt  }
0x81: {  	_ =	shalt  }
0x82: {  	_ =	shalt  }
0x83: {  	_ =	shalt  }
0x84: {  	_ =	shalt  }
0x85: {  	_ =	shalt  }
0x86: {  	_ =	shalt  }
0x87: {  	_ =	shalt  }
.Lfunc_end0:
.L_simem_size_0:
called_computation.1_lowered:
.L_overlay_start_0:
0x88: {  	s2 =	sld [smem:$0x3FD9]  }
0x89: {  	s3 =	sld [smem:$0x3FFE];
	_ =	sdelay $0x1  }
0x8a: {  	s1 =	srdreg.scid  }
0x8b: {  	s0 =	sand.u32 $0x1, s1  }
0x8c: {  	s16 =	sshll.u32 s0, $0xA;
	s2 =	sadd.s32 s3, s2  }
0x8d: {  	s2 =	sadd.s32 s2, s16  }
0x8e: {  	[smem:$0x3FBC] =	sst s2  }
0x8f: {  	_ = 	snop  }
0x90: {  	(tm) =	ssettm $0x1  }
0x91: {  	s17 =	sld [smem:$0x3FFB];
	_ =	sdelay $0x3  }
0x92: {  	_ =	strace s17  }
0x93: {  	s2 =	sld [smem:$0x3FFC];
	_ =	sdelay $0x3  }
0x94: {  	_ =	strace s2  }
0x95: {  	s2 =	sld [smem:$0x3FFD];
	_ =	sdelay $0x3  }
0x96: {  	_ =	strace s2  }
0x97: {  	_ =	strace $0x8FFFFFFF  }
0x98: {  	s18 =	sld [smem:$0x3FDB];
	_ =	sdelay $0x1  }
0x99: {  	s19 =	simm.s32 $_scs_section_size  }
0x9a: {  	s4 =	simm.s32 $_size__tile_overlayer_lowered;
	s5 =	simm.s32 $_tile_overlayer_lowered  }
0x9b: {  	s22 =	simm.s32 $0x1BFF;
	s21 =	sshll.u32 s5, $0x1;
	s2 =	sadd.s32 s19, s18  }
0x9c: {  	s6 =	simm.s32 $0x0;
	s20 =	sshll.u32 s4, $0x1;
	s4 =	sadd.s32 s21, s2  }
0x9d: {  	[timem:s6], [sflag:s22] =	dma.local [hbm:s4], s20  }
0x9e: {  	_ =	swait.ge [sflag:s22], s20  }
0x9f: {  	s3 =	ssub.s32 $0x0, s20;
	[sflag:s22] =	ssyncset.done $0x0  }
0xa0: {  	[sflag:s22] =	ssyncadd.s32 s3;
	_ =	sdelay $0x1  }
0xa1: {  	s23 =	simm.s32 $0x1B8B  }
0xa2: {  	_ =	swait.ge [sflag:s23], $0x1  }
0xa3: {  	[sflag:s23] =	ssyncset.done $0x0  }
0xa4: {  	s25 =	simm.s32 $0x1B8E;
	s24 =	sld [smem:$0x3FFE];
	[sflag:s23] =	ssyncadd.s32 $0xFFFFFFFF  }
0xa5: {  	s26 =	simm.s32 $execute0_lowered;
	[smem:$0x3FD2] =	sst s25  }
0xa6: {  	s4 =	sshll.u32 s26, $0x1;
	_ =	strace $0x80000049;
	[dreg:$0x1] =	wrdreg $0xFFFFFFFF  }
0xa7: {  	s28 =	simm.s32 $_size_execute0_lowered;
	s2 =	sadd.s32 s2, s4;
	[dreg:$0x0] =	wrdreg $0x0  }
0xa8: {  	s4 =	sshll.u32 s28, $0x1;
	[dreg:$0x2] =	wrdreg s2  }
0xa9: {  	[dreg:$0x3] =	wrdreg s4  }
0xaa: {  	[dreg:$0x4] =	wrdreg $0xC0  }
0xab: {  	_ =	task [dreg:s6], $0x5FFFF  }
0xac: {  	[dreg:$0x1] =	wrdreg $0xFFFFFFFF  }
0xad: {  	[dreg:$0x0] =	wrdreg $0x60  }
0xae: {  	[dreg:$0x2] =	wrdreg s24  }
0xaf: {  	[dreg:$0x3] =	wrdreg $0x41000  }
0xb0: {  	[dreg:$0x4] =	wrdreg $0x9  }
0xb1: {  	_ =	task.clear_ibuf [dreg:s6], $0x5FFFF;
	_ =	strace $0x90000049  }
0xb2: {  	s29 =	simm.s32 $0x9;
	_ =	strace $0x8000004B  }
0xb3: {  	_ =	swait.ge [sflag:s29], $0x1  }
0xb4: {  	[sflag:s29] =	ssyncadd.s32 $0xFFFFFFFF  }
0xb5: {  	_ =	strace $0x9000004B  }
0xb6: {  	_ =	sfence  }
0xb7: {  	s30 =	sld [smem:$0x0];
	_ =	sdelay $0x2  }
0xb8: {  	s31 =	sshll.u32 s1, $0xD;
	s1 =	sshrl.u32 s1, $0x2  }
0xb9: {  	s3 =	sand.u32 $0x4000, s31;
	s1 =	sadd.s32 s1, s30  }
0xba: {  	s0 =	sor.u32 s3, s0;
	s1 =	sshll.u32 s1, $0x11  }
0xbb: {  	s0 =	sor.u32 s1, s0  }
0xbc: {  	s0 =	sadd.s32 $0x8F2B, s0  }
0xbd: {  	[sflag:s0] =	ssyncadd.remote.s32 $0x1  }
0xbe: {  	_ =	sfence.sel $0xFFFF  }
0xbf: {  	[dreg:$0x0] =	wrdreg $0xFFFFFFFF;
	(pc) =	sbr.abs _section_cstart, $3  }
0xc0: {  	[dreg:$0x1] =	wrdreg $0xFFFFFFFF  }
0xc1: {  	_ =	task.clear_ibuf [dreg:s6], $0x2FFFF;
	_ =	strace $0x9FFFFFFF  }
0xc2: {  	(tm) =	ssettm $0x7FFFFFFF  }
0xc3: {  	_ =	shalt  }
tec
execute0_lowered:
.L_overlay_start_1:
0x0: {  	(tag) =	ssettag $0x1  }
0x1: {  	s5 =	rddreg [dreg:$0x0]  }
0x2: {  	s2 =	rddreg [dreg:$0x1]  }
0x3: {  	s0 =	rddreg [dreg:$0x2];
	s3 =	simm.s32 $0x0  }
0x4: {  	s1 =	stileid.u32;
	s4 =	srdreg.scid;
	s15 =	simm.s32 $0x1  }
0x5: {  	s16 =	simm.s32 $0x0;
	[smem:$0x7FF] =	sst s3;
	s6 =	smul.u32 $0x13C00, s1  }
0x6: {  	s7 =	sand.u32 $0x1, s4;
	s4 =	sadd.s32 $0x119000, s5;
	s11 =	smul.u32 $0x4F000, s1  }
0x7: {  	s10 =	sadd.s32 $0x7200, s5;
	s13 =	smul.u32 $0x9E00, s1;
	s29 =	sshll.u32 s1, $0x6  }
0x8: {  	_ =	strace $0x8000004A;
	s9 =	smul.u32 $0x13C000, s7;
	s25 =	ssub.s32 $0x2, s7  }
0x9: {  	s7 =	smul.u32 $0x9E000, s7;
	s8 =	sshrl.u32 s6, $0x3;
	s12 =	sshrl.u32 s25, $0x1  }
0xa: {  	s26 =	sshrl.u32 s11, $0x2;
	s8 =	sadd.s32 s8, s5;
	s6 =	sadd.s32 s6, s9  }
0xb: {  	s9 =	ssub.s32 s25, s12;
	s11 =	sadd.s32 s26, s2;
	s28 =	sadd.s32 s13, s7  }
0xc: {  	s13 =	simm.s32 $0x80;
	s6 =	sshrl.u32 s6, $0x3;
	s30 =	sshrl.u32 s28, $0x3  }
0xd: {  	s31 =	sor.u32 $0x100, s28;
	s9 =	smax.u32 s9, $0x1;
	s11 =	sshrl.u32 s11, $0x3  }
0xe: {  	s14 =	sadd.s32 s6, s5;
	s5 =	sadd.s32 $0xF1800, s8;
	s6 =	sor.u32 $0x1C02, s29  }
0xf: {  	s7 =	sadd.s32 s10, s30;
	s12 =	sshrl.u32 s31, $0x3;
	s8 =	sadd.s32 $0x7CC00, s14  }
0x10: {  	s10 =	sadd.s32 s12, s10;
	s12 =	simm.s32 $0x2;
	s14 =	simm.s32 $0x100  }
.LBB2_1:
0x11: {  	[spmem:s11], [sflag:s6] =	dma.local [hbm:s5], $0x2780  }
0x12: {  	_ =	swait.ge [sflag:s12], $0x2780  }
0x13: {  	[sflag:s12] =	ssyncset.done $0x0  }
0x14: {  	[sflag:s12] =	ssyncadd.s32 $0xFFFFD880  }
0x15: {  	[tilespmem:s3], [sflag:$0x2] =	stream.linear.gather [hbm4b:s7+s3], $0x100, $0x38;
	[tilespmem:$0x17D00] =	vst v63  }
0x16: {  	_ =	swait.ge [sflag:s12], $0x100  }
0x17: {  	[sflag:s12] =	ssyncset.done $0x0  }
0x18: {  	[sflag:s12] =	ssyncadd.s32 $0xFFFFFF00  }
0x19: {  	[tilespmem:s14], [sflag:$0x1] =	stream.indirect.gather [hbm4b:s4+s13], $0x80, s3, s13, $0xb8;
	[tilespmem:$0x17D00] =	vst v63  }
0x1a: {  	[bflag:$0x0] =	sbarrier.arrive $0xFFFF  }
0x1b: {  	_ =	swait.ge [sflag:s15], $0x4000  }
0x1c: {  	[sflag:s15] =	ssyncset.done $0x0  }
0x1d: {  	[sflag:s15] =	ssyncadd.s32 $0xFFFFC000  }
0x1e: {  	[spmem:s2] =	stream.indirect.scatter.add.f32 [tilespmem:s14], [sflag:$0x2], $0x80, s13, s13, $0xb8;
	[tilespmem:$0x17D00] =	vst v63  }
0x1f: {  	_ =	swait.ge [sflag:s12], $0x4000  }
0x20: {  	[sflag:s12] =	ssyncset.done $0x0  }
0x21: {  	s17 =	sadd.s32 $0x0, s10;
	[sflag:s12] =	ssyncadd.s32 $0xFFFFC000  }
0x22: {  	[tilespmem:s3], [sflag:$0x2] =	stream.linear.gather [hbm4b:s17+s3], $0x100, $0x38;
	[tilespmem:$0x17D00] =	vst v63  }
0x23: {  	_ =	swait.ge [sflag:s12], $0x100  }
0x24: {  	[sflag:s12] =	ssyncset.done $0x0  }
0x25: {  	s17 =	simm.s32 $0x20;
	[sflag:s12] =	ssyncadd.s32 $0xFFFFFF00  }
.LBB2_2:
0x26: {  	[tilespmem:s14], [sflag:$0x1] =	stream.indirect.gather [hbm4b:s4+s13], $0x80, s3, s13, $0xb8;
	[tilespmem:$0x17D00] =	vst v63  }
0x27: {  	s18 =	smov.u32 s17  }
0x28: {  	p0 =	sne.s32 s17, $0x1380;
	s17 =	sadd.s32 $0x20, s17;
	_ =	swait.ge [sflag:s15], $0x4000  }
0x29: {  	[sflag:s15] =	ssyncset.done $0x0  }
0x2a: {  	[sflag:s15] =	ssyncadd.s32 $0xFFFFC000  }
0x2b: {  	[spmem:s2] =	stream.indirect.scatter.add.f32 [tilespmem:s14], [sflag:$0x2], $0x80, s13, s13, $0xb8;
	[tilespmem:$0x17D00] =	vst v63  }
0x2c: {  	_ =	swait.ge [sflag:s12], $0x4000  }
0x2d: {  	[sflag:s12] =	ssyncset.done $0x0  }
.Ltmp0:
0x2e: {  	s18 =	sadd.s32 s18, s10;
	[sflag:s12] =	ssyncadd.s32 $0xFFFFC000;
	(pc) =	sbr.rel @p0 .LBB2_2-.Ltmp0, $4  }
0x2f: {  	[tilespmem:s3], [sflag:$0x2] =	stream.linear.gather [hbm4b:s18+s3], $0x100, $0x38;
	[tilespmem:$0x17D00] =	vst v63  }
0x30: {  	_ =	swait.ge [sflag:s12], $0x100  }
0x31: {  	[sflag:s12] =	ssyncset.done $0x0  }
0x32: {  	[sflag:s12] =	ssyncadd.s32 $0xFFFFFF00  }
0x33: {  	[tilespmem:s14], [sflag:$0x1] =	stream.indirect.gather [hbm4b:s4+s13], $0x80, s3, s13, $0xb8;
	[tilespmem:$0x17D00] =	vst v63  }
0x34: {  	_ =	swait.ge [sflag:s15], $0x4000  }
0x35: {  	s16 =	sadd.s32 $0x1, s16;
	[sflag:s15] =	ssyncset.done $0x0  }
0x36: {  	p0 =	sne.s32 s16, s9;
	[sflag:s15] =	ssyncadd.s32 $0xFFFFC000  }
.Ltmp1:
0x37: {  	[bflag:$0x0] =	sbarrier.arrive $0xFFFF;
	(pc) =	sbr.rel @p0 .LBB2_1-.Ltmp1, $4  }
0x38: {  	[hbm:s8], [sflag:s6] =	dma.local [spmem:s11], $0x2780  }
0x39: {  	_ =	swait.ge [sflag:s12], $0x2780  }
0x3a: {  	[sflag:s12] =	ssyncset.done $0x0  }
0x3b: {  	[sflag:s12] =	ssyncadd.s32 $0xFFFFD880  }
0x3c: {  	_ =	sfence.sel $0x180000  }
0x3d: {  	[bflag:$0x0] =	sbarrier.arrive $0xFFFF  }
0x3e: {  	p0 =	sne.s32 s1, $0x0;
	_ =	strace $0x9000004A  }
0x3f: {  	s0 =	sadd.s32 @!p0 $0x100000, s0;
	[bflag:$0x2] =	sbarrier.arrive $0xFFFF  }
0x40: {  	[sflag:s0] =	ssyncadd.tile.s32 @!p0 $0x1;
	_ =	shalt  }
.Lfunc_end2:
_tile_overlayer_lowered:
.L_overlay_start_2:
0x41: {  	(tag) =	ssettag $0x2  }
0x42: {  	s0 =	rddreg [dreg:$0x0];
	s2 =	stileid.u32  }
0x43: {  	s1 =	rddreg [dreg:$0x1];
	p0 =	sne.s32 s2, $0x0  }
0x44: {  	s3 =	rddreg [dreg:$0x2];
	[bflag:$0x3] =	sbarrier.arrive $0xFFFF;
	s2 =	simm.s32 @!p0 $0x1C02  }
0x45: {  	[timem:s3], [sflag:s2] =	dma.local @!p0 [hbm:s0], s1  }
0x46: {  	s0 =	simm.s32 @!p0 $0x2  }
0x47: {  	_ =	swait.ge @!p0 [sflag:s0], s1  }
0x48: {  	s1 =	ssub.s32 @!p0 $0x0, s1;
	[sflag:s0] =	ssyncset.done @!p0 $0x0  }
0x49: {  	[sflag:s0] =	ssyncadd.s32 @!p0 s1  }
0x4a: {  	[bflag:$0x3] =	sbarrier.arrive $0xFFFF  }
0x4b: {  	_ =	shalt  }

// kernel: kernel.20.cloned.1.call-start
scs
__scs_entry_jumppad:
0x0: {  	(pc) =	sbr.rel $0x88, $3  }
0x1: {  	(tag) =	ssettag $0x0;
	lr =	simm.s32 $0x1  }
0x2: {  	[smem:$0x3F95] =	sst lr;
	_ =	strace $0xD0000000  }
0x3: {  	_ = 	snop  }
0x4: {  	_ = 	snop  }
0x5: {  	_ = 	snop  }
0x6: {  	_ = 	snop  }
0x7: {  	_ = 	snop  }
__scs_overlays_trampoline_lowered:
0x8: {  	[smem:$0x3FA4] =	sst s0  }
0x9: {  	[smem:$0x3FA5] =	sst s1  }
0xa: {  	[smem:$0x3FA6] =	sst s2  }
0xb: {  	[smem:$0x3FA7] =	sst s3  }
0xc: {  	[smem:$0x3FA8] =	sst s4  }
0xd: {  	[smem:$0x3FA9] =	sst s5  }
0xe: {  	[smem:$0x3FAA] =	sst s6  }
0xf: {  	[smem:$0x3FAB] =	sst s7  }
0x10: {  	[smem:$0x3FAC] =	sst s8  }
0x11: {  	[smem:$0x3FAD] =	sst s9;
	s0 =	simm.s32 @!p0 $0x0  }
0x12: {  	s1 =	sld [smem:$0x3F93];
	s0 =	simm.s32 @p0 $0x1  }
0x13: {  	[smem:$0x3FAE] =	sst s0;
	s0 =	simm.s32 @!p1 $0x0  }
0x14: {  	s2 =	sld [smem:$0x3F92];
	s0 =	simm.s32 @p1 $0x1  }
0x15: {  	[smem:$0x3FAF] =	sst s0;
	s0 =	simm.s32 @!p2 $0x0  }
0x16: {  	s3 =	sld [smem:$0x3FDB];
	s0 =	simm.s32 @p2 $0x1  }
0x17: {  	s4 =	simm.s32 $0x1BF5;
	[smem:$0x3FB1] =	sst s0  }
0x18: {  	s0 =	sld [smem:$0x3F94];
	_ =	swait.ge [sflag:s4], $0x0  }
0x19: {  	s7 =	sld [smem:$0x3F95]  }
0x1a: {  	s8 =	sadd.s32 $0xFFFFE003, lr  }
0x1b: {  	s9 =	sadd.s32 $0xFFFFFEF7, lr;
	s5 =	simm.s32 $0xFFFFFFFF;
	p2 =	slt.u32 s8, $0xFFFFF086  }
0x1c: {  	p1 =	slt.u32 s9, $0xF7A;
	s5 =	simm.s32 @!p2 $0x0  }
0x1d: {  	s5 =	simm.s32 @p1 $0x1;
	p0 =	seq.s32 s7, s2  }
0x1e: {  	s7 =	smul.u32 @!p0 $0xF7A, s2;
	p2 =	seq.s32 @!p0 s5, $0x0  }
0x1f: {  	s9 =	smul.u32 $0xF7A, s1;
	s8 =	simm.s32 @!p0 $0x1BF5;
	p2 =	por !p2, p0  }
0x20: {  	[sflag:s8] =	ssyncset.s32 @!p0 $0xFFFFF086;
	s6 =	sadd.s32 @!p0 s3, s7;
	s7 =	simm.s32 @!p0 $0x108  }
0x21: {  	s3 =	sadd.s32 s3, s9;
	s6 =	sadd.s32 @!p0 $0x88, s6;
	s7 =	simm.s32 @p2 $0x1082  }
0x22: {  	[simem:s7], [sflag:s8] =	dma.local @!p0 [hbm:s6], $0xF7A  }
0x23: {  	s9 =	sor.u32 $0xD0000000, s2;
	s6 =	simm.s32 $0x108;
	_ =	swait.ge @!p0 [sflag:s8], $0x0  }
0x24: {  	s3 =	sadd.s32 $0x88, s3;
	s6 =	simm.s32 @!p1 $0x1082;
	[sflag:s4] =	ssyncset.s32 $0xFFFFF086  }
0x25: {  	[simem:s6], [sflag:s4] =	dma.local [hbm:s3], $0xF7A  }
0x26: {  	[smem:$0x3F95] =	sst s1;
	(tag) =	ssettag s2;
	_ =	strace s9  }
0x27: {  	s1 =	sld [smem:$0x3FA5]  }
0x28: {  	s2 =	sld [smem:$0x3FA6]  }
0x29: {  	s4 =	sld [smem:$0x3FA8]  }
0x2a: {  	p0 =	seq.s32 s5, $0x0;
	s5 =	sld [smem:$0x3FA9]  }
0x2b: {  	s6 =	sld [smem:$0x3FAA]  }
0x2c: {  	s7 =	sld [smem:$0x3FAB]  }
0x2d: {  	s3 =	simm.s32 $0x108;
	s8 =	sld [smem:$0x3FAC]  }
0x2e: {  	s3 =	simm.s32 @!p0 $0x1082;
	s9 =	sld [smem:$0x3FAD]  }
0x2f: {  	lr =	sadd.s32 s0, s3;
	s0 =	sld [smem:$0x3FA4]  }
0x30: {  	s3 =	sld [smem:$0x3FA7]  }
0x31: {  	[smem:$0x3FB0] =	sst s10  }
0x32: {  	s10 =	sld [smem:$0x3FAE];
	_ =	sdelay $0x3  }
0x33: {  	p0 =	seq.s32 s10, $0x1;
	s10 =	sld [smem:$0x3FB0];
	_ =	sdelay $0x3  }
0x34: {  	[smem:$0x3FB0] =	sst s10  }
0x35: {  	s10 =	sld [smem:$0x3FAF];
	_ =	sdelay $0x3  }
0x36: {  	p1 =	seq.s32 s10, $0x1;
	s10 =	sld [smem:$0x3FB0];
	_ =	sdelay $0x3  }
0x37: {  	[smem:$0x3FB0] =	sst s10  }
0x38: {  	s10 =	sld [smem:$0x3FB1]  }
0x39: {  	_ = 	snop;
	(pc) =	sbr.ind lr, $3  }
0x3a: {  	_ = 	snop  }
0x3b: {  	_ = 	snop  }
0x3c: {  	p2 =	seq.s32 s10, $0x1;
	s10 =	sld [smem:$0x3FB0]  }
0x3d: {  	_ =	shalt  }
0x3e: {  	_ =	shalt  }
0x3f: {  	_ =	shalt  }
0x40: {  	_ =	shalt  }
0x41: {  	_ =	shalt  }
0x42: {  	_ =	shalt  }
0x43: {  	_ =	shalt  }
0x44: {  	_ =	shalt  }
0x45: {  	_ =	shalt  }
0x46: {  	_ =	shalt  }
0x47: {  	_ =	shalt  }
0x48: {  	_ =	shalt  }
0x49: {  	_ =	shalt  }
0x4a: {  	_ =	shalt  }
0x4b: {  	_ =	shalt  }
0x4c: {  	_ =	shalt  }
0x4d: {  	_ =	shalt  }
0x4e: {  	_ =	shalt  }
0x4f: {  	_ =	shalt  }
0x50: {  	_ =	shalt  }
0x51: {  	_ =	shalt  }
0x52: {  	_ =	shalt  }
0x53: {  	_ =	shalt  }
0x54: {  	_ =	shalt  }
0x55: {  	_ =	shalt  }
0x56: {  	_ =	shalt  }
0x57: {  	_ =	shalt  }
0x58: {  	_ =	shalt  }
0x59: {  	_ =	shalt  }
0x5a: {  	_ =	shalt  }
0x5b: {  	_ =	shalt  }
0x5c: {  	_ =	shalt  }
0x5d: {  	_ =	shalt  }
0x5e: {  	_ =	shalt  }
0x5f: {  	_ =	shalt  }
0x60: {  	_ =	shalt  }
0x61: {  	_ =	shalt  }
0x62: {  	_ =	shalt  }
0x63: {  	_ =	shalt  }
0x64: {  	_ =	shalt  }
0x65: {  	_ =	shalt  }
0x66: {  	_ =	shalt  }
0x67: {  	_ =	shalt  }
0x68: {  	_ =	shalt  }
0x69: {  	_ =	shalt  }
0x6a: {  	_ =	shalt  }
0x6b: {  	_ =	shalt  }
0x6c: {  	_ =	shalt  }
0x6d: {  	_ =	shalt  }
0x6e: {  	_ =	shalt  }
0x6f: {  	_ =	shalt  }
0x70: {  	_ =	shalt  }
0x71: {  	_ =	shalt  }
0x72: {  	_ =	shalt  }
0x73: {  	_ =	shalt  }
0x74: {  	_ =	shalt  }
0x75: {  	_ =	shalt  }
0x76: {  	_ =	shalt  }
0x77: {  	_ =	shalt  }
0x78: {  	_ =	shalt  }
0x79: {  	_ =	shalt  }
0x7a: {  	_ =	shalt  }
0x7b: {  	_ =	shalt  }
0x7c: {  	_ =	shalt  }
0x7d: {  	_ =	shalt  }
0x7e: {  	_ =	shalt  }
0x7f: {  	_ =	shalt  }
0x80: {  	_ =	shalt  }
0x81: {  	_ =	shalt  }
0x82: {  	_ =	shalt  }
0x83: {  	_ =	shalt  }
0x84: {  	_ =	shalt  }
0x85: {  	_ =	shalt  }
0x86: {  	_ =	shalt  }
0x87: {  	_ =	shalt  }
.Lfunc_end0:
.L_simem_size_0:
called_computation.2_lowered:
.L_overlay_start_0:
0x88: {  	s2 =	sld [smem:$0x3FD9]  }
0x89: {  	s3 =	sld [smem:$0x3FFE];
	_ =	sdelay $0x1  }
0x8a: {  	s1 =	srdreg.scid  }
0x8b: {  	s0 =	sand.u32 $0x1, s1  }
0x8c: {  	s16 =	sshll.u32 s0, $0xA;
	s2 =	sadd.s32 s3, s2  }
0x8d: {  	s2 =	sadd.s32 s2, s16  }
0x8e: {  	[smem:$0x3FBC] =	sst s2  }
0x8f: {  	_ = 	snop  }
0x90: {  	(tm) =	ssettm $0x1  }
0x91: {  	s17 =	sld [smem:$0x3FFB];
	_ =	sdelay $0x3  }
0x92: {  	_ =	strace s17  }
0x93: {  	s2 =	sld [smem:$0x3FFC];
	_ =	sdelay $0x3  }
0x94: {  	_ =	strace s2  }
0x95: {  	s2 =	sld [smem:$0x3FFD];
	_ =	sdelay $0x3  }
0x96: {  	_ =	strace s2  }
0x97: {  	_ =	strace $0x8FFFFFFF  }
0x98: {  	s18 =	sld [smem:$0x3FDB];
	_ =	sdelay $0x1  }
0x99: {  	s19 =	simm.s32 $_scs_section_size  }
0x9a: {  	s4 =	simm.s32 $_size__tile_overlayer_lowered;
	s5 =	simm.s32 $_tile_overlayer_lowered  }
0x9b: {  	s22 =	simm.s32 $0x1BFF;
	s21 =	sshll.u32 s5, $0x1;
	s2 =	sadd.s32 s19, s18  }
0x9c: {  	s6 =	simm.s32 $0x0;
	s20 =	sshll.u32 s4, $0x1;
	s4 =	sadd.s32 s21, s2  }
0x9d: {  	[timem:s6], [sflag:s22] =	dma.local [hbm:s4], s20  }
0x9e: {  	_ =	swait.ge [sflag:s22], s20  }
0x9f: {  	s3 =	ssub.s32 $0x0, s20;
	[sflag:s22] =	ssyncset.done $0x0  }
0xa0: {  	[sflag:s22] =	ssyncadd.s32 s3;
	_ =	sdelay $0x1  }
0xa1: {  	s23 =	simm.s32 $0x1B8B  }
0xa2: {  	_ =	swait.ge [sflag:s23], $0x1  }
0xa3: {  	[sflag:s23] =	ssyncset.done $0x0  }
0xa4: {  	s25 =	simm.s32 $0x1B8E;
	s24 =	sld [smem:$0x3FFE];
	[sflag:s23] =	ssyncadd.s32 $0xFFFFFFFF  }
0xa5: {  	s26 =	simm.s32 $execute0_lowered;
	[smem:$0x3FD2] =	sst s25  }
0xa6: {  	s4 =	sshll.u32 s26, $0x1;
	_ =	strace $0x8000004C;
	[dreg:$0x1] =	wrdreg $0xFFFFFFFF  }
0xa7: {  	s28 =	simm.s32 $_size_execute0_lowered;
	s2 =	sadd.s32 s2, s4;
	[dreg:$0x0] =	wrdreg $0x0  }
0xa8: {  	s4 =	sshll.u32 s28, $0x1;
	[dreg:$0x2] =	wrdreg s2  }
0xa9: {  	[dreg:$0x3] =	wrdreg s4  }
0xaa: {  	[dreg:$0x4] =	wrdreg $0xC0  }
0xab: {  	_ =	task [dreg:s6], $0x5FFFF  }
0xac: {  	[dreg:$0x1] =	wrdreg $0xFFFFFFFF  }
0xad: {  	[dreg:$0x0] =	wrdreg $0x60  }
0xae: {  	[dreg:$0x2] =	wrdreg s24  }
0xaf: {  	[dreg:$0x3] =	wrdreg $0x41000  }
0xb0: {  	[dreg:$0x4] =	wrdreg $0x9  }
0xb1: {  	_ =	task.clear_ibuf [dreg:s6], $0x5FFFF;
	_ =	strace $0x9000004C  }
0xb2: {  	s29 =	simm.s32 $0x9;
	_ =	strace $0x8000004E  }
0xb3: {  	_ =	swait.ge [sflag:s29], $0x1  }
0xb4: {  	[sflag:s29] =	ssyncadd.s32 $0xFFFFFFFF  }
0xb5: {  	_ =	strace $0x9000004E  }
0xb6: {  	_ =	sfence  }
0xb7: {  	s30 =	sld [smem:$0x0];
	_ =	sdelay $0x2  }
0xb8: {  	s31 =	sshll.u32 s1, $0xD;
	s1 =	sshrl.u32 s1, $0x2  }
0xb9: {  	s3 =	sand.u32 $0x4000, s31;
	s1 =	sadd.s32 s1, s30  }
0xba: {  	s0 =	sor.u32 s3, s0;
	s1 =	sshll.u32 s1, $0x11  }
0xbb: {  	s0 =	sor.u32 s1, s0  }
0xbc: {  	s0 =	sadd.s32 $0x8F2B, s0  }
0xbd: {  	[sflag:s0] =	ssyncadd.remote.s32 $0x1  }
0xbe: {  	_ =	sfence.sel $0xFFFF  }
0xbf: {  	[dreg:$0x0] =	wrdreg $0xFFFFFFFF;
	(pc) =	sbr.abs _section_cstart, $3  }
0xc0: {  	[dreg:$0x1] =	wrdreg $0xFFFFFFFF  }
0xc1: {  	_ =	task.clear_ibuf [dreg:s6], $0x2FFFF;
	_ =	strace $0x9FFFFFFF  }
0xc2: {  	(tm) =	ssettm $0x7FFFFFFF  }
0xc3: {  	_ =	shalt  }
tec
execute0_lowered:
.L_overlay_start_1:
0x0: {  	(tag) =	ssettag $0x1  }
0x1: {  	s5 =	rddreg [dreg:$0x0]  }
0x2: {  	s2 =	rddreg [dreg:$0x1]  }
0x3: {  	s0 =	rddreg [dreg:$0x2];
	s3 =	simm.s32 $0x0  }
0x4: {  	s1 =	stileid.u32;
	s4 =	srdreg.scid;
	s15 =	simm.s32 $0x1  }
0x5: {  	s16 =	simm.s32 $0x0;
	[smem:$0x7FF] =	sst s3;
	s6 =	smul.u32 $0x13C00, s1  }
0x6: {  	s7 =	sand.u32 $0x1, s4;
	s4 =	sadd.s32 $0x119000, s5;
	s11 =	smul.u32 $0x4F000, s1  }
0x7: {  	s10 =	sadd.s32 $0x7200, s5;
	s13 =	smul.u32 $0x9E00, s1;
	s29 =	sshll.u32 s1, $0x6  }
0x8: {  	_ =	strace $0x8000004D;
	s9 =	smul.u32 $0x13C000, s7;
	s25 =	ssub.s32 $0x2, s7  }
0x9: {  	s7 =	smul.u32 $0x9E000, s7;
	s8 =	sshrl.u32 s6, $0x3;
	s12 =	sshrl.u32 s25, $0x1  }
0xa: {  	s26 =	sshrl.u32 s11, $0x2;
	s8 =	sadd.s32 s8, s5;
	s6 =	sadd.s32 s6, s9  }
0xb: {  	s9 =	ssub.s32 s25, s12;
	s11 =	sadd.s32 s26, s2;
	s28 =	sadd.s32 s13, s7  }
0xc: {  	s13 =	simm.s32 $0x80;
	s6 =	sshrl.u32 s6, $0x3;
	s30 =	sshrl.u32 s28, $0x3  }
0xd: {  	s31 =	sor.u32 $0x100, s28;
	s9 =	smax.u32 s9, $0x1;
	s11 =	sshrl.u32 s11, $0x3  }
0xe: {  	s14 =	sadd.s32 s6, s5;
	s5 =	sadd.s32 $0xF1800, s8;
	s6 =	sor.u32 $0x1C02, s29  }
0xf: {  	s7 =	sadd.s32 s10, s30;
	s12 =	sshrl.u32 s31, $0x3;
	s8 =	sadd.s32 $0x7CC00, s14  }
0x10: {  	s10 =	sadd.s32 s12, s10;
	s12 =	simm.s32 $0x2;
	s14 =	simm.s32 $0x100  }
.LBB2_1:
0x11: {  	[spmem:s11], [sflag:s6] =	dma.local [hbm:s5], $0x2780  }
0x12: {  	_ =	swait.ge [sflag:s12], $0x2780  }
0x13: {  	[sflag:s12] =	ssyncset.done $0x0  }
0x14: {  	[sflag:s12] =	ssyncadd.s32 $0xFFFFD880  }
0x15: {  	[tilespmem:s3], [sflag:$0x2] =	stream.linear.gather [hbm4b:s7+s3], $0x100, $0x38;
	[tilespmem:$0x17D00] =	vst v63  }
0x16: {  	_ =	swait.ge [sflag:s12], $0x100  }
0x17: {  	[sflag:s12] =	ssyncset.done $0x0  }
0x18: {  	[sflag:s12] =	ssyncadd.s32 $0xFFFFFF00  }
0x19: {  	[tilespmem:s14], [sflag:$0x1] =	stream.indirect.gather [hbm4b:s4+s13], $0x80, s3, s13, $0xb8;
	[tilespmem:$0x17D00] =	vst v63  }
0x1a: {  	[bflag:$0x0] =	sbarrier.arrive $0xFFFF  }
0x1b: {  	_ =	swait.ge [sflag:s15], $0x4000  }
0x1c: {  	[sflag:s15] =	ssyncset.done $0x0  }
0x1d: {  	[sflag:s15] =	ssyncadd.s32 $0xFFFFC000  }
0x1e: {  	[spmem:s2] =	stream.indirect.scatter.add.f32 [tilespmem:s14], [sflag:$0x2], $0x80, s13, s13, $0xb8;
	[tilespmem:$0x17D00] =	vst v63  }
0x1f: {  	_ =	swait.ge [sflag:s12], $0x4000  }
0x20: {  	[sflag:s12] =	ssyncset.done $0x0  }
0x21: {  	s17 =	sadd.s32 $0x0, s10;
	[sflag:s12] =	ssyncadd.s32 $0xFFFFC000  }
0x22: {  	[tilespmem:s3], [sflag:$0x2] =	stream.linear.gather [hbm4b:s17+s3], $0x100, $0x38;
	[tilespmem:$0x17D00] =	vst v63  }
0x23: {  	_ =	swait.ge [sflag:s12], $0x100  }
0x24: {  	[sflag:s12] =	ssyncset.done $0x0  }
0x25: {  	s17 =	simm.s32 $0x20;
	[sflag:s12] =	ssyncadd.s32 $0xFFFFFF00  }
.LBB2_2:
0x26: {  	[tilespmem:s14], [sflag:$0x1] =	stream.indirect.gather [hbm4b:s4+s13], $0x80, s3, s13, $0xb8;
	[tilespmem:$0x17D00] =	vst v63  }
0x27: {  	s18 =	smov.u32 s17  }
0x28: {  	p0 =	sne.s32 s17, $0x1380;
	s17 =	sadd.s32 $0x20, s17;
	_ =	swait.ge [sflag:s15], $0x4000  }
0x29: {  	[sflag:s15] =	ssyncset.done $0x0  }
0x2a: {  	[sflag:s15] =	ssyncadd.s32 $0xFFFFC000  }
0x2b: {  	[spmem:s2] =	stream.indirect.scatter.add.f32 [tilespmem:s14], [sflag:$0x2], $0x80, s13, s13, $0xb8;
	[tilespmem:$0x17D00] =	vst v63  }
0x2c: {  	_ =	swait.ge [sflag:s12], $0x4000  }
0x2d: {  	[sflag:s12] =	ssyncset.done $0x0  }
.Ltmp0:
0x2e: {  	s18 =	sadd.s32 s18, s10;
	[sflag:s12] =	ssyncadd.s32 $0xFFFFC000;
	(pc) =	sbr.rel @p0 .LBB2_2-.Ltmp0, $4  }
0x2f: {  	[tilespmem:s3], [sflag:$0x2] =	stream.linear.gather [hbm4b:s18+s3], $0x100, $0x38;
	[tilespmem:$0x17D00] =	vst v63  }
0x30: {  	_ =	swait.ge [sflag:s12], $0x100  }
0x31: {  	[sflag:s12] =	ssyncset.done $0x0  }
0x32: {  	[sflag:s12] =	ssyncadd.s32 $0xFFFFFF00  }
0x33: {  	[tilespmem:s14], [sflag:$0x1] =	stream.indirect.gather [hbm4b:s4+s13], $0x80, s3, s13, $0xb8;
	[tilespmem:$0x17D00] =	vst v63  }
0x34: {  	_ =	swait.ge [sflag:s15], $0x4000  }
0x35: {  	s16 =	sadd.s32 $0x1, s16;
	[sflag:s15] =	ssyncset.done $0x0  }
0x36: {  	p0 =	sne.s32 s16, s9;
	[sflag:s15] =	ssyncadd.s32 $0xFFFFC000  }
.Ltmp1:
0x37: {  	[bflag:$0x0] =	sbarrier.arrive $0xFFFF;
	(pc) =	sbr.rel @p0 .LBB2_1-.Ltmp1, $4  }
0x38: {  	[hbm:s8], [sflag:s6] =	dma.local [spmem:s11], $0x2780  }
0x39: {  	_ =	swait.ge [sflag:s12], $0x2780  }
0x3a: {  	[sflag:s12] =	ssyncset.done $0x0  }
0x3b: {  	[sflag:s12] =	ssyncadd.s32 $0xFFFFD880  }
0x3c: {  	_ =	sfence.sel $0x180000  }
0x3d: {  	[bflag:$0x0] =	sbarrier.arrive $0xFFFF  }
0x3e: {  	p0 =	sne.s32 s1, $0x0;
	_ =	strace $0x9000004D  }
0x3f: {  	s0 =	sadd.s32 @!p0 $0x100000, s0;
	[bflag:$0x2] =	sbarrier.arrive $0xFFFF  }
0x40: {  	[sflag:s0] =	ssyncadd.tile.s32 @!p0 $0x1;
	_ =	shalt  }
.Lfunc_end2:
_tile_overlayer_lowered:
.L_overlay_start_2:
0x41: {  	(tag) =	ssettag $0x2  }
0x42: {  	s0 =	rddreg [dreg:$0x0];
	s2 =	stileid.u32  }
0x43: {  	s1 =	rddreg [dreg:$0x1];
	p0 =	sne.s32 s2, $0x0  }
0x44: {  	s3 =	rddreg [dreg:$0x2];
	[bflag:$0x3] =	sbarrier.arrive $0xFFFF;
	s2 =	simm.s32 @!p0 $0x1C02  }
0x45: {  	[timem:s3], [sflag:s2] =	dma.local @!p0 [hbm:s0], s1  }
0x46: {  	s0 =	simm.s32 @!p0 $0x2  }
0x47: {  	_ =	swait.ge @!p0 [sflag:s0], s1  }
0x48: {  	s1 =	ssub.s32 @!p0 $0x0, s1;
	[sflag:s0] =	ssyncset.done @!p0 $0x0  }
0x49: {  	[sflag:s0] =	ssyncadd.s32 @!p0 s1  }
0x4a: {  	[bflag:$0x3] =	sbarrier.arrive $0xFFFF  }
0x4b: {  	_ =	shalt  }

// kernel: kernel.23.cloned.1.call-start
scs
__scs_entry_jumppad:
0x0: {  	(pc) =	sbr.rel $0x88, $3  }
0x1: {  	(tag) =	ssettag $0x0;
	lr =	simm.s32 $0x1  }
0x2: {  	[smem:$0x3F95] =	sst lr;
	_ =	strace $0xD0000000  }
0x3: {  	_ = 	snop  }
0x4: {  	_ = 	snop  }
0x5: {  	_ = 	snop  }
0x6: {  	_ = 	snop  }
0x7: {  	_ = 	snop  }
__scs_overlays_trampoline_lowered:
0x8: {  	[smem:$0x3FA4] =	sst s0  }
0x9: {  	[smem:$0x3FA5] =	sst s1  }
0xa: {  	[smem:$0x3FA6] =	sst s2  }
0xb: {  	[smem:$0x3FA7] =	sst s3  }
0xc: {  	[smem:$0x3FA8] =	sst s4  }
0xd: {  	[smem:$0x3FA9] =	sst s5  }
0xe: {  	[smem:$0x3FAA] =	sst s6  }
0xf: {  	[smem:$0x3FAB] =	sst s7  }
0x10: {  	[smem:$0x3FAC] =	sst s8  }
0x11: {  	[smem:$0x3FAD] =	sst s9;
	s0 =	simm.s32 @!p0 $0x0  }
0x12: {  	s1 =	sld [smem:$0x3F93];
	s0 =	simm.s32 @p0 $0x1  }
0x13: {  	[smem:$0x3FAE] =	sst s0;
	s0 =	simm.s32 @!p1 $0x0  }
0x14: {  	s2 =	sld [smem:$0x3F92];
	s0 =	simm.s32 @p1 $0x1  }
0x15: {  	[smem:$0x3FAF] =	sst s0;
	s0 =	simm.s32 @!p2 $0x0  }
0x16: {  	s3 =	sld [smem:$0x3FDB];
	s0 =	simm.s32 @p2 $0x1  }
0x17: {  	s4 =	simm.s32 $0x1BF5;
	[smem:$0x3FB1] =	sst s0  }
0x18: {  	s0 =	sld [smem:$0x3F94];
	_ =	swait.ge [sflag:s4], $0x0  }
0x19: {  	s7 =	sld [smem:$0x3F95]  }
0x1a: {  	s8 =	sadd.s32 $0xFFFFE003, lr  }
0x1b: {  	s9 =	sadd.s32 $0xFFFFFEF7, lr;
	s5 =	simm.s32 $0xFFFFFFFF;
	p2 =	slt.u32 s8, $0xFFFFF086  }
0x1c: {  	p1 =	slt.u32 s9, $0xF7A;
	s5 =	simm.s32 @!p2 $0x0  }
0x1d: {  	s5 =	simm.s32 @p1 $0x1;
	p0 =	seq.s32 s7, s2  }
0x1e: {  	s7 =	smul.u32 @!p0 $0xF7A, s2;
	p2 =	seq.s32 @!p0 s5, $0x0  }
0x1f: {  	s9 =	smul.u32 $0xF7A, s1;
	s8 =	simm.s32 @!p0 $0x1BF5;
	p2 =	por !p2, p0  }
0x20: {  	[sflag:s8] =	ssyncset.s32 @!p0 $0xFFFFF086;
	s6 =	sadd.s32 @!p0 s3, s7;
	s7 =	simm.s32 @!p0 $0x108  }
0x21: {  	s3 =	sadd.s32 s3, s9;
	s6 =	sadd.s32 @!p0 $0x88, s6;
	s7 =	simm.s32 @p2 $0x1082  }
0x22: {  	[simem:s7], [sflag:s8] =	dma.local @!p0 [hbm:s6], $0xF7A  }
0x23: {  	s9 =	sor.u32 $0xD0000000, s2;
	s6 =	simm.s32 $0x108;
	_ =	swait.ge @!p0 [sflag:s8], $0x0  }
0x24: {  	s3 =	sadd.s32 $0x88, s3;
	s6 =	simm.s32 @!p1 $0x1082;
	[sflag:s4] =	ssyncset.s32 $0xFFFFF086  }
0x25: {  	[simem:s6], [sflag:s4] =	dma.local [hbm:s3], $0xF7A  }
0x26: {  	[smem:$0x3F95] =	sst s1;
	(tag) =	ssettag s2;
	_ =	strace s9  }
0x27: {  	s1 =	sld [smem:$0x3FA5]  }
0x28: {  	s2 =	sld [smem:$0x3FA6]  }
0x29: {  	s4 =	sld [smem:$0x3FA8]  }
0x2a: {  	p0 =	seq.s32 s5, $0x0;
	s5 =	sld [smem:$0x3FA9]  }
0x2b: {  	s6 =	sld [smem:$0x3FAA]  }
0x2c: {  	s7 =	sld [smem:$0x3FAB]  }
0x2d: {  	s3 =	simm.s32 $0x108;
	s8 =	sld [smem:$0x3FAC]  }
0x2e: {  	s3 =	simm.s32 @!p0 $0x1082;
	s9 =	sld [smem:$0x3FAD]  }
0x2f: {  	lr =	sadd.s32 s0, s3;
	s0 =	sld [smem:$0x3FA4]  }
0x30: {  	s3 =	sld [smem:$0x3FA7]  }
0x31: {  	[smem:$0x3FB0] =	sst s10  }
0x32: {  	s10 =	sld [smem:$0x3FAE];
	_ =	sdelay $0x3  }
0x33: {  	p0 =	seq.s32 s10, $0x1;
	s10 =	sld [smem:$0x3FB0];
	_ =	sdelay $0x3  }
0x34: {  	[smem:$0x3FB0] =	sst s10  }
0x35: {  	s10 =	sld [smem:$0x3FAF];
	_ =	sdelay $0x3  }
0x36: {  	p1 =	seq.s32 s10, $0x1;
	s10 =	sld [smem:$0x3FB0];
	_ =	sdelay $0x3  }
0x37: {  	[smem:$0x3FB0] =	sst s10  }
0x38: {  	s10 =	sld [smem:$0x3FB1]  }
0x39: {  	_ = 	snop;
	(pc) =	sbr.ind lr, $3  }
0x3a: {  	_ = 	snop  }
0x3b: {  	_ = 	snop  }
0x3c: {  	p2 =	seq.s32 s10, $0x1;
	s10 =	sld [smem:$0x3FB0]  }
0x3d: {  	_ =	shalt  }
0x3e: {  	_ =	shalt  }
0x3f: {  	_ =	shalt  }
0x40: {  	_ =	shalt  }
0x41: {  	_ =	shalt  }
0x42: {  	_ =	shalt  }
0x43: {  	_ =	shalt  }
0x44: {  	_ =	shalt  }
0x45: {  	_ =	shalt  }
0x46: {  	_ =	shalt  }
0x47: {  	_ =	shalt  }
0x48: {  	_ =	shalt  }
0x49: {  	_ =	shalt  }
0x4a: {  	_ =	shalt  }
0x4b: {  	_ =	shalt  }
0x4c: {  	_ =	shalt  }
0x4d: {  	_ =	shalt  }
0x4e: {  	_ =	shalt  }
0x4f: {  	_ =	shalt  }
0x50: {  	_ =	shalt  }
0x51: {  	_ =	shalt  }
0x52: {  	_ =	shalt  }
0x53: {  	_ =	shalt  }
0x54: {  	_ =	shalt  }
0x55: {  	_ =	shalt  }
0x56: {  	_ =	shalt  }
0x57: {  	_ =	shalt  }
0x58: {  	_ =	shalt  }
0x59: {  	_ =	shalt  }
0x5a: {  	_ =	shalt  }
0x5b: {  	_ =	shalt  }
0x5c: {  	_ =	shalt  }
0x5d: {  	_ =	shalt  }
0x5e: {  	_ =	shalt  }
0x5f: {  	_ =	shalt  }
0x60: {  	_ =	shalt  }
0x61: {  	_ =	shalt  }
0x62: {  	_ =	shalt  }
0x63: {  	_ =	shalt  }
0x64: {  	_ =	shalt  }
0x65: {  	_ =	shalt  }
0x66: {  	_ =	shalt  }
0x67: {  	_ =	shalt  }
0x68: {  	_ =	shalt  }
0x69: {  	_ =	shalt  }
0x6a: {  	_ =	shalt  }
0x6b: {  	_ =	shalt  }
0x6c: {  	_ =	shalt  }
0x6d: {  	_ =	shalt  }
0x6e: {  	_ =	shalt  }
0x6f: {  	_ =	shalt  }
0x70: {  	_ =	shalt  }
0x71: {  	_ =	shalt  }
0x72: {  	_ =	shalt  }
0x73: {  	_ =	shalt  }
0x74: {  	_ =	shalt  }
0x75: {  	_ =	shalt  }
0x76: {  	_ =	shalt  }
0x77: {  	_ =	shalt  }
0x78: {  	_ =	shalt  }
0x79: {  	_ =	shalt  }
0x7a: {  	_ =	shalt  }
0x7b: {  	_ =	shalt  }
0x7c: {  	_ =	shalt  }
0x7d: {  	_ =	shalt  }
0x7e: {  	_ =	shalt  }
0x7f: {  	_ =	shalt  }
0x80: {  	_ =	shalt  }
0x81: {  	_ =	shalt  }
0x82: {  	_ =	shalt  }
0x83: {  	_ =	shalt  }
0x84: {  	_ =	shalt  }
0x85: {  	_ =	shalt  }
0x86: {  	_ =	shalt  }
0x87: {  	_ =	shalt  }
.Lfunc_end0:
.L_simem_size_0:
called_computation.3_lowered:
.L_overlay_start_0:
0x88: {  	s2 =	sld [smem:$0x3FD9]  }
0x89: {  	s3 =	sld [smem:$0x3FFE];
	_ =	sdelay $0x1  }
0x8a: {  	s1 =	srdreg.scid  }
0x8b: {  	s0 =	sand.u32 $0x1, s1  }
0x8c: {  	s16 =	sshll.u32 s0, $0xA;
	s2 =	sadd.s32 s3, s2  }
0x8d: {  	s2 =	sadd.s32 s2, s16  }
0x8e: {  	[smem:$0x3FBC] =	sst s2  }
0x8f: {  	_ = 	snop  }
0x90: {  	(tm) =	ssettm $0x1  }
0x91: {  	s17 =	sld [smem:$0x3FFB];
	_ =	sdelay $0x3  }
0x92: {  	_ =	strace s17  }
0x93: {  	s2 =	sld [smem:$0x3FFC];
	_ =	sdelay $0x3  }
0x94: {  	_ =	strace s2  }
0x95: {  	s2 =	sld [smem:$0x3FFD];
	_ =	sdelay $0x3  }
0x96: {  	_ =	strace s2  }
0x97: {  	_ =	strace $0x8FFFFFFF  }
0x98: {  	s18 =	sld [smem:$0x3FDB];
	_ =	sdelay $0x1  }
0x99: {  	s19 =	simm.s32 $_scs_section_size  }
0x9a: {  	s4 =	simm.s32 $_size__tile_overlayer_lowered;
	s5 =	simm.s32 $_tile_overlayer_lowered  }
0x9b: {  	s22 =	simm.s32 $0x1BFF;
	s21 =	sshll.u32 s5, $0x1;
	s2 =	sadd.s32 s19, s18  }
0x9c: {  	s6 =	simm.s32 $0x0;
	s20 =	sshll.u32 s4, $0x1;
	s4 =	sadd.s32 s21, s2  }
0x9d: {  	[timem:s6], [sflag:s22] =	dma.local [hbm:s4], s20  }
0x9e: {  	_ =	swait.ge [sflag:s22], s20  }
0x9f: {  	s3 =	ssub.s32 $0x0, s20;
	[sflag:s22] =	ssyncset.done $0x0  }
0xa0: {  	[sflag:s22] =	ssyncadd.s32 s3;
	_ =	sdelay $0x1  }
0xa1: {  	s23 =	simm.s32 $0x1B8B  }
0xa2: {  	_ =	swait.ge [sflag:s23], $0x1  }
0xa3: {  	[sflag:s23] =	ssyncset.done $0x0  }
0xa4: {  	s25 =	simm.s32 $0x1B8E;
	s24 =	sld [smem:$0x3FFE];
	[sflag:s23] =	ssyncadd.s32 $0xFFFFFFFF  }
0xa5: {  	s26 =	simm.s32 $execute0_lowered;
	[smem:$0x3FD2] =	sst s25  }
0xa6: {  	s4 =	sshll.u32 s26, $0x1;
	_ =	strace $0x8000004F;
	[dreg:$0x1] =	wrdreg $0xFFFFFFFF  }
0xa7: {  	s28 =	simm.s32 $_size_execute0_lowered;
	s2 =	sadd.s32 s2, s4;
	[dreg:$0x0] =	wrdreg $0x0  }
0xa8: {  	s4 =	sshll.u32 s28, $0x1;
	[dreg:$0x2] =	wrdreg s2  }
0xa9: {  	[dreg:$0x3] =	wrdreg s4  }
0xaa: {  	[dreg:$0x4] =	wrdreg $0xC0  }
0xab: {  	_ =	task [dreg:s6], $0x5FFFF  }
0xac: {  	[dreg:$0x1] =	wrdreg $0xFFFFFFFF  }
0xad: {  	[dreg:$0x0] =	wrdreg $0x60  }
0xae: {  	[dreg:$0x2] =	wrdreg s24  }
0xaf: {  	[dreg:$0x3] =	wrdreg $0x41000  }
0xb0: {  	[dreg:$0x4] =	wrdreg $0x9  }
0xb1: {  	_ =	task.clear_ibuf [dreg:s6], $0x5FFFF;
	_ =	strace $0x9000004F  }
0xb2: {  	s29 =	simm.s32 $0x9;
	_ =	strace $0x80000051  }
0xb3: {  	_ =	swait.ge [sflag:s29], $0x1  }
0xb4: {  	[sflag:s29] =	ssyncadd.s32 $0xFFFFFFFF  }
0xb5: {  	_ =	strace $0x90000051  }
0xb6: {  	_ =	sfence  }
0xb7: {  	s30 =	sld [smem:$0x0];
	_ =	sdelay $0x2  }
0xb8: {  	s31 =	sshll.u32 s1, $0xD;
	s1 =	sshrl.u32 s1, $0x2  }
0xb9: {  	s3 =	sand.u32 $0x4000, s31;
	s1 =	sadd.s32 s1, s30  }
0xba: {  	s0 =	sor.u32 s3, s0;
	s1 =	sshll.u32 s1, $0x11  }
0xbb: {  	s0 =	sor.u32 s1, s0  }
0xbc: {  	s0 =	sadd.s32 $0x8F2B, s0  }
0xbd: {  	[sflag:s0] =	ssyncadd.remote.s32 $0x1  }
0xbe: {  	_ =	sfence.sel $0xFFFF  }
0xbf: {  	[dreg:$0x0] =	wrdreg $0xFFFFFFFF;
	(pc) =	sbr.abs _section_cstart, $3  }
0xc0: {  	[dreg:$0x1] =	wrdreg $0xFFFFFFFF  }
0xc1: {  	_ =	task.clear_ibuf [dreg:s6], $0x2FFFF;
	_ =	strace $0x9FFFFFFF  }
0xc2: {  	(tm) =	ssettm $0x7FFFFFFF  }
0xc3: {  	_ =	shalt  }
tec
execute0_lowered:
.L_overlay_start_1:
0x0: {  	(tag) =	ssettag $0x1  }
0x1: {  	s5 =	rddreg [dreg:$0x0]  }
0x2: {  	s2 =	rddreg [dreg:$0x1]  }
0x3: {  	s0 =	rddreg [dreg:$0x2];
	s3 =	simm.s32 $0x0  }
0x4: {  	s1 =	stileid.u32;
	s4 =	srdreg.scid;
	s15 =	simm.s32 $0x1  }
0x5: {  	s16 =	simm.s32 $0x0;
	[smem:$0x7FF] =	sst s3;
	s6 =	smul.u32 $0x13C00, s1  }
0x6: {  	s7 =	sand.u32 $0x1, s4;
	s4 =	sadd.s32 $0x119000, s5;
	s11 =	smul.u32 $0x4F000, s1  }
0x7: {  	s10 =	sadd.s32 $0x7200, s5;
	s13 =	smul.u32 $0x9E00, s1;
	s29 =	sshll.u32 s1, $0x6  }
0x8: {  	_ =	strace $0x80000050;
	s9 =	smul.u32 $0x13C000, s7;
	s25 =	ssub.s32 $0x2, s7  }
0x9: {  	s7 =	smul.u32 $0x9E000, s7;
	s8 =	sshrl.u32 s6, $0x3;
	s12 =	sshrl.u32 s25, $0x1  }
0xa: {  	s26 =	sshrl.u32 s11, $0x2;
	s8 =	sadd.s32 s8, s5;
	s6 =	sadd.s32 s6, s9  }
0xb: {  	s9 =	ssub.s32 s25, s12;
	s11 =	sadd.s32 s26, s2;
	s28 =	sadd.s32 s13, s7  }
0xc: {  	s13 =	simm.s32 $0x80;
	s6 =	sshrl.u32 s6, $0x3;
	s30 =	sshrl.u32 s28, $0x3  }
0xd: {  	s31 =	sor.u32 $0x100, s28;
	s9 =	smax.u32 s9, $0x1;
	s11 =	sshrl.u32 s11, $0x3  }
0xe: {  	s14 =	sadd.s32 s6, s5;
	s5 =	sadd.s32 $0xF1800, s8;
	s6 =	sor.u32 $0x1C02, s29  }
0xf: {  	s7 =	sadd.s32 s10, s30;
	s12 =	sshrl.u32 s31, $0x3;
	s8 =	sadd.s32 $0x7CC00, s14  }
0x10: {  	s10 =	sadd.s32 s12, s10;
	s12 =	simm.s32 $0x2;
	s14 =	simm.s32 $0x100  }
.LBB2_1:
0x11: {  	[spmem:s11], [sflag:s6] =	dma.local [hbm:s5], $0x2780  }
0x12: {  	_ =	swait.ge [sflag:s12], $0x2780  }
0x13: {  	[sflag:s12] =	ssyncset.done $0x0  }
0x14: {  	[sflag:s12] =	ssyncadd.s32 $0xFFFFD880  }
0x15: {  	[tilespmem:s3], [sflag:$0x2] =	stream.linear.gather [hbm4b:s7+s3], $0x100, $0x38;
	[tilespmem:$0x17D00] =	vst v63  }
0x16: {  	_ =	swait.ge [sflag:s12], $0x100  }
0x17: {  	[sflag:s12] =	ssyncset.done $0x0  }
0x18: {  	[sflag:s12] =	ssyncadd.s32 $0xFFFFFF00  }
0x19: {  	[tilespmem:s14], [sflag:$0x1] =	stream.indirect.gather [hbm4b:s4+s13], $0x80, s3, s13, $0xb8;
	[tilespmem:$0x17D00] =	vst v63  }
0x1a: {  	[bflag:$0x0] =	sbarrier.arrive $0xFFFF  }
0x1b: {  	_ =	swait.ge [sflag:s15], $0x4000  }
0x1c: {  	[sflag:s15] =	ssyncset.done $0x0  }
0x1d: {  	[sflag:s15] =	ssyncadd.s32 $0xFFFFC000  }
0x1e: {  	[spmem:s2] =	stream.indirect.scatter.add.f32 [tilespmem:s14], [sflag:$0x2], $0x80, s13, s13, $0xb8;
	[tilespmem:$0x17D00] =	vst v63  }
0x1f: {  	_ =	swait.ge [sflag:s12], $0x4000  }
0x20: {  	[sflag:s12] =	ssyncset.done $0x0  }
0x21: {  	s17 =	sadd.s32 $0x0, s10;
	[sflag:s12] =	ssyncadd.s32 $0xFFFFC000  }
0x22: {  	[tilespmem:s3], [sflag:$0x2] =	stream.linear.gather [hbm4b:s17+s3], $0x100, $0x38;
	[tilespmem:$0x17D00] =	vst v63  }
0x23: {  	_ =	swait.ge [sflag:s12], $0x100  }
0x24: {  	[sflag:s12] =	ssyncset.done $0x0  }
0x25: {  	s17 =	simm.s32 $0x20;
	[sflag:s12] =	ssyncadd.s32 $0xFFFFFF00  }
.LBB2_2:
0x26: {  	[tilespmem:s14], [sflag:$0x1] =	stream.indirect.gather [hbm4b:s4+s13], $0x80, s3, s13, $0xb8;
	[tilespmem:$0x17D00] =	vst v63  }
0x27: {  	s18 =	smov.u32 s17  }
0x28: {  	p0 =	sne.s32 s17, $0x1380;
	s17 =	sadd.s32 $0x20, s17;
	_ =	swait.ge [sflag:s15], $0x4000  }
0x29: {  	[sflag:s15] =	ssyncset.done $0x0  }
0x2a: {  	[sflag:s15] =	ssyncadd.s32 $0xFFFFC000  }
0x2b: {  	[spmem:s2] =	stream.indirect.scatter.add.f32 [tilespmem:s14], [sflag:$0x2], $0x80, s13, s13, $0xb8;
	[tilespmem:$0x17D00] =	vst v63  }
0x2c: {  	_ =	swait.ge [sflag:s12], $0x4000  }
0x2d: {  	[sflag:s12] =	ssyncset.done $0x0  }
.Ltmp0:
0x2e: {  	s18 =	sadd.s32 s18, s10;
	[sflag:s12] =	ssyncadd.s32 $0xFFFFC000;
	(pc) =	sbr.rel @p0 .LBB2_2-.Ltmp0, $4  }
0x2f: {  	[tilespmem:s3], [sflag:$0x2] =	stream.linear.gather [hbm4b:s18+s3], $0x100, $0x38;
	[tilespmem:$0x17D00] =	vst v63  }
0x30: {  	_ =	swait.ge [sflag:s12], $0x100  }
0x31: {  	[sflag:s12] =	ssyncset.done $0x0  }
0x32: {  	[sflag:s12] =	ssyncadd.s32 $0xFFFFFF00  }
0x33: {  	[tilespmem:s14], [sflag:$0x1] =	stream.indirect.gather [hbm4b:s4+s13], $0x80, s3, s13, $0xb8;
	[tilespmem:$0x17D00] =	vst v63  }
0x34: {  	_ =	swait.ge [sflag:s15], $0x4000  }
0x35: {  	s16 =	sadd.s32 $0x1, s16;
	[sflag:s15] =	ssyncset.done $0x0  }
0x36: {  	p0 =	sne.s32 s16, s9;
	[sflag:s15] =	ssyncadd.s32 $0xFFFFC000  }
.Ltmp1:
0x37: {  	[bflag:$0x0] =	sbarrier.arrive $0xFFFF;
	(pc) =	sbr.rel @p0 .LBB2_1-.Ltmp1, $4  }
0x38: {  	[hbm:s8], [sflag:s6] =	dma.local [spmem:s11], $0x2780  }
0x39: {  	_ =	swait.ge [sflag:s12], $0x2780  }
0x3a: {  	[sflag:s12] =	ssyncset.done $0x0  }
0x3b: {  	[sflag:s12] =	ssyncadd.s32 $0xFFFFD880  }
0x3c: {  	_ =	sfence.sel $0x180000  }
0x3d: {  	[bflag:$0x0] =	sbarrier.arrive $0xFFFF  }
0x3e: {  	p0 =	sne.s32 s1, $0x0;
	_ =	strace $0x90000050  }
0x3f: {  	s0 =	sadd.s32 @!p0 $0x100000, s0;
	[bflag:$0x2] =	sbarrier.arrive $0xFFFF  }
0x40: {  	[sflag:s0] =	ssyncadd.tile.s32 @!p0 $0x1;
	_ =	shalt  }
.Lfunc_end2:
_tile_overlayer_lowered:
.L_overlay_start_2:
0x41: {  	(tag) =	ssettag $0x2  }
0x42: {  	s0 =	rddreg [dreg:$0x0];
	s2 =	stileid.u32  }
0x43: {  	s1 =	rddreg [dreg:$0x1];
	p0 =	sne.s32 s2, $0x0  }
0x44: {  	s3 =	rddreg [dreg:$0x2];
	[bflag:$0x3] =	sbarrier.arrive $0xFFFF;
	s2 =	simm.s32 @!p0 $0x1C02  }
0x45: {  	[timem:s3], [sflag:s2] =	dma.local @!p0 [hbm:s0], s1  }
0x46: {  	s0 =	simm.s32 @!p0 $0x2  }
0x47: {  	_ =	swait.ge @!p0 [sflag:s0], s1  }
0x48: {  	s1 =	ssub.s32 @!p0 $0x0, s1;
	[sflag:s0] =	ssyncset.done @!p0 $0x0  }
0x49: {  	[sflag:s0] =	ssyncadd.s32 @!p0 s1  }
0x4a: {  	[bflag:$0x3] =	sbarrier.arrive $0xFFFF  }
0x4b: {  	_ =	shalt  }

// kernel: kernel.26.cloned.1.call-start
scs
__scs_entry_jumppad:
0x0: {  	(pc) =	sbr.rel $0x88, $3  }
0x1: {  	(tag) =	ssettag $0x0;
	lr =	simm.s32 $0x1  }
0x2: {  	[smem:$0x3F95] =	sst lr;
	_ =	strace $0xD0000000  }
0x3: {  	_ = 	snop  }
0x4: {  	_ = 	snop  }
0x5: {  	_ = 	snop  }
0x6: {  	_ = 	snop  }
0x7: {  	_ = 	snop  }
__scs_overlays_trampoline_lowered:
0x8: {  	[smem:$0x3FA4] =	sst s0  }
0x9: {  	[smem:$0x3FA5] =	sst s1  }
0xa: {  	[smem:$0x3FA6] =	sst s2  }
0xb: {  	[smem:$0x3FA7] =	sst s3  }
0xc: {  	[smem:$0x3FA8] =	sst s4  }
0xd: {  	[smem:$0x3FA9] =	sst s5  }
0xe: {  	[smem:$0x3FAA] =	sst s6  }
0xf: {  	[smem:$0x3FAB] =	sst s7  }
0x10: {  	[smem:$0x3FAC] =	sst s8  }
0x11: {  	[smem:$0x3FAD] =	sst s9;
	s0 =	simm.s32 @!p0 $0x0  }
0x12: {  	s1 =	sld [smem:$0x3F93];
	s0 =	simm.s32 @p0 $0x1  }
0x13: {  	[smem:$0x3FAE] =	sst s0;
	s0 =	simm.s32 @!p1 $0x0  }
0x14: {  	s2 =	sld [smem:$0x3F92];
	s0 =	simm.s32 @p1 $0x1  }
0x15: {  	[smem:$0x3FAF] =	sst s0;
	s0 =	simm.s32 @!p2 $0x0  }
0x16: {  	s3 =	sld [smem:$0x3FDB];
	s0 =	simm.s32 @p2 $0x1  }
0x17: {  	s4 =	simm.s32 $0x1BF5;
	[smem:$0x3FB1] =	sst s0  }
0x18: {  	s0 =	sld [smem:$0x3F94];
	_ =	swait.ge [sflag:s4], $0x0  }
0x19: {  	s7 =	sld [smem:$0x3F95]  }
0x1a: {  	s8 =	sadd.s32 $0xFFFFE003, lr  }
0x1b: {  	s9 =	sadd.s32 $0xFFFFFEF7, lr;
	s5 =	simm.s32 $0xFFFFFFFF;
	p2 =	slt.u32 s8, $0xFFFFF086  }
0x1c: {  	p1 =	slt.u32 s9, $0xF7A;
	s5 =	simm.s32 @!p2 $0x0  }
0x1d: {  	s5 =	simm.s32 @p1 $0x1;
	p0 =	seq.s32 s7, s2  }
0x1e: {  	s7 =	smul.u32 @!p0 $0xF7A, s2;
	p2 =	seq.s32 @!p0 s5, $0x0  }
0x1f: {  	s9 =	smul.u32 $0xF7A, s1;
	s8 =	simm.s32 @!p0 $0x1BF5;
	p2 =	por !p2, p0  }
0x20: {  	[sflag:s8] =	ssyncset.s32 @!p0 $0xFFFFF086;
	s6 =	sadd.s32 @!p0 s3, s7;
	s7 =	simm.s32 @!p0 $0x108  }
0x21: {  	s3 =	sadd.s32 s3, s9;
	s6 =	sadd.s32 @!p0 $0x88, s6;
	s7 =	simm.s32 @p2 $0x1082  }
0x22: {  	[simem:s7], [sflag:s8] =	dma.local @!p0 [hbm:s6], $0xF7A  }
0x23: {  	s9 =	sor.u32 $0xD0000000, s2;
	s6 =	simm.s32 $0x108;
	_ =	swait.ge @!p0 [sflag:s8], $0x0  }
0x24: {  	s3 =	sadd.s32 $0x88, s3;
	s6 =	simm.s32 @!p1 $0x1082;
	[sflag:s4] =	ssyncset.s32 $0xFFFFF086  }
0x25: {  	[simem:s6], [sflag:s4] =	dma.local [hbm:s3], $0xF7A  }
0x26: {  	[smem:$0x3F95] =	sst s1;
	(tag) =	ssettag s2;
	_ =	strace s9  }
0x27: {  	s1 =	sld [smem:$0x3FA5]  }
0x28: {  	s2 =	sld [smem:$0x3FA6]  }
0x29: {  	s4 =	sld [smem:$0x3FA8]  }
0x2a: {  	p0 =	seq.s32 s5, $0x0;
	s5 =	sld [smem:$0x3FA9]  }
0x2b: {  	s6 =	sld [smem:$0x3FAA]  }
0x2c: {  	s7 =	sld [smem:$0x3FAB]  }
0x2d: {  	s3 =	simm.s32 $0x108;
	s8 =	sld [smem:$0x3FAC]  }
0x2e: {  	s3 =	simm.s32 @!p0 $0x1082;
	s9 =	sld [smem:$0x3FAD]  }
0x2f: {  	lr =	sadd.s32 s0, s3;
	s0 =	sld [smem:$0x3FA4]  }
0x30: {  	s3 =	sld [smem:$0x3FA7]  }
0x31: {  	[smem:$0x3FB0] =	sst s10  }
0x32: {  	s10 =	sld [smem:$0x3FAE];
	_ =	sdelay $0x3  }
0x33: {  	p0 =	seq.s32 s10, $0x1;
	s10 =	sld [smem:$0x3FB0];
	_ =	sdelay $0x3  }
0x34: {  	[smem:$0x3FB0] =	sst s10  }
0x35: {  	s10 =	sld [smem:$0x3FAF];
	_ =	sdelay $0x3  }
0x36: {  	p1 =	seq.s32 s10, $0x1;
	s10 =	sld [smem:$0x3FB0];
	_ =	sdelay $0x3  }
0x37: {  	[smem:$0x3FB0] =	sst s10  }
0x38: {  	s10 =	sld [smem:$0x3FB1]  }
0x39: {  	_ = 	snop;
	(pc) =	sbr.ind lr, $3  }
0x3a: {  	_ = 	snop  }
0x3b: {  	_ = 	snop  }
0x3c: {  	p2 =	seq.s32 s10, $0x1;
	s10 =	sld [smem:$0x3FB0]  }
0x3d: {  	_ =	shalt  }
0x3e: {  	_ =	shalt  }
0x3f: {  	_ =	shalt  }
0x40: {  	_ =	shalt  }
0x41: {  	_ =	shalt  }
0x42: {  	_ =	shalt  }
0x43: {  	_ =	shalt  }
0x44: {  	_ =	shalt  }
0x45: {  	_ =	shalt  }
0x46: {  	_ =	shalt  }
0x47: {  	_ =	shalt  }
0x48: {  	_ =	shalt  }
0x49: {  	_ =	shalt  }
0x4a: {  	_ =	shalt  }
0x4b: {  	_ =	shalt  }
0x4c: {  	_ =	shalt  }
0x4d: {  	_ =	shalt  }
0x4e: {  	_ =	shalt  }
0x4f: {  	_ =	shalt  }
0x50: {  	_ =	shalt  }
0x51: {  	_ =	shalt  }
0x52: {  	_ =	shalt  }
0x53: {  	_ =	shalt  }
0x54: {  	_ =	shalt  }
0x55: {  	_ =	shalt  }
0x56: {  	_ =	shalt  }
0x57: {  	_ =	shalt  }
0x58: {  	_ =	shalt  }
0x59: {  	_ =	shalt  }
0x5a: {  	_ =	shalt  }
0x5b: {  	_ =	shalt  }
0x5c: {  	_ =	shalt  }
0x5d: {  	_ =	shalt  }
0x5e: {  	_ =	shalt  }
0x5f: {  	_ =	shalt  }
0x60: {  	_ =	shalt  }
0x61: {  	_ =	shalt  }
0x62: {  	_ =	shalt  }
0x63: {  	_ =	shalt  }
0x64: {  	_ =	shalt  }
0x65: {  	_ =	shalt  }
0x66: {  	_ =	shalt  }
0x67: {  	_ =	shalt  }
0x68: {  	_ =	shalt  }
0x69: {  	_ =	shalt  }
0x6a: {  	_ =	shalt  }
0x6b: {  	_ =	shalt  }
0x6c: {  	_ =	shalt  }
0x6d: {  	_ =	shalt  }
0x6e: {  	_ =	shalt  }
0x6f: {  	_ =	shalt  }
0x70: {  	_ =	shalt  }
0x71: {  	_ =	shalt  }
0x72: {  	_ =	shalt  }
0x73: {  	_ =	shalt  }
0x74: {  	_ =	shalt  }
0x75: {  	_ =	shalt  }
0x76: {  	_ =	shalt  }
0x77: {  	_ =	shalt  }
0x78: {  	_ =	shalt  }
0x79: {  	_ =	shalt  }
0x7a: {  	_ =	shalt  }
0x7b: {  	_ =	shalt  }
0x7c: {  	_ =	shalt  }
0x7d: {  	_ =	shalt  }
0x7e: {  	_ =	shalt  }
0x7f: {  	_ =	shalt  }
0x80: {  	_ =	shalt  }
0x81: {  	_ =	shalt  }
0x82: {  	_ =	shalt  }
0x83: {  	_ =	shalt  }
0x84: {  	_ =	shalt  }
0x85: {  	_ =	shalt  }
0x86: {  	_ =	shalt  }
0x87: {  	_ =	shalt  }
.Lfunc_end0:
.L_simem_size_0:
called_computation.4_lowered:
.L_overlay_start_0:
0x88: {  	s2 =	sld [smem:$0x3FD9]  }
0x89: {  	s3 =	sld [smem:$0x3FFE];
	_ =	sdelay $0x1  }
0x8a: {  	s1 =	srdreg.scid  }
0x8b: {  	s0 =	sand.u32 $0x1, s1  }
0x8c: {  	s16 =	sshll.u32 s0, $0xA;
	s2 =	sadd.s32 s3, s2  }
0x8d: {  	s2 =	sadd.s32 s2, s16  }
0x8e: {  	[smem:$0x3FBC] =	sst s2  }
0x8f: {  	_ = 	snop  }
0x90: {  	(tm) =	ssettm $0x1  }
0x91: {  	s17 =	sld [smem:$0x3FFB];
	_ =	sdelay $0x3  }
0x92: {  	_ =	strace s17  }
0x93: {  	s2 =	sld [smem:$0x3FFC];
	_ =	sdelay $0x3  }
0x94: {  	_ =	strace s2  }
0x95: {  	s2 =	sld [smem:$0x3FFD];
	_ =	sdelay $0x3  }
0x96: {  	_ =	strace s2  }
0x97: {  	_ =	strace $0x8FFFFFFF  }
0x98: {  	s18 =	sld [smem:$0x3FDB];
	_ =	sdelay $0x1  }
0x99: {  	s19 =	simm.s32 $_scs_section_size  }
0x9a: {  	s4 =	simm.s32 $_size__tile_overlayer_lowered;
	s5 =	simm.s32 $_tile_overlayer_lowered  }
0x9b: {  	s22 =	simm.s32 $0x1BFF;
	s21 =	sshll.u32 s5, $0x1;
	s2 =	sadd.s32 s19, s18  }
0x9c: {  	s6 =	simm.s32 $0x0;
	s20 =	sshll.u32 s4, $0x1;
	s4 =	sadd.s32 s21, s2  }
0x9d: {  	[timem:s6], [sflag:s22] =	dma.local [hbm:s4], s20  }
0x9e: {  	_ =	swait.ge [sflag:s22], s20  }
0x9f: {  	s3 =	ssub.s32 $0x0, s20;
	[sflag:s22] =	ssyncset.done $0x0  }
0xa0: {  	[sflag:s22] =	ssyncadd.s32 s3;
	_ =	sdelay $0x1  }
0xa1: {  	s23 =	simm.s32 $0x1B8B  }
0xa2: {  	_ =	swait.ge [sflag:s23], $0x1  }
0xa3: {  	[sflag:s23] =	ssyncset.done $0x0  }
0xa4: {  	s25 =	simm.s32 $0x1B8E;
	s24 =	sld [smem:$0x3FFE];
	[sflag:s23] =	ssyncadd.s32 $0xFFFFFFFF  }
0xa5: {  	s26 =	simm.s32 $execute0_lowered;
	[smem:$0x3FD2] =	sst s25  }
0xa6: {  	s4 =	sshll.u32 s26, $0x1;
	_ =	strace $0x80000052;
	[dreg:$0x1] =	wrdreg $0xFFFFFFFF  }
0xa7: {  	s28 =	simm.s32 $_size_execute0_lowered;
	s2 =	sadd.s32 s2, s4;
	[dreg:$0x0] =	wrdreg $0x0  }
0xa8: {  	s4 =	sshll.u32 s28, $0x1;
	[dreg:$0x2] =	wrdreg s2  }
0xa9: {  	[dreg:$0x3] =	wrdreg s4  }
0xaa: {  	[dreg:$0x4] =	wrdreg $0xC0  }
0xab: {  	_ =	task [dreg:s6], $0x5FFFF  }
0xac: {  	[dreg:$0x1] =	wrdreg $0xFFFFFFFF  }
0xad: {  	[dreg:$0x0] =	wrdreg $0x60  }
0xae: {  	[dreg:$0x2] =	wrdreg s24  }
0xaf: {  	[dreg:$0x3] =	wrdreg $0x41000  }
0xb0: {  	[dreg:$0x4] =	wrdreg $0x9  }
0xb1: {  	_ =	task.clear_ibuf [dreg:s6], $0x5FFFF;
	_ =	strace $0x90000052  }
0xb2: {  	s29 =	simm.s32 $0x9;
	_ =	strace $0x80000054  }
0xb3: {  	_ =	swait.ge [sflag:s29], $0x1  }
0xb4: {  	[sflag:s29] =	ssyncadd.s32 $0xFFFFFFFF  }
0xb5: {  	_ =	strace $0x90000054  }
0xb6: {  	_ =	sfence  }
0xb7: {  	s30 =	sld [smem:$0x0];
	_ =	sdelay $0x2  }
0xb8: {  	s31 =	sshll.u32 s1, $0xD;
	s1 =	sshrl.u32 s1, $0x2  }
0xb9: {  	s3 =	sand.u32 $0x4000, s31;
	s1 =	sadd.s32 s1, s30  }
0xba: {  	s0 =	sor.u32 s3, s0;
	s1 =	sshll.u32 s1, $0x11  }
0xbb: {  	s0 =	sor.u32 s1, s0  }
0xbc: {  	s0 =	sadd.s32 $0x8F2B, s0  }
0xbd: {  	[sflag:s0] =	ssyncadd.remote.s32 $0x1  }
0xbe: {  	_ =	sfence.sel $0xFFFF  }
0xbf: {  	[dreg:$0x0] =	wrdreg $0xFFFFFFFF;
	(pc) =	sbr.abs _section_cstart, $3  }
0xc0: {  	[dreg:$0x1] =	wrdreg $0xFFFFFFFF  }
0xc1: {  	_ =	task.clear_ibuf [dreg:s6], $0x2FFFF;
	_ =	strace $0x9FFFFFFF  }
0xc2: {  	(tm) =	ssettm $0x7FFFFFFF  }
0xc3: {  	_ =	shalt  }
tec
execute0_lowered:
.L_overlay_start_1:
0x0: {  	(tag) =	ssettag $0x1  }
0x1: {  	s5 =	rddreg [dreg:$0x0]  }
0x2: {  	s2 =	rddreg [dreg:$0x1]  }
0x3: {  	s0 =	rddreg [dreg:$0x2];
	s3 =	simm.s32 $0x0  }
0x4: {  	s1 =	stileid.u32;
	s4 =	srdreg.scid;
	s15 =	simm.s32 $0x1  }
0x5: {  	s16 =	simm.s32 $0x0;
	[smem:$0x7FF] =	sst s3;
	s6 =	smul.u32 $0x13C00, s1  }
0x6: {  	s7 =	sand.u32 $0x1, s4;
	s4 =	sadd.s32 $0x119000, s5;
	s11 =	smul.u32 $0x4F000, s1  }
0x7: {  	s10 =	sadd.s32 $0x7200, s5;
	s13 =	smul.u32 $0x9E00, s1;
	s29 =	sshll.u32 s1, $0x6  }
0x8: {  	_ =	strace $0x80000053;
	s9 =	smul.u32 $0x13C000, s7;
	s25 =	ssub.s32 $0x2, s7  }
0x9: {  	s7 =	smul.u32 $0x9E000, s7;
	s8 =	sshrl.u32 s6, $0x3;
	s12 =	sshrl.u32 s25, $0x1  }
0xa: {  	s26 =	sshrl.u32 s11, $0x2;
	s8 =	sadd.s32 s8, s5;
	s6 =	sadd.s32 s6, s9  }
0xb: {  	s9 =	ssub.s32 s25, s12;
	s11 =	sadd.s32 s26, s2;
	s28 =	sadd.s32 s13, s7  }
0xc: {  	s13 =	simm.s32 $0x80;
	s6 =	sshrl.u32 s6, $0x3;
	s30 =	sshrl.u32 s28, $0x3  }
0xd: {  	s31 =	sor.u32 $0x100, s28;
	s9 =	smax.u32 s9, $0x1;
	s11 =	sshrl.u32 s11, $0x3  }
0xe: {  	s14 =	sadd.s32 s6, s5;
	s5 =	sadd.s32 $0xF1800, s8;
	s6 =	sor.u32 $0x1C02, s29  }
0xf: {  	s7 =	sadd.s32 s10, s30;
	s12 =	sshrl.u32 s31, $0x3;
	s8 =	sadd.s32 $0x7CC00, s14  }
0x10: {  	s10 =	sadd.s32 s12, s10;
	s12 =	simm.s32 $0x2;
	s14 =	simm.s32 $0x100  }
.LBB2_1:
0x11: {  	[spmem:s11], [sflag:s6] =	dma.local [hbm:s5], $0x2780  }
0x12: {  	_ =	swait.ge [sflag:s12], $0x2780  }
0x13: {  	[sflag:s12] =	ssyncset.done $0x0  }
0x14: {  	[sflag:s12] =	ssyncadd.s32 $0xFFFFD880  }
0x15: {  	[tilespmem:s3], [sflag:$0x2] =	stream.linear.gather [hbm4b:s7+s3], $0x100, $0x38;
	[tilespmem:$0x17D00] =	vst v63  }
0x16: {  	_ =	swait.ge [sflag:s12], $0x100  }
0x17: {  	[sflag:s12] =	ssyncset.done $0x0  }
0x18: {  	[sflag:s12] =	ssyncadd.s32 $0xFFFFFF00  }
0x19: {  	[tilespmem:s14], [sflag:$0x1] =	stream.indirect.gather [hbm4b:s4+s13], $0x80, s3, s13, $0xb8;
	[tilespmem:$0x17D00] =	vst v63  }
0x1a: {  	[bflag:$0x0] =	sbarrier.arrive $0xFFFF  }
0x1b: {  	_ =	swait.ge [sflag:s15], $0x4000  }
0x1c: {  	[sflag:s15] =	ssyncset.done $0x0  }
0x1d: {  	[sflag:s15] =	ssyncadd.s32 $0xFFFFC000  }
0x1e: {  	[spmem:s2] =	stream.indirect.scatter.add.f32 [tilespmem:s14], [sflag:$0x2], $0x80, s13, s13, $0xb8;
	[tilespmem:$0x17D00] =	vst v63  }
0x1f: {  	_ =	swait.ge [sflag:s12], $0x4000  }
0x20: {  	[sflag:s12] =	ssyncset.done $0x0  }
0x21: {  	s17 =	sadd.s32 $0x0, s10;
	[sflag:s12] =	ssyncadd.s32 $0xFFFFC000  }
0x22: {  	[tilespmem:s3], [sflag:$0x2] =	stream.linear.gather [hbm4b:s17+s3], $0x100, $0x38;
	[tilespmem:$0x17D00] =	vst v63  }
0x23: {  	_ =	swait.ge [sflag:s12], $0x100  }
0x24: {  	[sflag:s12] =	ssyncset.done $0x0  }
0x25: {  	s17 =	simm.s32 $0x20;
	[sflag:s12] =	ssyncadd.s32 $0xFFFFFF00  }
.LBB2_2:
0x26: {  	[tilespmem:s14], [sflag:$0x1] =	stream.indirect.gather [hbm4b:s4+s13], $0x80, s3, s13, $0xb8;
	[tilespmem:$0x17D00] =	vst v63  }
0x27: {  	s18 =	smov.u32 s17  }
0x28: {  	p0 =	sne.s32 s17, $0x1380;
	s17 =	sadd.s32 $0x20, s17;
	_ =	swait.ge [sflag:s15], $0x4000  }
0x29: {  	[sflag:s15] =	ssyncset.done $0x0  }
0x2a: {  	[sflag:s15] =	ssyncadd.s32 $0xFFFFC000  }
0x2b: {  	[spmem:s2] =	stream.indirect.scatter.add.f32 [tilespmem:s14], [sflag:$0x2], $0x80, s13, s13, $0xb8;
	[tilespmem:$0x17D00] =	vst v63  }
0x2c: {  	_ =	swait.ge [sflag:s12], $0x4000  }
0x2d: {  	[sflag:s12] =	ssyncset.done $0x0  }
.Ltmp0:
0x2e: {  	s18 =	sadd.s32 s18, s10;
	[sflag:s12] =	ssyncadd.s32 $0xFFFFC000;
	(pc) =	sbr.rel @p0 .LBB2_2-.Ltmp0, $4  }
0x2f: {  	[tilespmem:s3], [sflag:$0x2] =	stream.linear.gather [hbm4b:s18+s3], $0x100, $0x38;
	[tilespmem:$0x17D00] =	vst v63  }
0x30: {  	_ =	swait.ge [sflag:s12], $0x100  }
0x31: {  	[sflag:s12] =	ssyncset.done $0x0  }
0x32: {  	[sflag:s12] =	ssyncadd.s32 $0xFFFFFF00  }
0x33: {  	[tilespmem:s14], [sflag:$0x1] =	stream.indirect.gather [hbm4b:s4+s13], $0x80, s3, s13, $0xb8;
	[tilespmem:$0x17D00] =	vst v63  }
0x34: {  	_ =	swait.ge [sflag:s15], $0x4000  }
0x35: {  	s16 =	sadd.s32 $0x1, s16;
	[sflag:s15] =	ssyncset.done $0x0  }
0x36: {  	p0 =	sne.s32 s16, s9;
	[sflag:s15] =	ssyncadd.s32 $0xFFFFC000  }
.Ltmp1:
0x37: {  	[bflag:$0x0] =	sbarrier.arrive $0xFFFF;
	(pc) =	sbr.rel @p0 .LBB2_1-.Ltmp1, $4  }
0x38: {  	[hbm:s8], [sflag:s6] =	dma.local [spmem:s11], $0x2780  }
0x39: {  	_ =	swait.ge [sflag:s12], $0x2780  }
0x3a: {  	[sflag:s12] =	ssyncset.done $0x0  }
0x3b: {  	[sflag:s12] =	ssyncadd.s32 $0xFFFFD880  }
0x3c: {  	_ =	sfence.sel $0x180000  }
0x3d: {  	[bflag:$0x0] =	sbarrier.arrive $0xFFFF  }
0x3e: {  	p0 =	sne.s32 s1, $0x0;
	_ =	strace $0x90000053  }
0x3f: {  	s0 =	sadd.s32 @!p0 $0x100000, s0;
	[bflag:$0x2] =	sbarrier.arrive $0xFFFF  }
0x40: {  	[sflag:s0] =	ssyncadd.tile.s32 @!p0 $0x1;
	_ =	shalt  }
.Lfunc_end2:
_tile_overlayer_lowered:
.L_overlay_start_2:
0x41: {  	(tag) =	ssettag $0x2  }
0x42: {  	s0 =	rddreg [dreg:$0x0];
	s2 =	stileid.u32  }
0x43: {  	s1 =	rddreg [dreg:$0x1];
	p0 =	sne.s32 s2, $0x0  }
0x44: {  	s3 =	rddreg [dreg:$0x2];
	[bflag:$0x3] =	sbarrier.arrive $0xFFFF;
	s2 =	simm.s32 @!p0 $0x1C02  }
0x45: {  	[timem:s3], [sflag:s2] =	dma.local @!p0 [hbm:s0], s1  }
0x46: {  	s0 =	simm.s32 @!p0 $0x2  }
0x47: {  	_ =	swait.ge @!p0 [sflag:s0], s1  }
0x48: {  	s1 =	ssub.s32 @!p0 $0x0, s1;
	[sflag:s0] =	ssyncset.done @!p0 $0x0  }
0x49: {  	[sflag:s0] =	ssyncadd.s32 @!p0 s1  }
0x4a: {  	[bflag:$0x3] =	sbarrier.arrive $0xFFFF  }
0x4b: {  	_ =	shalt  }

</sc_bundles>
